<compile_context>
chip_gen: v7x
topology: tpu7x:2x2x1
jax: 0.10.2.dev20260603
libtpu: 0.0.44.dev20260713+nightly
codegen_flags: <defaults>
</compile_context>

<pallas_src>
import functools
import math

import jax
import jax.numpy as jnp
from jax import lax
from jax.experimental import pallas as pl
from jax.experimental.pallas import tpu as pltpu
from jax.experimental.pallas import tpu_sc as plsc

_B = 4096
_L = 64
_K = 256
_LANES = 128
_NTILES = 32

_SC_ROWS = 512
_BPT = 32
_NBG = _SC_ROWS // _BPT
_LH = _L // 2
_TC_ROWS = _B - _SC_ROWS

_C = -0.5 * math.log(2.0 * math.pi)
_NEG = -3.0e38



def _sc_body(zt_hbm, mt_hbm, lvt_hbm, lw_hbm, mx_hbm, s_hbm,
             z_v, m_t, a_t, p_t, lw_v, mx_v, s_v, t_v):
    bg = lax.axis_index("s")
    lh = lax.axis_index("c")
    wid = bg * 2 + lh
    l0 = lh * _LH
    pltpu.sync_copy(zt_hbm.at[bg], z_v)
    pltpu.sync_copy(mt_hbm, m_t)
    pltpu.sync_copy(lvt_hbm, p_t)
    pltpu.sync_copy(lw_hbm, lw_v)

    nkc = _K // 16

    def prep(ll, carry):
        l = l0 + ll
        for kc in range(nkc):
            sl = pl.ds(16 * kc, 16)
            lw = lw_v[sl]
            lv = p_t[l, sl]
            a_t[l, sl] = (_C + lw) - 0.5 * lv
            p_t[l, sl] = 0.5 * jnp.exp(-lv)
        return carry

    lax.fori_loop(0, _LH, prep, 0)

    nj = _BPT // 16

    def lbody(ll, carry):
        l = l0 + ll
        zv = tuple(z_v[l, pl.ds(16 * j, 16)] for j in range(nj))

        def p1(kc, mxs):
            sl = pl.ds(16 * kc, 16)
            mv = m_t[l, sl]
            av = a_t[l, sl]
            pv = p_t[l, sl]
            mxs = list(mxs)
            for ic in range(4):
                for j in range(nj):
                    ts = []
                    for i in range(4 * ic, 4 * ic + 4):
                        m, a, p = mv[i], av[i], pv[i]
                        d = zv[j] - m
                        t = a - p * d * d
                        t_v[16 * kc + i, pl.ds(16 * j, 16)] = t
                        ts.append(t)
                    t01 = jnp.maximum(ts[0], ts[1])
                    t23 = jnp.maximum(ts[2], ts[3])
                    mxs[j] = jnp.maximum(mxs[j], jnp.maximum(t01, t23))
            return tuple(mxs)

        mxs = lax.fori_loop(
            0, nkc, p1,
            tuple(jnp.full((16,), _NEG, jnp.float32) for _ in range(nj)))

        def p2(kc, ss):
            ss = list(ss)
            for ic in range(4):
                for j in range(nj):
                    es = []
                    for i in range(4 * ic, 4 * ic + 4):
                        t = t_v[16 * kc + i, pl.ds(16 * j, 16)]
                        es.append(jnp.exp(t - mxs[j]))
                    ss[j] = ss[j] + ((es[0] + es[1]) + (es[2] + es[3]))
            return tuple(ss)

        ss = lax.fori_loop(
            0, nkc, p2, tuple(jnp.zeros((16,), jnp.float32) for _ in range(nj)),
            unroll=2)

        for j in range(nj):
            mx_v[ll, pl.ds(16 * j, 16)] = mxs[j]
            s_v[ll, pl.ds(16 * j, 16)] = ss[j]
        return carry

    lax.fori_loop(0, _LH, lbody, 0)
    pltpu.sync_copy(mx_v, mx_hbm.at[wid])
    pltpu.sync_copy(s_v, s_hbm.at[wid])


_sc_mog = functools.partial(
    pl.kernel,
    mesh=plsc.VectorSubcoreMesh(core_axis_name="c", subcore_axis_name="s"),
    out_type=[
        jax.ShapeDtypeStruct((_NTILES, _LH, _BPT), jnp.float32),
        jax.ShapeDtypeStruct((_NTILES, _LH, _BPT), jnp.float32),
    ],
    scratch_types=[
        pltpu.VMEM((_L, _BPT), jnp.float32),
        pltpu.VMEM((_L, _K), jnp.float32),
        pltpu.VMEM((_L, _K), jnp.float32),
        pltpu.VMEM((_L, _K), jnp.float32),
        pltpu.VMEM((_K,), jnp.float32),
        pltpu.VMEM((_LH, _BPT), jnp.float32),
        pltpu.VMEM((_LH, _BPT), jnp.float32),
        pltpu.VMEM((_K, _BPT), jnp.float32),
    ],
)(_sc_body)



_NB = _TC_ROWS
_TC_GRID = _TC_ROWS // _NB


def _tc_body(zt_ref, mt_ref, lvt_ref, lw_ref, o_ref, A_ref, B_ref, C_ref):
    mt = mt_ref[...]
    lvt = lvt_ref[...]
    lw = lw_ref[...]
    wmax = jnp.max(lw)
    lse_w = wmax + jnp.log(jnp.sum(jnp.exp(lw - wmax)))
    p = 0.5 * jnp.exp(-lvt)
    a = (_C + lw) - 0.5 * lvt
    A_ref[...] = a - p * mt * mt
    B_ref[...] = (2.0 * p) * mt
    C_ref[...] = -p

    def lstep(l, carry):
        zrow = zt_ref[pl.ds(l, 1), pl.ds(_SC_ROWS, _NB)]
        zsq = zrow * zrow
        ones = jnp.ones_like(zrow)
        zf = jnp.concatenate([ones, zrow, zsq], axis=0)
        wl = jnp.concatenate([A_ref[pl.ds(l, 1), :],
                              B_ref[pl.ds(l, 1), :],
                              C_ref[pl.ds(l, 1), :]], axis=0)
        t = lax.dot_general(wl, zf, (((0,), (0,)), ((), ())),
                            preferred_element_type=jnp.float32)
        mx = jnp.max(t, axis=0, keepdims=True)
        s = jnp.sum(jnp.exp(t - mx), axis=0, keepdims=True)
        o_ref[pl.ds(l, 1), :] = (mx - lse_w) + jnp.log(s)
        return carry

    lax.fori_loop(0, _L, lstep, 0, unroll=2)


def _tc_main(zt, mt, lvt, lwr):
    return pl.pallas_call(
        _tc_body,
        grid=(_TC_GRID,),
        in_specs=[
            pl.BlockSpec((_L, _B), lambda i: (0, 0)),
            pl.BlockSpec((_L, _K), lambda i: (0, 0)),
            pl.BlockSpec((_L, _K), lambda i: (0, 0)),
            pl.BlockSpec((1, _K), lambda i: (0, 0)),
        ],
        out_specs=pl.BlockSpec((_L, _NB), lambda i: (0, i)),
        out_shape=jax.ShapeDtypeStruct((_L, _TC_ROWS), jnp.float32),
        scratch_shapes=[
            pltpu.VMEM((_L, _K), jnp.float32),
            pltpu.VMEM((_L, _K), jnp.float32),
            pltpu.VMEM((_L, _K), jnp.float32),
        ],
    )(zt, mt, lvt, lwr)


def _fin_body(mx_ref, s_ref, w_ref, o_ref):
    lw = w_ref[...]
    wmax = jnp.max(lw)
    lse_w = wmax + jnp.log(jnp.sum(jnp.exp(lw - wmax)))
    o_ref[...] = (mx_ref[...] - lse_w) + jnp.log(s_ref[...])


def _finish(mx2, s2, wr):
    return pl.pallas_call(
        _fin_body,
        out_shape=jax.ShapeDtypeStruct(mx2.shape, jnp.float32),
    )(mx2, s2, wr)



@jax.jit
def kernel(z, means, logvars, w):
    ws = w.reshape(_K)

    zt = z.T
    mt = means.T
    lvt = logvars.T

    zt3 = z[:_SC_ROWS].reshape(_NBG, _BPT, _L).transpose(0, 2, 1)
    mx3, s3 = _sc_mog(zt3, mt, lvt, ws)

    out_tc = _tc_main(zt, mt, lvt, ws.reshape(1, _K)).T

    out_sc = (_finish(mx3.reshape(-1, _LANES), s3.reshape(-1, _LANES),
                      ws.reshape(1, _K))
              .reshape(_NBG, 2, _LH, _BPT)
              .transpose(0, 3, 1, 2)
              .reshape(_SC_ROWS, _L))
    return jnp.concatenate([out_sc, out_tc], axis=0)

# --- scband reference (transcript-rebuilt; emitter-appended) ---
"""Pipeline reference for scband-mogprior-62337155334696 (READ-ONLY COPY).

The authoritative reference and input builder live on the scoring server;
editing this copy changes nothing except your own understanding.
"""

import jax, jax.numpy as jnp
import numpy as np

B = 4096
L = 64
K = 256

def setup_inputs(seed: int = 0) -> dict:
    key = jax.random.key(seed)
    k1, k2, k3 = jax.random.split(key, 3)
    z = jax.random.normal(k1, (B, L), dtype=jnp.float32)
    means = jax.random.normal(k2, (K, L), dtype=jnp.float32)
    logvars = jax.random.normal(k3, (K, L), dtype=jnp.float32)
    w = jnp.zeros((K, 1, 1), dtype=jnp.float32)
    return {"z": z, "means": means, "logvars": logvars, "w": w}

def reference(z, means, logvars, w):
    # MOGPrior.log_prob: mixture-of-Gaussians log density per latent dim
    w_soft = jax.nn.softmax(w, axis=0)            # [K,1,1]
    zb = z[None, :, :]                            # [1,B,L]
    mb = means[:, None, :]                        # [K,1,L]
    lvb = logvars[:, None, :]                     # [K,1,L]
    # log_normal_diag (no reduction): elementwise diagonal Gaussian log-density
    log_n = -0.5 * jnp.log(2.0 * jnp.pi) - 0.5 * lvb - 0.5 * jnp.exp(-lvb) * (zb - mb) ** 2
    log_p = log_n + jnp.log(w_soft)               # [K,B,L]
    log_prob = jax.nn.logsumexp(log_p, axis=0)    # [B,L]
    return log_prob

if __name__ == "__main__":
    import jax
    _d = setup_inputs()
    print(jax.jit(kernel)(*tuple(_d.values())))

</pallas_src>

<mosaic_0001>
#map = affine_map<(d0, d1) -> (0, 0, 0)>
#map1 = affine_map<(d0, d1) -> (0, 0)>
#map2 = affine_map<(d0, d1) -> (0)>
module attributes {stable_mosaic.version = 14 : i64} {
  func.func @_sc_body(%arg0: i32, %arg1: i32, %arg2: memref<16x64x32xf32, #tpu.memory_space<hbm>>, %arg3: memref<64x256xf32, #tpu.memory_space<hbm>>, %arg4: memref<64x256xf32, #tpu.memory_space<hbm>>, %arg5: memref<256xf32, #tpu.memory_space<hbm>>, %arg6: memref<32x32x32xf32, #tpu.memory_space<hbm>>, %arg7: memref<32x32x32xf32, #tpu.memory_space<hbm>>, %arg8: memref<64x32xf32, #tpu.memory_space<vmem>>, %arg9: memref<64x256xf32, #tpu.memory_space<vmem>>, %arg10: memref<64x256xf32, #tpu.memory_space<vmem>>, %arg11: memref<64x256xf32, #tpu.memory_space<vmem>>, %arg12: memref<256xf32, #tpu.memory_space<vmem>>, %arg13: memref<32x32xf32, #tpu.memory_space<vmem>>, %arg14: memref<32x32xf32, #tpu.memory_space<vmem>>, %arg15: memref<256x32xf32, #tpu.memory_space<vmem>>) attributes {dimension_semantics = [#tpu.dimension_semantics<core_parallel>, #tpu.dimension_semantics<subcore_parallel>], iteration_bounds = array<i64: 2, 16>, scalar_prefetch = 0 : i64, scratch_operands = 8 : i64, tpu.core_type = #tpu.core_type<sc_vector_subcore>, window_params = [{transform_indices = #map}, {transform_indices = #map1}, {transform_indices = #map1}, {transform_indices = #map2}, {transform_indices = #map}, {transform_indices = #map}]} {
    %mul3A = arith.constant 2 : i32
    %mul3A_0 = arith.muli %arg1, %mul3A : i32
    %add3A = arith.addi %mul3A_0, %arg0 : i32
    %mul3A_1 = arith.constant 32 : i32
    %mul3A_2 = arith.muli %arg0, %mul3A_1 : i32
    "tpu.region"() ({
      %run_scoped3A = tpu.sem_alloc : memref<!tpu.dma_semaphore, #tpu.memory_space<semaphore_mem>>
      %dma_start3A = arith.constant 0 : i32
      %dma_start3A_14 = arith.constant 0 : i32
      %dma_start3A_15 = tpu.memref_slice %arg2[%arg1, %dma_start3A, %dma_start3A_14] : memref<16x64x32xf32, #tpu.memory_space<hbm>> -> memref<1x64x32xf32, #tpu.memory_space<hbm>>
      %dma_start3A_16 = tpu.memref_squeeze %dma_start3A_15 : memref<1x64x32xf32, #tpu.memory_space<hbm>> -> memref<64x32xf32, #tpu.memory_space<hbm>>
      %dma_start3A_17 = arith.constant 0 : i32
      %dma_start3A_18 = arith.constant 0 : i32
      %dma_start3A_19 = tpu.memref_slice %arg2[%arg1, %dma_start3A_17, %dma_start3A_18] : memref<16x64x32xf32, #tpu.memory_space<hbm>> -> memref<1x64x32xf32, #tpu.memory_space<hbm>>
      %dma_start3A_20 = tpu.memref_squeeze %dma_start3A_19 : memref<1x64x32xf32, #tpu.memory_space<hbm>> -> memref<64x32xf32, #tpu.memory_space<hbm>>
      tpu.enqueue_dma source(%dma_start3A_20 : memref<64x32xf32, #tpu.memory_space<hbm>>) target(%arg8 : memref<64x32xf32, #tpu.memory_space<vmem>>) target_semaphore(%run_scoped3A : memref<!tpu.dma_semaphore, #tpu.memory_space<semaphore_mem>>)
      %dma_wait3A = arith.constant 0 : i32
      %dma_wait3A_21 = arith.constant 0 : i32
      %dma_wait3A_22 = tpu.memref_slice %arg2[%arg1, %dma_wait3A, %dma_wait3A_21] : memref<16x64x32xf32, #tpu.memory_space<hbm>> -> memref<1x64x32xf32, #tpu.memory_space<hbm>>
      %dma_wait3A_23 = tpu.memref_squeeze %dma_wait3A_22 : memref<1x64x32xf32, #tpu.memory_space<hbm>> -> memref<64x32xf32, #tpu.memory_space<hbm>>
      %dma_wait3A_24 = arith.constant 0 : i32
      %dma_wait3A_25 = arith.constant 0 : i32
      %dma_wait3A_26 = tpu.memref_slice %arg2[%arg1, %dma_wait3A_24, %dma_wait3A_25] : memref<16x64x32xf32, #tpu.memory_space<hbm>> -> memref<1x64x32xf32, #tpu.memory_space<hbm>>
      %dma_wait3A_27 = tpu.memref_squeeze %dma_wait3A_26 : memref<1x64x32xf32, #tpu.memory_space<hbm>> -> memref<64x32xf32, #tpu.memory_space<hbm>>
      tpu.wait_dma2 semaphore(%run_scoped3A : memref<!tpu.dma_semaphore, #tpu.memory_space<semaphore_mem>>) src(%dma_wait3A_27 : memref<64x32xf32, #tpu.memory_space<hbm>>) dst(%arg8 : memref<64x32xf32, #tpu.memory_space<vmem>>)
      tpu.yield
    }) : () -> ()
    "tpu.region"() ({
      %run_scoped3A = tpu.sem_alloc : memref<!tpu.dma_semaphore, #tpu.memory_space<semaphore_mem>>
      tpu.enqueue_dma source(%arg3 : memref<64x256xf32, #tpu.memory_space<hbm>>) target(%arg9 : memref<64x256xf32, #tpu.memory_space<vmem>>) target_semaphore(%run_scoped3A : memref<!tpu.dma_semaphore, #tpu.memory_space<semaphore_mem>>)
      tpu.wait_dma2 semaphore(%run_scoped3A : memref<!tpu.dma_semaphore, #tpu.memory_space<semaphore_mem>>) src(%arg3 : memref<64x256xf32, #tpu.memory_space<hbm>>) dst(%arg9 : memref<64x256xf32, #tpu.memory_space<vmem>>)
      tpu.yield
    }) : () -> ()
    "tpu.region"() ({
      %run_scoped3A = tpu.sem_alloc : memref<!tpu.dma_semaphore, #tpu.memory_space<semaphore_mem>>
      tpu.enqueue_dma source(%arg4 : memref<64x256xf32, #tpu.memory_space<hbm>>) target(%arg11 : memref<64x256xf32, #tpu.memory_space<vmem>>) target_semaphore(%run_scoped3A : memref<!tpu.dma_semaphore, #tpu.memory_space<semaphore_mem>>)
      tpu.wait_dma2 semaphore(%run_scoped3A : memref<!tpu.dma_semaphore, #tpu.memory_space<semaphore_mem>>) src(%arg4 : memref<64x256xf32, #tpu.memory_space<hbm>>) dst(%arg11 : memref<64x256xf32, #tpu.memory_space<vmem>>)
      tpu.yield
    }) : () -> ()
    "tpu.region"() ({
      %run_scoped3A = tpu.sem_alloc : memref<!tpu.dma_semaphore, #tpu.memory_space<semaphore_mem>>
      tpu.enqueue_dma source(%arg5 : memref<256xf32, #tpu.memory_space<hbm>>) target(%arg12 : memref<256xf32, #tpu.memory_space<vmem>>) target_semaphore(%run_scoped3A : memref<!tpu.dma_semaphore, #tpu.memory_space<semaphore_mem>>)
      tpu.wait_dma2 semaphore(%run_scoped3A : memref<!tpu.dma_semaphore, #tpu.memory_space<semaphore_mem>>) src(%arg5 : memref<256xf32, #tpu.memory_space<hbm>>) dst(%arg12 : memref<256xf32, #tpu.memory_space<vmem>>)
      tpu.yield
    }) : () -> ()
    %scan3A = arith.constant 0 : i32
    %scan3A_3 = arith.constant 0 : i32
    %scan3A_4 = arith.constant 32 : i32
    %scan3A_5 = arith.addi %scan3A_3, %scan3A_4 : i32
    %scan3A_6 = arith.constant 1 : i32
    scf.for %scan3A_14 = %scan3A_3 to %scan3A_5 step %scan3A_6  : i32 {
      %add3A_15 = arith.addi %mul3A_2, %scan3A_14 : i32
      %get3A = arith.constant 0 : index
      %get3A_16 = tpu.vector_load %arg12[%get3A] {strides = array<i32>} : memref<256xf32, #tpu.memory_space<vmem>>, vector<16xf32>,
      %get3A_17 = vector.shape_cast %get3A_16 : vector<16xf32> to vector<16xf32>
      %get3A_18 = arith.index_cast %add3A_15 : i32 to index
      %get3A_19 = arith.constant 0 : index
      %get3A_20 = tpu.vector_load %arg11[%get3A_18, %get3A_19] {strides = array<i32>} : memref<64x256xf32, #tpu.memory_space<vmem>>, vector<1x16xf32>,
      %get3A_21 = vector.shape_cast %get3A_20 : vector<1x16xf32> to vector<16xf32>
      %add3A_22 = arith.constant -0.918938517 : f32
      %add3A_23 = vector.broadcast %add3A_22 : f32 to vector<16xf32>
      %add3A_24 = arith.addf %add3A_23, %get3A_17 : vector<16xf32>
      %mul3A_25 = arith.constant 5.000000e-01 : f32
      %mul3A_26 = vector.broadcast %mul3A_25 : f32 to vector<16xf32>
      %mul3A_27 = arith.mulf %mul3A_26, %get3A_21 : vector<16xf32>
      %sub3A = arith.subf %add3A_24, %mul3A_27 : vector<16xf32>
      %swap3A = arith.index_cast %add3A_15 : i32 to index
      %swap3A_28 = arith.constant 0 : index
      %swap3A_29 = tpu.vector_load %arg10[%swap3A, %swap3A_28] {strides = array<i32>} : memref<64x256xf32, #tpu.memory_space<vmem>>, vector<1x16xf32>,
      %swap3A_30 = vector.shape_cast %swap3A_29 : vector<1x16xf32> to vector<16xf32>
      %swap3A_31 = vector.shape_cast %sub3A : vector<16xf32> to vector<1x16xf32>
      tpu.vector_store %arg10[%swap3A, %swap3A_28], %swap3A_31 {strides = array<i32>} : memref<64x256xf32, #tpu.memory_space<vmem>>, vector<1x16xf32>,
      %neg3A = arith.constant 0.000000e+00 : f32
      %neg3A_32 = vector.broadcast %neg3A : f32 to vector<16xf32>
      %neg3A_33 = arith.subf %neg3A_32, %get3A_21 : vector<16xf32>
      %exp3A = math.exp %neg3A_33 : vector<16xf32>
      %mul3A_34 = arith.constant 5.000000e-01 : f32
      %mul3A_35 = vector.broadcast %mul3A_34 : f32 to vector<16xf32>
      %mul3A_36 = arith.mulf %mul3A_35, %exp3A : vector<16xf32>
      %swap3A_37 = arith.index_cast %add3A_15 : i32 to index
      %swap3A_38 = arith.constant 0 : index
      %swap3A_39 = tpu.vector_load %arg11[%swap3A_37, %swap3A_38] {strides = array<i32>} : memref<64x256xf32, #tpu.memory_space<vmem>>, vector<1x16xf32>,
      %swap3A_40 = vector.shape_cast %swap3A_39 : vector<1x16xf32> to vector<16xf32>
      %swap3A_41 = vector.shape_cast %mul3A_36 : vector<16xf32> to vector<1x16xf32>
      tpu.vector_store %arg11[%swap3A_37, %swap3A_38], %swap3A_41 {strides = array<i32>} : memref<64x256xf32, #tpu.memory_space<vmem>>, vector<1x16xf32>,
      %get3A_42 = arith.constant 16 : index
      %get3A_43 = tpu.vector_load %arg12[%get3A_42] {strides = array<i32>} : memref<256xf32, #tpu.memory_space<vmem>>, vector<16xf32>,
      %get3A_44 = vector.shape_cast %get3A_43 : vector<16xf32> to vector<16xf32>
      %get3A_45 = arith.index_cast %add3A_15 : i32 to index
      %get3A_46 = arith.constant 16 : index
      %get3A_47 = tpu.vector_load %arg11[%get3A_45, %get3A_46] {strides = array<i32>} : memref<64x256xf32, #tpu.memory_space<vmem>>, vector<1x16xf32>,
      %get3A_48 = vector.shape_cast %get3A_47 : vector<1x16xf32> to vector<16xf32>
      %add3A_49 = arith.constant -0.918938517 : f32
      %add3A_50 = vector.broadcast %add3A_49 : f32 to vector<16xf32>
      %add3A_51 = arith.addf %add3A_50, %get3A_44 : vector<16xf32>
      %mul3A_52 = arith.constant 5.000000e-01 : f32
      %mul3A_53 = vector.broadcast %mul3A_52 : f32 to vector<16xf32>
      %mul3A_54 = arith.mulf %mul3A_53, %get3A_48 : vector<16xf32>
      %sub3A_55 = arith.subf %add3A_51, %mul3A_54 : vector<16xf32>
      %swap3A_56 = arith.index_cast %add3A_15 : i32 to index
      %swap3A_57 = arith.constant 16 : index
      %swap3A_58 = tpu.vector_load %arg10[%swap3A_56, %swap3A_57] {strides = array<i32>} : memref<64x256xf32, #tpu.memory_space<vmem>>, vector<1x16xf32>,
      %swap3A_59 = vector.shape_cast %swap3A_58 : vector<1x16xf32> to vector<16xf32>
      %swap3A_60 = vector.shape_cast %sub3A_55 : vector<16xf32> to vector<1x16xf32>
      tpu.vector_store %arg10[%swap3A_56, %swap3A_57], %swap3A_60 {strides = array<i32>} : memref<64x256xf32, #tpu.memory_space<vmem>>, vector<1x16xf32>,
      %neg3A_61 = arith.constant 0.000000e+00 : f32
      %neg3A_62 = vector.broadcast %neg3A_61 : f32 to vector<16xf32>
      %neg3A_63 = arith.subf %neg3A_62, %get3A_48 : vector<16xf32>
      %exp3A_64 = math.exp %neg3A_63 : vector<16xf32>
      %mul3A_65 = arith.constant 5.000000e-01 : f32
      %mul3A_66 = vector.broadcast %mul3A_65 : f32 to vector<16xf32>
      %mul3A_67 = arith.mulf %mul3A_66, %exp3A_64 : vector<16xf32>
      %swap3A_68 = arith.index_cast %add3A_15 : i32 to index
      %swap3A_69 = arith.constant 16 : index
      %swap3A_70 = tpu.vector_load %arg11[%swap3A_68, %swap3A_69] {strides = array<i32>} : memref<64x256xf32, #tpu.memory_space<vmem>>, vector<1x16xf32>,
      %swap3A_71 = vector.shape_cast %swap3A_70 : vector<1x16xf32> to vector<16xf32>
      %swap3A_72 = vector.shape_cast %mul3A_67 : vector<16xf32> to vector<1x16xf32>
      tpu.vector_store %arg11[%swap3A_68, %swap3A_69], %swap3A_72 {strides = array<i32>} : memref<64x256xf32, #tpu.memory_space<vmem>>, vector<1x16xf32>,
      %get3A_73 = arith.constant 32 : index
      %get3A_74 = tpu.vector_load %arg12[%get3A_73] {strides = array<i32>} : memref<256xf32, #tpu.memory_space<vmem>>, vector<16xf32>,
      %get3A_75 = vector.shape_cast %get3A_74 : vector<16xf32> to vector<16xf32>
      %get3A_76 = arith.index_cast %add3A_15 : i32 to index
      %get3A_77 = arith.constant 32 : index
      %get3A_78 = tpu.vector_load %arg11[%get3A_76, %get3A_77] {strides = array<i32>} : memref<64x256xf32, #tpu.memory_space<vmem>>, vector<1x16xf32>,
      %get3A_79 = vector.shape_cast %get3A_78 : vector<1x16xf32> to vector<16xf32>
      %add3A_80 = arith.constant -0.918938517 : f32
      %add3A_81 = vector.broadcast %add3A_80 : f32 to vector<16xf32>
      %add3A_82 = arith.addf %add3A_81, %get3A_75 : vector<16xf32>
      %mul3A_83 = arith.constant 5.000000e-01 : f32
      %mul3A_84 = vector.broadcast %mul3A_83 : f32 to vector<16xf32>
      %mul3A_85 = arith.mulf %mul3A_84, %get3A_79 : vector<16xf32>
      %sub3A_86 = arith.subf %add3A_82, %mul3A_85 : vector<16xf32>
      %swap3A_87 = arith.index_cast %add3A_15 : i32 to index
      %swap3A_88 = arith.constant 32 : index
      %swap3A_89 = tpu.vector_load %arg10[%swap3A_87, %swap3A_88] {strides = array<i32>} : memref<64x256xf32, #tpu.memory_space<vmem>>, vector<1x16xf32>,
      %swap3A_90 = vector.shape_cast %swap3A_89 : vector<1x16xf32> to vector<16xf32>
      %swap3A_91 = vector.shape_cast %sub3A_86 : vector<16xf32> to vector<1x16xf32>
      tpu.vector_store %arg10[%swap3A_87, %swap3A_88], %swap3A_91 {strides = array<i32>} : memref<64x256xf32, #tpu.memory_space<vmem>>, vector<1x16xf32>,
      %neg3A_92 = arith.constant 0.000000e+00 : f32
      %neg3A_93 = vector.broadcast %neg3A_92 : f32 to vector<16xf32>
      %neg3A_94 = arith.subf %neg3A_93, %get3A_79 : vector<16xf32>
      %exp3A_95 = math.exp %neg3A_94 : vector<16xf32>
      %mul3A_96 = arith.constant 5.000000e-01 : f32
      %mul3A_97 = vector.broadcast %mul3A_96 : f32 to vector<16xf32>
      %mul3A_98 = arith.mulf %mul3A_97, %exp3A_95 : vector<16xf32>
      %swap3A_99 = arith.index_cast %add3A_15 : i32 to index
      %swap3A_100 = arith.constant 32 : index
      %swap3A_101 = tpu.vector_load %arg11[%swap3A_99, %swap3A_100] {strides = array<i32>} : memref<64x256xf32, #tpu.memory_space<vmem>>, vector<1x16xf32>,
      %swap3A_102 = vector.shape_cast %swap3A_101 : vector<1x16xf32> to vector<16xf32>
      %swap3A_103 = vector.shape_cast %mul3A_98 : vector<16xf32> to vector<1x16xf32>
      tpu.vector_store %arg11[%swap3A_99, %swap3A_100], %swap3A_103 {strides = array<i32>} : memref<64x256xf32, #tpu.memory_space<vmem>>, vector<1x16xf32>,
      %get3A_104 = arith.constant 48 : index
      %get3A_105 = tpu.vector_load %arg12[%get3A_104] {strides = array<i32>} : memref<256xf32, #tpu.memory_space<vmem>>, vector<16xf32>,
      %get3A_106 = vector.shape_cast %get3A_105 : vector<16xf32> to vector<16xf32>
      %get3A_107 = arith.index_cast %add3A_15 : i32 to index
      %get3A_108 = arith.constant 48 : index
      %get3A_109 = tpu.vector_load %arg11[%get3A_107, %get3A_108] {strides = array<i32>} : memref<64x256xf32, #tpu.memory_space<vmem>>, vector<1x16xf32>,
      %get3A_110 = vector.shape_cast %get3A_109 : vector<1x16xf32> to vector<16xf32>
      %add3A_111 = arith.constant -0.918938517 : f32
      %add3A_112 = vector.broadcast %add3A_111 : f32 to vector<16xf32>
      %add3A_113 = arith.addf %add3A_112, %get3A_106 : vector<16xf32>
      %mul3A_114 = arith.constant 5.000000e-01 : f32
      %mul3A_115 = vector.broadcast %mul3A_114 : f32 to vector<16xf32>
      %mul3A_116 = arith.mulf %mul3A_115, %get3A_110 : vector<16xf32>
      %sub3A_117 = arith.subf %add3A_113, %mul3A_116 : vector<16xf32>
      %swap3A_118 = arith.index_cast %add3A_15 : i32 to index
      %swap3A_119 = arith.constant 48 : index
      %swap3A_120 = tpu.vector_load %arg10[%swap3A_118, %swap3A_119] {strides = array<i32>} : memref<64x256xf32, #tpu.memory_space<vmem>>, vector<1x16xf32>,
      %swap3A_121 = vector.shape_cast %swap3A_120 : vector<1x16xf32> to vector<16xf32>
      %swap3A_122 = vector.shape_cast %sub3A_117 : vector<16xf32> to vector<1x16xf32>
      tpu.vector_store %arg10[%swap3A_118, %swap3A_119], %swap3A_122 {strides = array<i32>} : memref<64x256xf32, #tpu.memory_space<vmem>>, vector<1x16xf32>,
      %neg3A_123 = arith.constant 0.000000e+00 : f32
      %neg3A_124 = vector.broadcast %neg3A_123 : f32 to vector<16xf32>
      %neg3A_125 = arith.subf %neg3A_124, %get3A_110 : vector<16xf32>
      %exp3A_126 = math.exp %neg3A_125 : vector<16xf32>
      %mul3A_127 = arith.constant 5.000000e-01 : f32
      %mul3A_128 = vector.broadcast %mul3A_127 : f32 to vector<16xf32>
      %mul3A_129 = arith.mulf %mul3A_128, %exp3A_126 : vector<16xf32>
      %swap3A_130 = arith.index_cast %add3A_15 : i32 to index
      %swap3A_131 = arith.constant 48 : index
      %swap3A_132 = tpu.vector_load %arg11[%swap3A_130, %swap3A_131] {strides = array<i32>} : memref<64x256xf32, #tpu.memory_space<vmem>>, vector<1x16xf32>,
      %swap3A_133 = vector.shape_cast %swap3A_132 : vector<1x16xf32> to vector<16xf32>
      %swap3A_134 = vector.shape_cast %mul3A_129 : vector<16xf32> to vector<1x16xf32>
      tpu.vector_store %arg11[%swap3A_130, %swap3A_131], %swap3A_134 {strides = array<i32>} : memref<64x256xf32, #tpu.memory_space<vmem>>, vector<1x16xf32>,
      %get3A_135 = arith.constant 64 : index
      %get3A_136 = tpu.vector_load %arg12[%get3A_135] {strides = array<i32>} : memref<256xf32, #tpu.memory_space<vmem>>, vector<16xf32>,
      %get3A_137 = vector.shape_cast %get3A_136 : vector<16xf32> to vector<16xf32>
      %get3A_138 = arith.index_cast %add3A_15 : i32 to index
      %get3A_139 = arith.constant 64 : index
      %get3A_140 = tpu.vector_load %arg11[%get3A_138, %get3A_139] {strides = array<i32>} : memref<64x256xf32, #tpu.memory_space<vmem>>, vector<1x16xf32>,
      %get3A_141 = vector.shape_cast %get3A_140 : vector<1x16xf32> to vector<16xf32>
      %add3A_142 = arith.constant -0.918938517 : f32
      %add3A_143 = vector.broadcast %add3A_142 : f32 to vector<16xf32>
      %add3A_144 = arith.addf %add3A_143, %get3A_137 : vector<16xf32>
      %mul3A_145 = arith.constant 5.000000e-01 : f32
      %mul3A_146 = vector.broadcast %mul3A_145 : f32 to vector<16xf32>
      %mul3A_147 = arith.mulf %mul3A_146, %get3A_141 : vector<16xf32>
      %sub3A_148 = arith.subf %add3A_144, %mul3A_147 : vector<16xf32>
      %swap3A_149 = arith.index_cast %add3A_15 : i32 to index
      %swap3A_150 = arith.constant 64 : index
      %swap3A_151 = tpu.vector_load %arg10[%swap3A_149, %swap3A_150] {strides = array<i32>} : memref<64x256xf32, #tpu.memory_space<vmem>>, vector<1x16xf32>,
      %swap3A_152 = vector.shape_cast %swap3A_151 : vector<1x16xf32> to vector<16xf32>
      %swap3A_153 = vector.shape_cast %sub3A_148 : vector<16xf32> to vector<1x16xf32>
      tpu.vector_store %arg10[%swap3A_149, %swap3A_150], %swap3A_153 {strides = array<i32>} : memref<64x256xf32, #tpu.memory_space<vmem>>, vector<1x16xf32>,
      %neg3A_154 = arith.constant 0.000000e+00 : f32
      %neg3A_155 = vector.broadcast %neg3A_154 : f32 to vector<16xf32>
      %neg3A_156 = arith.subf %neg3A_155, %get3A_141 : vector<16xf32>
      %exp3A_157 = math.exp %neg3A_156 : vector<16xf32>
      %mul3A_158 = arith.constant 5.000000e-01 : f32
      %mul3A_159 = vector.broadcast %mul3A_158 : f32 to vector<16xf32>
      %mul3A_160 = arith.mulf %mul3A_159, %exp3A_157 : vector<16xf32>
      %swap3A_161 = arith.index_cast %add3A_15 : i32 to index
      %swap3A_162 = arith.constant 64 : index
      %swap3A_163 = tpu.vector_load %arg11[%swap3A_161, %swap3A_162] {strides = array<i32>} : memref<64x256xf32, #tpu.memory_space<vmem>>, vector<1x16xf32>,
      %swap3A_164 = vector.shape_cast %swap3A_163 : vector<1x16xf32> to vector<16xf32>
      %swap3A_165 = vector.shape_cast %mul3A_160 : vector<16xf32> to vector<1x16xf32>
      tpu.vector_store %arg11[%swap3A_161, %swap3A_162], %swap3A_165 {strides = array<i32>} : memref<64x256xf32, #tpu.memory_space<vmem>>, vector<1x16xf32>,
      %get3A_166 = arith.constant 80 : index
      %get3A_167 = tpu.vector_load %arg12[%get3A_166] {strides = array<i32>} : memref<256xf32, #tpu.memory_space<vmem>>, vector<16xf32>,
      %get3A_168 = vector.shape_cast %get3A_167 : vector<16xf32> to vector<16xf32>
      %get3A_169 = arith.index_cast %add3A_15 : i32 to index
      %get3A_170 = arith.constant 80 : index
      %get3A_171 = tpu.vector_load %arg11[%get3A_169, %get3A_170] {strides = array<i32>} : memref<64x256xf32, #tpu.memory_space<vmem>>, vector<1x16xf32>,
      %get3A_172 = vector.shape_cast %get3A_171 : vector<1x16xf32> to vector<16xf32>
      %add3A_173 = arith.constant -0.918938517 : f32
      %add3A_174 = vector.broadcast %add3A_173 : f32 to vector<16xf32>
      %add3A_175 = arith.addf %add3A_174, %get3A_168 : vector<16xf32>
      %mul3A_176 = arith.constant 5.000000e-01 : f32
      %mul3A_177 = vector.broadcast %mul3A_176 : f32 to vector<16xf32>
      %mul3A_178 = arith.mulf %mul3A_177, %get3A_172 : vector<16xf32>
      %sub3A_179 = arith.subf %add3A_175, %mul3A_178 : vector<16xf32>
      %swap3A_180 = arith.index_cast %add3A_15 : i32 to index
      %swap3A_181 = arith.constant 80 : index
      %swap3A_182 = tpu.vector_load %arg10[%swap3A_180, %swap3A_181] {strides = array<i32>} : memref<64x256xf32, #tpu.memory_space<vmem>>, vector<1x16xf32>,
      %swap3A_183 = vector.shape_cast %swap3A_182 : vector<1x16xf32> to vector<16xf32>
      %swap3A_184 = vector.shape_cast %sub3A_179 : vector<16xf32> to vector<1x16xf32>
      tpu.vector_store %arg10[%swap3A_180, %swap3A_181], %swap3A_184 {strides = array<i32>} : memref<64x256xf32, #tpu.memory_space<vmem>>, vector<1x16xf32>,
      %neg3A_185 = arith.constant 0.000000e+00 : f32
      %neg3A_186 = vector.broadcast %neg3A_185 : f32 to vector<16xf32>
      %neg3A_187 = arith.subf %neg3A_186, %get3A_172 : vector<16xf32>
      %exp3A_188 = math.exp %neg3A_187 : vector<16xf32>
      %mul3A_189 = arith.constant 5.000000e-01 : f32
      %mul3A_190 = vector.broadcast %mul3A_189 : f32 to vector<16xf32>
      %mul3A_191 = arith.mulf %mul3A_190, %exp3A_188 : vector<16xf32>
      %swap3A_192 = arith.index_cast %add3A_15 : i32 to index
      %swap3A_193 = arith.constant 80 : index
      %swap3A_194 = tpu.vector_load %arg11[%swap3A_192, %swap3A_193] {strides = array<i32>} : memref<64x256xf32, #tpu.memory_space<vmem>>, vector<1x16xf32>,
      %swap3A_195 = vector.shape_cast %swap3A_194 : vector<1x16xf32> to vector<16xf32>
      %swap3A_196 = vector.shape_cast %mul3A_191 : vector<16xf32> to vector<1x16xf32>
      tpu.vector_store %arg11[%swap3A_192, %swap3A_193], %swap3A_196 {strides = array<i32>} : memref<64x256xf32, #tpu.memory_space<vmem>>, vector<1x16xf32>,
      %get3A_197 = arith.constant 96 : index
      %get3A_198 = tpu.vector_load %arg12[%get3A_197] {strides = array<i32>} : memref<256xf32, #tpu.memory_space<vmem>>, vector<16xf32>,
      %get3A_199 = vector.shape_cast %get3A_198 : vector<16xf32> to vector<16xf32>
      %get3A_200 = arith.index_cast %add3A_15 : i32 to index
      %get3A_201 = arith.constant 96 : index
      %get3A_202 = tpu.vector_load %arg11[%get3A_200, %get3A_201] {strides = array<i32>} : memref<64x256xf32, #tpu.memory_space<vmem>>, vector<1x16xf32>,
      %get3A_203 = vector.shape_cast %get3A_202 : vector<1x16xf32> to vector<16xf32>
      %add3A_204 = arith.constant -0.918938517 : f32
      %add3A_205 = vector.broadcast %add3A_204 : f32 to vector<16xf32>
      %add3A_206 = arith.addf %add3A_205, %get3A_199 : vector<16xf32>
      %mul3A_207 = arith.constant 5.000000e-01 : f32
      %mul3A_208 = vector.broadcast %mul3A_207 : f32 to vector<16xf32>
      %mul3A_209 = arith.mulf %mul3A_208, %get3A_203 : vector<16xf32>
      %sub3A_210 = arith.subf %add3A_206, %mul3A_209 : vector<16xf32>
      %swap3A_211 = arith.index_cast %add3A_15 : i32 to index
      %swap3A_212 = arith.constant 96 : index
      %swap3A_213 = tpu.vector_load %arg10[%swap3A_211, %swap3A_212] {strides = array<i32>} : memref<64x256xf32, #tpu.memory_space<vmem>>, vector<1x16xf32>,
      %swap3A_214 = vector.shape_cast %swap3A_213 : vector<1x16xf32> to vector<16xf32>
      %swap3A_215 = vector.shape_cast %sub3A_210 : vector<16xf32> to vector<1x16xf32>
      tpu.vector_store %arg10[%swap3A_211, %swap3A_212], %swap3A_215 {strides = array<i32>} : memref<64x256xf32, #tpu.memory_space<vmem>>, vector<1x16xf32>,
      %neg3A_216 = arith.constant 0.000000e+00 : f32
      %neg3A_217 = vector.broadcast %neg3A_216 : f32 to vector<16xf32>
      %neg3A_218 = arith.subf %neg3A_217, %get3A_203 : vector<16xf32>
      %exp3A_219 = math.exp %neg3A_218 : vector<16xf32>
      %mul3A_220 = arith.constant 5.000000e-01 : f32
      %mul3A_221 = vector.broadcast %mul3A_220 : f32 to vector<16xf32>
      %mul3A_222 = arith.mulf %mul3A_221, %exp3A_219 : vector<16xf32>
      %swap3A_223 = arith.index_cast %add3A_15 : i32 to index
      %swap3A_224 = arith.constant 96 : index
      %swap3A_225 = tpu.vector_load %arg11[%swap3A_223, %swap3A_224] {strides = array<i32>} : memref<64x256xf32, #tpu.memory_space<vmem>>, vector<1x16xf32>,
      %swap3A_226 = vector.shape_cast %swap3A_225 : vector<1x16xf32> to vector<16xf32>
      %swap3A_227 = vector.shape_cast %mul3A_222 : vector<16xf32> to vector<1x16xf32>
      tpu.vector_store %arg11[%swap3A_223, %swap3A_224], %swap3A_227 {strides = array<i32>} : memref<64x256xf32, #tpu.memory_space<vmem>>, vector<1x16xf32>,
      %get3A_228 = arith.constant 112 : index
      %get3A_229 = tpu.vector_load %arg12[%get3A_228] {strides = array<i32>} : memref<256xf32, #tpu.memory_space<vmem>>, vector<16xf32>,
      %get3A_230 = vector.shape_cast %get3A_229 : vector<16xf32> to vector<16xf32>
      %get3A_231 = arith.index_cast %add3A_15 : i32 to index
      %get3A_232 = arith.constant 112 : index
      %get3A_233 = tpu.vector_load %arg11[%get3A_231, %get3A_232] {strides = array<i32>} : memref<64x256xf32, #tpu.memory_space<vmem>>, vector<1x16xf32>,
      %get3A_234 = vector.shape_cast %get3A_233 : vector<1x16xf32> to vector<16xf32>
      %add3A_235 = arith.constant -0.918938517 : f32
      %add3A_236 = vector.broadcast %add3A_235 : f32 to vector<16xf32>
      %add3A_237 = arith.addf %add3A_236, %get3A_230 : vector<16xf32>
      %mul3A_238 = arith.constant 5.000000e-01 : f32
      %mul3A_239 = vector.broadcast %mul3A_238 : f32 to vector<16xf32>
      %mul3A_240 = arith.mulf %mul3A_239, %get3A_234 : vector<16xf32>
      %sub3A_241 = arith.subf %add3A_237, %mul3A_240 : vector<16xf32>
      %swap3A_242 = arith.index_cast %add3A_15 : i32 to index
      %swap3A_243 = arith.constant 112 : index
      %swap3A_244 = tpu.vector_load %arg10[%swap3A_242, %swap3A_243] {strides = array<i32>} : memref<64x256xf32, #tpu.memory_space<vmem>>, vector<1x16xf32>,
      %swap3A_245 = vector.shape_cast %swap3A_244 : vector<1x16xf32> to vector<16xf32>
      %swap3A_246 = vector.shape_cast %sub3A_241 : vector<16xf32> to vector<1x16xf32>
      tpu.vector_store %arg10[%swap3A_242, %swap3A_243], %swap3A_246 {strides = array<i32>} : memref<64x256xf32, #tpu.memory_space<vmem>>, vector<1x16xf32>,
      %neg3A_247 = arith.constant 0.000000e+00 : f32
      %neg3A_248 = vector.broadcast %neg3A_247 : f32 to vector<16xf32>
      %neg3A_249 = arith.subf %neg3A_248, %get3A_234 : vector<16xf32>
      %exp3A_250 = math.exp %neg3A_249 : vector<16xf32>
      %mul3A_251 = arith.constant 5.000000e-01 : f32
      %mul3A_252 = vector.broadcast %mul3A_251 : f32 to vector<16xf32>
      %mul3A_253 = arith.mulf %mul3A_252, %exp3A_250 : vector<16xf32>
      %swap3A_254 = arith.index_cast %add3A_15 : i32 to index
      %swap3A_255 = arith.constant 112 : index
      %swap3A_256 = tpu.vector_load %arg11[%swap3A_254, %swap3A_255] {strides = array<i32>} : memref<64x256xf32, #tpu.memory_space<vmem>>, vector<1x16xf32>,
      %swap3A_257 = vector.shape_cast %swap3A_256 : vector<1x16xf32> to vector<16xf32>
      %swap3A_258 = vector.shape_cast %mul3A_253 : vector<16xf32> to vector<1x16xf32>
      tpu.vector_store %arg11[%swap3A_254, %swap3A_255], %swap3A_258 {strides = array<i32>} : memref<64x256xf32, #tpu.memory_space<vmem>>, vector<1x16xf32>,
      %get3A_259 = arith.constant 128 : index
      %get3A_260 = tpu.vector_load %arg12[%get3A_259] {strides = array<i32>} : memref<256xf32, #tpu.memory_space<vmem>>, vector<16xf32>,
      %get3A_261 = vector.shape_cast %get3A_260 : vector<16xf32> to vector<16xf32>
      %get3A_262 = arith.index_cast %add3A_15 : i32 to index
      %get3A_263 = arith.constant 128 : index
      %get3A_264 = tpu.vector_load %arg11[%get3A_262, %get3A_263] {strides = array<i32>} : memref<64x256xf32, #tpu.memory_space<vmem>>, vector<1x16xf32>,
      %get3A_265 = vector.shape_cast %get3A_264 : vector<1x16xf32> to vector<16xf32>
      %add3A_266 = arith.constant -0.918938517 : f32
      %add3A_267 = vector.broadcast %add3A_266 : f32 to vector<16xf32>
      %add3A_268 = arith.addf %add3A_267, %get3A_261 : vector<16xf32>
      %mul3A_269 = arith.constant 5.000000e-01 : f32
      %mul3A_270 = vector.broadcast %mul3A_269 : f32 to vector<16xf32>
      %mul3A_271 = arith.mulf %mul3A_270, %get3A_265 : vector<16xf32>
      %sub3A_272 = arith.subf %add3A_268, %mul3A_271 : vector<16xf32>
      %swap3A_273 = arith.index_cast %add3A_15 : i32 to index
      %swap3A_274 = arith.constant 128 : index
      %swap3A_275 = tpu.vector_load %arg10[%swap3A_273, %swap3A_274] {strides = array<i32>} : memref<64x256xf32, #tpu.memory_space<vmem>>, vector<1x16xf32>,
      %swap3A_276 = vector.shape_cast %swap3A_275 : vector<1x16xf32> to vector<16xf32>
      %swap3A_277 = vector.shape_cast %sub3A_272 : vector<16xf32> to vector<1x16xf32>
      tpu.vector_store %arg10[%swap3A_273, %swap3A_274], %swap3A_277 {strides = array<i32>} : memref<64x256xf32, #tpu.memory_space<vmem>>, vector<1x16xf32>,
      %neg3A_278 = arith.constant 0.000000e+00 : f32
      %neg3A_279 = vector.broadcast %neg3A_278 : f32 to vector<16xf32>
      %neg3A_280 = arith.subf %neg3A_279, %get3A_265 : vector<16xf32>
      %exp3A_281 = math.exp %neg3A_280 : vector<16xf32>
      %mul3A_282 = arith.constant 5.000000e-01 : f32
      %mul3A_283 = vector.broadcast %mul3A_282 : f32 to vector<16xf32>
      %mul3A_284 = arith.mulf %mul3A_283, %exp3A_281 : vector<16xf32>
      %swap3A_285 = arith.index_cast %add3A_15 : i32 to index
      %swap3A_286 = arith.constant 128 : index
      %swap3A_287 = tpu.vector_load %arg11[%swap3A_285, %swap3A_286] {strides = array<i32>} : memref<64x256xf32, #tpu.memory_space<vmem>>, vector<1x16xf32>,
      %swap3A_288 = vector.shape_cast %swap3A_287 : vector<1x16xf32> to vector<16xf32>
      %swap3A_289 = vector.shape_cast %mul3A_284 : vector<16xf32> to vector<1x16xf32>
      tpu.vector_store %arg11[%swap3A_285, %swap3A_286], %swap3A_289 {strides = array<i32>} : memref<64x256xf32, #tpu.memory_space<vmem>>, vector<1x16xf32>,
      %get3A_290 = arith.constant 144 : index
      %get3A_291 = tpu.vector_load %arg12[%get3A_290] {strides = array<i32>} : memref<256xf32, #tpu.memory_space<vmem>>, vector<16xf32>,
      %get3A_292 = vector.shape_cast %get3A_291 : vector<16xf32> to vector<16xf32>
      %get3A_293 = arith.index_cast %add3A_15 : i32 to index
      %get3A_294 = arith.constant 144 : index
      %get3A_295 = tpu.vector_load %arg11[%get3A_293, %get3A_294] {strides = array<i32>} : memref<64x256xf32, #tpu.memory_space<vmem>>, vector<1x16xf32>,
      %get3A_296 = vector.shape_cast %get3A_295 : vector<1x16xf32> to vector<16xf32>
      %add3A_297 = arith.constant -0.918938517 : f32
      %add3A_298 = vector.broadcast %add3A_297 : f32 to vector<16xf32>
      %add3A_299 = arith.addf %add3A_298, %get3A_292 : vector<16xf32>
      %mul3A_300 = arith.constant 5.000000e-01 : f32
      %mul3A_301 = vector.broadcast %mul3A_300 : f32 to vector<16xf32>
      %mul3A_302 = arith.mulf %mul3A_301, %get3A_296 : vector<16xf32>
      %sub3A_303 = arith.subf %add3A_299, %mul3A_302 : vector<16xf32>
      %swap3A_304 = arith.index_cast %add3A_15 : i32 to index
      %swap3A_305 = arith.constant 144 : index
      %swap3A_306 = tpu.vector_load %arg10[%swap3A_304, %swap3A_305] {strides = array<i32>} : memref<64x256xf32, #tpu.memory_space<vmem>>, vector<1x16xf32>,
      %swap3A_307 = vector.shape_cast %swap3A_306 : vector<1x16xf32> to vector<16xf32>
      %swap3A_308 = vector.shape_cast %sub3A_303 : vector<16xf32> to vector<1x16xf32>
      tpu.vector_store %arg10[%swap3A_304, %swap3A_305], %swap3A_308 {strides = array<i32>} : memref<64x256xf32, #tpu.memory_space<vmem>>, vector<1x16xf32>,
      %neg3A_309 = arith.constant 0.000000e+00 : f32
      %neg3A_310 = vector.broadcast %neg3A_309 : f32 to vector<16xf32>
      %neg3A_311 = arith.subf %neg3A_310, %get3A_296 : vector<16xf32>
      %exp3A_312 = math.exp %neg3A_311 : vector<16xf32>
      %mul3A_313 = arith.constant 5.000000e-01 : f32
      %mul3A_314 = vector.broadcast %mul3A_313 : f32 to vector<16xf32>
      %mul3A_315 = arith.mulf %mul3A_314, %exp3A_312 : vector<16xf32>
      %swap3A_316 = arith.index_cast %add3A_15 : i32 to index
      %swap3A_317 = arith.constant 144 : index
      %swap3A_318 = tpu.vector_load %arg11[%swap3A_316, %swap3A_317] {strides = array<i32>} : memref<64x256xf32, #tpu.memory_space<vmem>>, vector<1x16xf32>,
      %swap3A_319 = vector.shape_cast %swap3A_318 : vector<1x16xf32> to vector<16xf32>
      %swap3A_320 = vector.shape_cast %mul3A_315 : vector<16xf32> to vector<1x16xf32>
      tpu.vector_store %arg11[%swap3A_316, %swap3A_317], %swap3A_320 {strides = array<i32>} : memref<64x256xf32, #tpu.memory_space<vmem>>, vector<1x16xf32>,
      %get3A_321 = arith.constant 160 : index
      %get3A_322 = tpu.vector_load %arg12[%get3A_321] {strides = array<i32>} : memref<256xf32, #tpu.memory_space<vmem>>, vector<16xf32>,
      %get3A_323 = vector.shape_cast %get3A_322 : vector<16xf32> to vector<16xf32>
      %get3A_324 = arith.index_cast %add3A_15 : i32 to index
      %get3A_325 = arith.constant 160 : index
      %get3A_326 = tpu.vector_load %arg11[%get3A_324, %get3A_325] {strides = array<i32>} : memref<64x256xf32, #tpu.memory_space<vmem>>, vector<1x16xf32>,
      %get3A_327 = vector.shape_cast %get3A_326 : vector<1x16xf32> to vector<16xf32>
      %add3A_328 = arith.constant -0.918938517 : f32
      %add3A_329 = vector.broadcast %add3A_328 : f32 to vector<16xf32>
      %add3A_330 = arith.addf %add3A_329, %get3A_323 : vector<16xf32>
      %mul3A_331 = arith.constant 5.000000e-01 : f32
      %mul3A_332 = vector.broadcast %mul3A_331 : f32 to vector<16xf32>
      %mul3A_333 = arith.mulf %mul3A_332, %get3A_327 : vector<16xf32>
      %sub3A_334 = arith.subf %add3A_330, %mul3A_333 : vector<16xf32>
      %swap3A_335 = arith.index_cast %add3A_15 : i32 to index
      %swap3A_336 = arith.constant 160 : index
      %swap3A_337 = tpu.vector_load %arg10[%swap3A_335, %swap3A_336] {strides = array<i32>} : memref<64x256xf32, #tpu.memory_space<vmem>>, vector<1x16xf32>,
      %swap3A_338 = vector.shape_cast %swap3A_337 : vector<1x16xf32> to vector<16xf32>
      %swap3A_339 = vector.shape_cast %sub3A_334 : vector<16xf32> to vector<1x16xf32>
      tpu.vector_store %arg10[%swap3A_335, %swap3A_336], %swap3A_339 {strides = array<i32>} : memref<64x256xf32, #tpu.memory_space<vmem>>, vector<1x16xf32>,
      %neg3A_340 = arith.constant 0.000000e+00 : f32
      %neg3A_341 = vector.broadcast %neg3A_340 : f32 to vector<16xf32>
      %neg3A_342 = arith.subf %neg3A_341, %get3A_327 : vector<16xf32>
      %exp3A_343 = math.exp %neg3A_342 : vector<16xf32>
      %mul3A_344 = arith.constant 5.000000e-01 : f32
      %mul3A_345 = vector.broadcast %mul3A_344 : f32 to vector<16xf32>
      %mul3A_346 = arith.mulf %mul3A_345, %exp3A_343 : vector<16xf32>
      %swap3A_347 = arith.index_cast %add3A_15 : i32 to index
      %swap3A_348 = arith.constant 160 : index
      %swap3A_349 = tpu.vector_load %arg11[%swap3A_347, %swap3A_348] {strides = array<i32>} : memref<64x256xf32, #tpu.memory_space<vmem>>, vector<1x16xf32>,
      %swap3A_350 = vector.shape_cast %swap3A_349 : vector<1x16xf32> to vector<16xf32>
      %swap3A_351 = vector.shape_cast %mul3A_346 : vector<16xf32> to vector<1x16xf32>
      tpu.vector_store %arg11[%swap3A_347, %swap3A_348], %swap3A_351 {strides = array<i32>} : memref<64x256xf32, #tpu.memory_space<vmem>>, vector<1x16xf32>,
      %get3A_352 = arith.constant 176 : index
      %get3A_353 = tpu.vector_load %arg12[%get3A_352] {strides = array<i32>} : memref<256xf32, #tpu.memory_space<vmem>>, vector<16xf32>,
      %get3A_354 = vector.shape_cast %get3A_353 : vector<16xf32> to vector<16xf32>
      %get3A_355 = arith.index_cast %add3A_15 : i32 to index
      %get3A_356 = arith.constant 176 : index
      %get3A_357 = tpu.vector_load %arg11[%get3A_355, %get3A_356] {strides = array<i32>} : memref<64x256xf32, #tpu.memory_space<vmem>>, vector<1x16xf32>,
      %get3A_358 = vector.shape_cast %get3A_357 : vector<1x16xf32> to vector<16xf32>
      %add3A_359 = arith.constant -0.918938517 : f32
      %add3A_360 = vector.broadcast %add3A_359 : f32 to vector<16xf32>
      %add3A_361 = arith.addf %add3A_360, %get3A_354 : vector<16xf32>
      %mul3A_362 = arith.constant 5.000000e-01 : f32
      %mul3A_363 = vector.broadcast %mul3A_362 : f32 to vector<16xf32>
      %mul3A_364 = arith.mulf %mul3A_363, %get3A_358 : vector<16xf32>
      %sub3A_365 = arith.subf %add3A_361, %mul3A_364 : vector<16xf32>
      %swap3A_366 = arith.index_cast %add3A_15 : i32 to index
      %swap3A_367 = arith.constant 176 : index
      %swap3A_368 = tpu.vector_load %arg10[%swap3A_366, %swap3A_367] {strides = array<i32>} : memref<64x256xf32, #tpu.memory_space<vmem>>, vector<1x16xf32>,
      %swap3A_369 = vector.shape_cast %swap3A_368 : vector<1x16xf32> to vector<16xf32>
      %swap3A_370 = vector.shape_cast %sub3A_365 : vector<16xf32> to vector<1x16xf32>
      tpu.vector_store %arg10[%swap3A_366, %swap3A_367], %swap3A_370 {strides = array<i32>} : memref<64x256xf32, #tpu.memory_space<vmem>>, vector<1x16xf32>,
      %neg3A_371 = arith.constant 0.000000e+00 : f32
      %neg3A_372 = vector.broadcast %neg3A_371 : f32 to vector<16xf32>
      %neg3A_373 = arith.subf %neg3A_372, %get3A_358 : vector<16xf32>
      %exp3A_374 = math.exp %neg3A_373 : vector<16xf32>
      %mul3A_375 = arith.constant 5.000000e-01 : f32
      %mul3A_376 = vector.broadcast %mul3A_375 : f32 to vector<16xf32>
      %mul3A_377 = arith.mulf %mul3A_376, %exp3A_374 : vector<16xf32>
      %swap3A_378 = arith.index_cast %add3A_15 : i32 to index
      %swap3A_379 = arith.constant 176 : index
      %swap3A_380 = tpu.vector_load %arg11[%swap3A_378, %swap3A_379] {strides = array<i32>} : memref<64x256xf32, #tpu.memory_space<vmem>>, vector<1x16xf32>,
      %swap3A_381 = vector.shape_cast %swap3A_380 : vector<1x16xf32> to vector<16xf32>
      %swap3A_382 = vector.shape_cast %mul3A_377 : vector<16xf32> to vector<1x16xf32>
      tpu.vector_store %arg11[%swap3A_378, %swap3A_379], %swap3A_382 {strides = array<i32>} : memref<64x256xf32, #tpu.memory_space<vmem>>, vector<1x16xf32>,
      %get3A_383 = arith.constant 192 : index
      %get3A_384 = tpu.vector_load %arg12[%get3A_383] {strides = array<i32>} : memref<256xf32, #tpu.memory_space<vmem>>, vector<16xf32>,
      %get3A_385 = vector.shape_cast %get3A_384 : vector<16xf32> to vector<16xf32>
      %get3A_386 = arith.index_cast %add3A_15 : i32 to index
      %get3A_387 = arith.constant 192 : index
      %get3A_388 = tpu.vector_load %arg11[%get3A_386, %get3A_387] {strides = array<i32>} : memref<64x256xf32, #tpu.memory_space<vmem>>, vector<1x16xf32>,
      %get3A_389 = vector.shape_cast %get3A_388 : vector<1x16xf32> to vector<16xf32>
      %add3A_390 = arith.constant -0.918938517 : f32
      %add3A_391 = vector.broadcast %add3A_390 : f32 to vector<16xf32>
      %add3A_392 = arith.addf %add3A_391, %get3A_385 : vector<16xf32>
      %mul3A_393 = arith.constant 5.000000e-01 : f32
      %mul3A_394 = vector.broadcast %mul3A_393 : f32 to vector<16xf32>
      %mul3A_395 = arith.mulf %mul3A_394, %get3A_389 : vector<16xf32>
      %sub3A_396 = arith.subf %add3A_392, %mul3A_395 : vector<16xf32>
      %swap3A_397 = arith.index_cast %add3A_15 : i32 to index
      %swap3A_398 = arith.constant 192 : index
      %swap3A_399 = tpu.vector_load %arg10[%swap3A_397, %swap3A_398] {strides = array<i32>} : memref<64x256xf32, #tpu.memory_space<vmem>>, vector<1x16xf32>,
      %swap3A_400 = vector.shape_cast %swap3A_399 : vector<1x16xf32> to vector<16xf32>
      %swap3A_401 = vector.shape_cast %sub3A_396 : vector<16xf32> to vector<1x16xf32>
      tpu.vector_store %arg10[%swap3A_397, %swap3A_398], %swap3A_401 {strides = array<i32>} : memref<64x256xf32, #tpu.memory_space<vmem>>, vector<1x16xf32>,
      %neg3A_402 = arith.constant 0.000000e+00 : f32
      %neg3A_403 = vector.broadcast %neg3A_402 : f32 to vector<16xf32>
      %neg3A_404 = arith.subf %neg3A_403, %get3A_389 : vector<16xf32>
      %exp3A_405 = math.exp %neg3A_404 : vector<16xf32>
      %mul3A_406 = arith.constant 5.000000e-01 : f32
      %mul3A_407 = vector.broadcast %mul3A_406 : f32 to vector<16xf32>
      %mul3A_408 = arith.mulf %mul3A_407, %exp3A_405 : vector<16xf32>
      %swap3A_409 = arith.index_cast %add3A_15 : i32 to index
      %swap3A_410 = arith.constant 192 : index
      %swap3A_411 = tpu.vector_load %arg11[%swap3A_409, %swap3A_410] {strides = array<i32>} : memref<64x256xf32, #tpu.memory_space<vmem>>, vector<1x16xf32>,
      %swap3A_412 = vector.shape_cast %swap3A_411 : vector<1x16xf32> to vector<16xf32>
      %swap3A_413 = vector.shape_cast %mul3A_408 : vector<16xf32> to vector<1x16xf32>
      tpu.vector_store %arg11[%swap3A_409, %swap3A_410], %swap3A_413 {strides = array<i32>} : memref<64x256xf32, #tpu.memory_space<vmem>>, vector<1x16xf32>,
      %get3A_414 = arith.constant 208 : index
      %get3A_415 = tpu.vector_load %arg12[%get3A_414] {strides = array<i32>} : memref<256xf32, #tpu.memory_space<vmem>>, vector<16xf32>,
      %get3A_416 = vector.shape_cast %get3A_415 : vector<16xf32> to vector<16xf32>
      %get3A_417 = arith.index_cast %add3A_15 : i32 to index
      %get3A_418 = arith.constant 208 : index
      %get3A_419 = tpu.vector_load %arg11[%get3A_417, %get3A_418] {strides = array<i32>} : memref<64x256xf32, #tpu.memory_space<vmem>>, vector<1x16xf32>,
      %get3A_420 = vector.shape_cast %get3A_419 : vector<1x16xf32> to vector<16xf32>
      %add3A_421 = arith.constant -0.918938517 : f32
      %add3A_422 = vector.broadcast %add3A_421 : f32 to vector<16xf32>
      %add3A_423 = arith.addf %add3A_422, %get3A_416 : vector<16xf32>
      %mul3A_424 = arith.constant 5.000000e-01 : f32
      %mul3A_425 = vector.broadcast %mul3A_424 : f32 to vector<16xf32>
      %mul3A_426 = arith.mulf %mul3A_425, %get3A_420 : vector<16xf32>
      %sub3A_427 = arith.subf %add3A_423, %mul3A_426 : vector<16xf32>
      %swap3A_428 = arith.index_cast %add3A_15 : i32 to index
      %swap3A_429 = arith.constant 208 : index
      %swap3A_430 = tpu.vector_load %arg10[%swap3A_428, %swap3A_429] {strides = array<i32>} : memref<64x256xf32, #tpu.memory_space<vmem>>, vector<1x16xf32>,
      %swap3A_431 = vector.shape_cast %swap3A_430 : vector<1x16xf32> to vector<16xf32>
      %swap3A_432 = vector.shape_cast %sub3A_427 : vector<16xf32> to vector<1x16xf32>
      tpu.vector_store %arg10[%swap3A_428, %swap3A_429], %swap3A_432 {strides = array<i32>} : memref<64x256xf32, #tpu.memory_space<vmem>>, vector<1x16xf32>,
      %neg3A_433 = arith.constant 0.000000e+00 : f32
      %neg3A_434 = vector.broadcast %neg3A_433 : f32 to vector<16xf32>
      %neg3A_435 = arith.subf %neg3A_434, %get3A_420 : vector<16xf32>
      %exp3A_436 = math.exp %neg3A_435 : vector<16xf32>
      %mul3A_437 = arith.constant 5.000000e-01 : f32
      %mul3A_438 = vector.broadcast %mul3A_437 : f32 to vector<16xf32>
      %mul3A_439 = arith.mulf %mul3A_438, %exp3A_436 : vector<16xf32>
      %swap3A_440 = arith.index_cast %add3A_15 : i32 to index
      %swap3A_441 = arith.constant 208 : index
      %swap3A_442 = tpu.vector_load %arg11[%swap3A_440, %swap3A_441] {strides = array<i32>} : memref<64x256xf32, #tpu.memory_space<vmem>>, vector<1x16xf32>,
      %swap3A_443 = vector.shape_cast %swap3A_442 : vector<1x16xf32> to vector<16xf32>
      %swap3A_444 = vector.shape_cast %mul3A_439 : vector<16xf32> to vector<1x16xf32>
      tpu.vector_store %arg11[%swap3A_440, %swap3A_441], %swap3A_444 {strides = array<i32>} : memref<64x256xf32, #tpu.memory_space<vmem>>, vector<1x16xf32>,
      %get3A_445 = arith.constant 224 : index
      %get3A_446 = tpu.vector_load %arg12[%get3A_445] {strides = array<i32>} : memref<256xf32, #tpu.memory_space<vmem>>, vector<16xf32>,
      %get3A_447 = vector.shape_cast %get3A_446 : vector<16xf32> to vector<16xf32>
      %get3A_448 = arith.index_cast %add3A_15 : i32 to index
      %get3A_449 = arith.constant 224 : index
      %get3A_450 = tpu.vector_load %arg11[%get3A_448, %get3A_449] {strides = array<i32>} : memref<64x256xf32, #tpu.memory_space<vmem>>, vector<1x16xf32>,
      %get3A_451 = vector.shape_cast %get3A_450 : vector<1x16xf32> to vector<16xf32>
      %add3A_452 = arith.constant -0.918938517 : f32
      %add3A_453 = vector.broadcast %add3A_452 : f32 to vector<16xf32>
      %add3A_454 = arith.addf %add3A_453, %get3A_447 : vector<16xf32>
      %mul3A_455 = arith.constant 5.000000e-01 : f32
      %mul3A_456 = vector.broadcast %mul3A_455 : f32 to vector<16xf32>
      %mul3A_457 = arith.mulf %mul3A_456, %get3A_451 : vector<16xf32>
      %sub3A_458 = arith.subf %add3A_454, %mul3A_457 : vector<16xf32>
      %swap3A_459 = arith.index_cast %add3A_15 : i32 to index
      %swap3A_460 = arith.constant 224 : index
      %swap3A_461 = tpu.vector_load %arg10[%swap3A_459, %swap3A_460] {strides = array<i32>} : memref<64x256xf32, #tpu.memory_space<vmem>>, vector<1x16xf32>,
      %swap3A_462 = vector.shape_cast %swap3A_461 : vector<1x16xf32> to vector<16xf32>
      %swap3A_463 = vector.shape_cast %sub3A_458 : vector<16xf32> to vector<1x16xf32>
      tpu.vector_store %arg10[%swap3A_459, %swap3A_460], %swap3A_463 {strides = array<i32>} : memref<64x256xf32, #tpu.memory_space<vmem>>, vector<1x16xf32>,
      %neg3A_464 = arith.constant 0.000000e+00 : f32
      %neg3A_465 = vector.broadcast %neg3A_464 : f32 to vector<16xf32>
      %neg3A_466 = arith.subf %neg3A_465, %get3A_451 : vector<16xf32>
      %exp3A_467 = math.exp %neg3A_466 : vector<16xf32>
      %mul3A_468 = arith.constant 5.000000e-01 : f32
      %mul3A_469 = vector.broadcast %mul3A_468 : f32 to vector<16xf32>
      %mul3A_470 = arith.mulf %mul3A_469, %exp3A_467 : vector<16xf32>
      %swap3A_471 = arith.index_cast %add3A_15 : i32 to index
      %swap3A_472 = arith.constant 224 : index
      %swap3A_473 = tpu.vector_load %arg11[%swap3A_471, %swap3A_472] {strides = array<i32>} : memref<64x256xf32, #tpu.memory_space<vmem>>, vector<1x16xf32>,
      %swap3A_474 = vector.shape_cast %swap3A_473 : vector<1x16xf32> to vector<16xf32>
      %swap3A_475 = vector.shape_cast %mul3A_470 : vector<16xf32> to vector<1x16xf32>
      tpu.vector_store %arg11[%swap3A_471, %swap3A_472], %swap3A_475 {strides = array<i32>} : memref<64x256xf32, #tpu.memory_space<vmem>>, vector<1x16xf32>,
      %get3A_476 = arith.constant 240 : index
      %get3A_477 = tpu.vector_load %arg12[%get3A_476] {strides = array<i32>} : memref<256xf32, #tpu.memory_space<vmem>>, vector<16xf32>,
      %get3A_478 = vector.shape_cast %get3A_477 : vector<16xf32> to vector<16xf32>
      %get3A_479 = arith.index_cast %add3A_15 : i32 to index
      %get3A_480 = arith.constant 240 : index
      %get3A_481 = tpu.vector_load %arg11[%get3A_479, %get3A_480] {strides = array<i32>} : memref<64x256xf32, #tpu.memory_space<vmem>>, vector<1x16xf32>,
      %get3A_482 = vector.shape_cast %get3A_481 : vector<1x16xf32> to vector<16xf32>
      %add3A_483 = arith.constant -0.918938517 : f32
      %add3A_484 = vector.broadcast %add3A_483 : f32 to vector<16xf32>
      %add3A_485 = arith.addf %add3A_484, %get3A_478 : vector<16xf32>
      %mul3A_486 = arith.constant 5.000000e-01 : f32
      %mul3A_487 = vector.broadcast %mul3A_486 : f32 to vector<16xf32>
      %mul3A_488 = arith.mulf %mul3A_487, %get3A_482 : vector<16xf32>
      %sub3A_489 = arith.subf %add3A_485, %mul3A_488 : vector<16xf32>
      %swap3A_490 = arith.index_cast %add3A_15 : i32 to index
      %swap3A_491 = arith.constant 240 : index
      %swap3A_492 = tpu.vector_load %arg10[%swap3A_490, %swap3A_491] {strides = array<i32>} : memref<64x256xf32, #tpu.memory_space<vmem>>, vector<1x16xf32>,
      %swap3A_493 = vector.shape_cast %swap3A_492 : vector<1x16xf32> to vector<16xf32>
      %swap3A_494 = vector.shape_cast %sub3A_489 : vector<16xf32> to vector<1x16xf32>
      tpu.vector_store %arg10[%swap3A_490, %swap3A_491], %swap3A_494 {strides = array<i32>} : memref<64x256xf32, #tpu.memory_space<vmem>>, vector<1x16xf32>,
      %neg3A_495 = arith.constant 0.000000e+00 : f32
      %neg3A_496 = vector.broadcast %neg3A_495 : f32 to vector<16xf32>
      %neg3A_497 = arith.subf %neg3A_496, %get3A_482 : vector<16xf32>
      %exp3A_498 = math.exp %neg3A_497 : vector<16xf32>
      %mul3A_499 = arith.constant 5.000000e-01 : f32
      %mul3A_500 = vector.broadcast %mul3A_499 : f32 to vector<16xf32>
      %mul3A_501 = arith.mulf %mul3A_500, %exp3A_498 : vector<16xf32>
      %swap3A_502 = arith.index_cast %add3A_15 : i32 to index
      %swap3A_503 = arith.constant 240 : index
      %swap3A_504 = tpu.vector_load %arg11[%swap3A_502, %swap3A_503] {strides = array<i32>} : memref<64x256xf32, #tpu.memory_space<vmem>>, vector<1x16xf32>,
      %swap3A_505 = vector.shape_cast %swap3A_504 : vector<1x16xf32> to vector<16xf32>
      %swap3A_506 = vector.shape_cast %mul3A_501 : vector<16xf32> to vector<1x16xf32>
      tpu.vector_store %arg11[%swap3A_502, %swap3A_503], %swap3A_506 {strides = array<i32>} : memref<64x256xf32, #tpu.memory_space<vmem>>, vector<1x16xf32>,
    }
    %scan3A_7 = arith.constant 32 : i32
    %scan3A_8 = arith.constant 0 : i32
    %scan3A_9 = arith.constant 0 : i32
    %scan3A_10 = arith.constant 32 : i32
    %scan3A_11 = arith.addi %scan3A_9, %scan3A_10 : i32
    %scan3A_12 = arith.constant 1 : i32
    scf.for %scan3A_14 = %scan3A_9 to %scan3A_11 step %scan3A_12  : i32 {
      %add3A_15 = arith.addi %mul3A_2, %scan3A_14 : i32
      %get3A = arith.index_cast %add3A_15 : i32 to index
      %get3A_16 = arith.constant 0 : index
      %get3A_17 = tpu.vector_load %arg8[%get3A, %get3A_16] {strides = array<i32>} : memref<64x32xf32, #tpu.memory_space<vmem>>, vector<1x16xf32>,
      %get3A_18 = vector.shape_cast %get3A_17 : vector<1x16xf32> to vector<16xf32>
      %get3A_19 = arith.index_cast %add3A_15 : i32 to index
      %get3A_20 = arith.constant 16 : index
      %get3A_21 = tpu.vector_load %arg8[%get3A_19, %get3A_20] {strides = array<i32>} : memref<64x32xf32, #tpu.memory_space<vmem>>, vector<1x16xf32>,
      %get3A_22 = vector.shape_cast %get3A_21 : vector<1x16xf32> to vector<16xf32>
      %broadcast_in_dim3A = arith.constant -3.000000e+38 : f32
      %broadcast_in_dim3A_23 = vector.broadcast %broadcast_in_dim3A : f32 to vector<16xf32>
      %broadcast_in_dim3A_24 = arith.constant -3.000000e+38 : f32
      %broadcast_in_dim3A_25 = vector.broadcast %broadcast_in_dim3A_24 : f32 to vector<16xf32>
      %scan3A_26 = arith.constant 0 : i32
      %scan3A_27 = arith.constant 16 : i32
      %scan3A_28 = arith.addi %scan3A_26, %scan3A_27 : i32
      %scan3A_29 = arith.constant 1 : i32
      %scan3A_30:2 = scf.for %scan3A_61 = %scan3A_26 to %scan3A_28 step %scan3A_29 iter_args(%scan3A_62 = %broadcast_in_dim3A_23, %scan3A_63 = %broadcast_in_dim3A_25) -> (vector<16xf32>, vector<16xf32>)  : i32 {
        %mul3A_64 = arith.constant 16 : i32
        %mul3A_65 = arith.muli %mul3A_64, %scan3A_61 : i32
        %get3A_66 = arith.index_cast %add3A_15 : i32 to index
        %get3A_67 = arith.index_cast %mul3A_65 : i32 to index
        %get3A_68 = tpu.vector_load %arg9[%get3A_66, %get3A_67] {strides = array<i32>} : memref<64x256xf32, #tpu.memory_space<vmem>>, vector<1x16xf32>,
        %get3A_69 = vector.shape_cast %get3A_68 : vector<1x16xf32> to vector<16xf32>
        %get3A_70 = arith.index_cast %add3A_15 : i32 to index
        %get3A_71 = arith.index_cast %mul3A_65 : i32 to index
        %get3A_72 = tpu.vector_load %arg10[%get3A_70, %get3A_71] {strides = array<i32>} : memref<64x256xf32, #tpu.memory_space<vmem>>, vector<1x16xf32>,
        %get3A_73 = vector.shape_cast %get3A_72 : vector<1x16xf32> to vector<16xf32>
        %get3A_74 = arith.index_cast %add3A_15 : i32 to index
        %get3A_75 = arith.index_cast %mul3A_65 : i32 to index
        %get3A_76 = tpu.vector_load %arg11[%get3A_74, %get3A_75] {strides = array<i32>} : memref<64x256xf32, #tpu.memory_space<vmem>>, vector<1x16xf32>,
        %get3A_77 = vector.shape_cast %get3A_76 : vector<1x16xf32> to vector<16xf32>
        %slice3A = vector.extract_strided_slice %get3A_69 {offsets = [0], sizes = [1], strides = [1]} : vector<16xf32> to vector<1xf32>
        %squeeze3A = vector.extract %slice3A[0] : f32 from vector<1xf32>
        %slice3A_78 = vector.extract_strided_slice %get3A_73 {offsets = [0], sizes = [1], strides = [1]} : vector<16xf32> to vector<1xf32>
        %squeeze3A_79 = vector.extract %slice3A_78[0] : f32 from vector<1xf32>
        %slice3A_80 = vector.extract_strided_slice %get3A_77 {offsets = [0], sizes = [1], strides = [1]} : vector<16xf32> to vector<1xf32>
        %squeeze3A_81 = vector.extract %slice3A_80[0] : f32 from vector<1xf32>
        %sub3A = vector.broadcast %squeeze3A : f32 to vector<16xf32>
        %sub3A_82 = arith.subf %get3A_18, %sub3A : vector<16xf32>
        %mul3A_83 = vector.broadcast %squeeze3A_81 : f32 to vector<16xf32>
        %mul3A_84 = arith.mulf %mul3A_83, %sub3A_82 : vector<16xf32>
        %mul3A_85 = arith.mulf %mul3A_84, %sub3A_82 : vector<16xf32>
        %sub3A_86 = vector.broadcast %squeeze3A_79 : f32 to vector<16xf32>
        %sub3A_87 = arith.subf %sub3A_86, %mul3A_85 : vector<16xf32>
        %mul3A_88 = arith.constant 16 : i32
        %mul3A_89 = arith.muli %mul3A_88, %scan3A_61 : i32
        %add3A_90 = arith.constant 0 : i32
        %add3A_91 = arith.addi %mul3A_89, %add3A_90 : i32
        %swap3A_92 = arith.index_cast %add3A_91 : i32 to index
        %swap3A_93 = arith.constant 0 : index
        %swap3A_94 = tpu.vector_load %arg15[%swap3A_92, %swap3A_93] {strides = array<i32>} : memref<256x32xf32, #tpu.memory_space<vmem>>, vector<1x16xf32>,
        %swap3A_95 = vector.shape_cast %swap3A_94 : vector<1x16xf32> to vector<16xf32>
        %swap3A_96 = vector.shape_cast %sub3A_87 : vector<16xf32> to vector<1x16xf32>
        tpu.vector_store %arg15[%swap3A_92, %swap3A_93], %swap3A_96 {strides = array<i32>} : memref<256x32xf32, #tpu.memory_space<vmem>>, vector<1x16xf32>,
        %slice3A_97 = vector.extract_strided_slice %get3A_69 {offsets = [1], sizes = [1], strides = [1]} : vector<16xf32> to vector<1xf32>
        %squeeze3A_98 = vector.extract %slice3A_97[0] : f32 from vector<1xf32>
        %slice3A_99 = vector.extract_strided_slice %get3A_73 {offsets = [1], sizes = [1], strides = [1]} : vector<16xf32> to vector<1xf32>
        %squeeze3A_100 = vector.extract %slice3A_99[0] : f32 from vector<1xf32>
        %slice3A_101 = vector.extract_strided_slice %get3A_77 {offsets = [1], sizes = [1], strides = [1]} : vector<16xf32> to vector<1xf32>
        %squeeze3A_102 = vector.extract %slice3A_101[0] : f32 from vector<1xf32>
        %sub3A_103 = vector.broadcast %squeeze3A_98 : f32 to vector<16xf32>
        %sub3A_104 = arith.subf %get3A_18, %sub3A_103 : vector<16xf32>
        %mul3A_105 = vector.broadcast %squeeze3A_102 : f32 to vector<16xf32>
        %mul3A_106 = arith.mulf %mul3A_105, %sub3A_104 : vector<16xf32>
        %mul3A_107 = arith.mulf %mul3A_106, %sub3A_104 : vector<16xf32>
        %sub3A_108 = vector.broadcast %squeeze3A_100 : f32 to vector<16xf32>
        %sub3A_109 = arith.subf %sub3A_108, %mul3A_107 : vector<16xf32>
        %mul3A_110 = arith.constant 16 : i32
        %mul3A_111 = arith.muli %mul3A_110, %scan3A_61 : i32
        %add3A_112 = arith.constant 1 : i32
        %add3A_113 = arith.addi %mul3A_111, %add3A_112 : i32
        %swap3A_114 = arith.index_cast %add3A_113 : i32 to index
        %swap3A_115 = arith.constant 0 : index
        %swap3A_116 = tpu.vector_load %arg15[%swap3A_114, %swap3A_115] {strides = array<i32>} : memref<256x32xf32, #tpu.memory_space<vmem>>, vector<1x16xf32>,
        %swap3A_117 = vector.shape_cast %swap3A_116 : vector<1x16xf32> to vector<16xf32>
        %swap3A_118 = vector.shape_cast %sub3A_109 : vector<16xf32> to vector<1x16xf32>
        tpu.vector_store %arg15[%swap3A_114, %swap3A_115], %swap3A_118 {strides = array<i32>} : memref<256x32xf32, #tpu.memory_space<vmem>>, vector<1x16xf32>,
        %slice3A_119 = vector.extract_strided_slice %get3A_69 {offsets = [2], sizes = [1], strides = [1]} : vector<16xf32> to vector<1xf32>
        %squeeze3A_120 = vector.extract %slice3A_119[0] : f32 from vector<1xf32>
        %slice3A_121 = vector.extract_strided_slice %get3A_73 {offsets = [2], sizes = [1], strides = [1]} : vector<16xf32> to vector<1xf32>
        %squeeze3A_122 = vector.extract %slice3A_121[0] : f32 from vector<1xf32>
        %slice3A_123 = vector.extract_strided_slice %get3A_77 {offsets = [2], sizes = [1], strides = [1]} : vector<16xf32> to vector<1xf32>
        %squeeze3A_124 = vector.extract %slice3A_123[0] : f32 from vector<1xf32>
        %sub3A_125 = vector.broadcast %squeeze3A_120 : f32 to vector<16xf32>
        %sub3A_126 = arith.subf %get3A_18, %sub3A_125 : vector<16xf32>
        %mul3A_127 = vector.broadcast %squeeze3A_124 : f32 to vector<16xf32>
        %mul3A_128 = arith.mulf %mul3A_127, %sub3A_126 : vector<16xf32>
        %mul3A_129 = arith.mulf %mul3A_128, %sub3A_126 : vector<16xf32>
        %sub3A_130 = vector.broadcast %squeeze3A_122 : f32 to vector<16xf32>
        %sub3A_131 = arith.subf %sub3A_130, %mul3A_129 : vector<16xf32>
        %mul3A_132 = arith.constant 16 : i32
        %mul3A_133 = arith.muli %mul3A_132, %scan3A_61 : i32
        %add3A_134 = arith.constant 2 : i32
        %add3A_135 = arith.addi %mul3A_133, %add3A_134 : i32
        %swap3A_136 = arith.index_cast %add3A_135 : i32 to index
        %swap3A_137 = arith.constant 0 : index
        %swap3A_138 = tpu.vector_load %arg15[%swap3A_136, %swap3A_137] {strides = array<i32>} : memref<256x32xf32, #tpu.memory_space<vmem>>, vector<1x16xf32>,
        %swap3A_139 = vector.shape_cast %swap3A_138 : vector<1x16xf32> to vector<16xf32>
        %swap3A_140 = vector.shape_cast %sub3A_131 : vector<16xf32> to vector<1x16xf32>
        tpu.vector_store %arg15[%swap3A_136, %swap3A_137], %swap3A_140 {strides = array<i32>} : memref<256x32xf32, #tpu.memory_space<vmem>>, vector<1x16xf32>,
        %slice3A_141 = vector.extract_strided_slice %get3A_69 {offsets = [3], sizes = [1], strides = [1]} : vector<16xf32> to vector<1xf32>
        %squeeze3A_142 = vector.extract %slice3A_141[0] : f32 from vector<1xf32>
        %slice3A_143 = vector.extract_strided_slice %get3A_73 {offsets = [3], sizes = [1], strides = [1]} : vector<16xf32> to vector<1xf32>
        %squeeze3A_144 = vector.extract %slice3A_143[0] : f32 from vector<1xf32>
        %slice3A_145 = vector.extract_strided_slice %get3A_77 {offsets = [3], sizes = [1], strides = [1]} : vector<16xf32> to vector<1xf32>
        %squeeze3A_146 = vector.extract %slice3A_145[0] : f32 from vector<1xf32>
        %sub3A_147 = vector.broadcast %squeeze3A_142 : f32 to vector<16xf32>
        %sub3A_148 = arith.subf %get3A_18, %sub3A_147 : vector<16xf32>
        %mul3A_149 = vector.broadcast %squeeze3A_146 : f32 to vector<16xf32>
        %mul3A_150 = arith.mulf %mul3A_149, %sub3A_148 : vector<16xf32>
        %mul3A_151 = arith.mulf %mul3A_150, %sub3A_148 : vector<16xf32>
        %sub3A_152 = vector.broadcast %squeeze3A_144 : f32 to vector<16xf32>
        %sub3A_153 = arith.subf %sub3A_152, %mul3A_151 : vector<16xf32>
        %mul3A_154 = arith.constant 16 : i32
        %mul3A_155 = arith.muli %mul3A_154, %scan3A_61 : i32
        %add3A_156 = arith.constant 3 : i32
        %add3A_157 = arith.addi %mul3A_155, %add3A_156 : i32
        %swap3A_158 = arith.index_cast %add3A_157 : i32 to index
        %swap3A_159 = arith.constant 0 : index
        %swap3A_160 = tpu.vector_load %arg15[%swap3A_158, %swap3A_159] {strides = array<i32>} : memref<256x32xf32, #tpu.memory_space<vmem>>, vector<1x16xf32>,
        %swap3A_161 = vector.shape_cast %swap3A_160 : vector<1x16xf32> to vector<16xf32>
        %swap3A_162 = vector.shape_cast %sub3A_153 : vector<16xf32> to vector<1x16xf32>
        tpu.vector_store %arg15[%swap3A_158, %swap3A_159], %swap3A_162 {strides = array<i32>} : memref<256x32xf32, #tpu.memory_space<vmem>>, vector<1x16xf32>,
        %max3A = arith.maximumf %sub3A_87, %sub3A_109 : vector<16xf32>
        %max3A_163 = arith.maximumf %sub3A_131, %sub3A_153 : vector<16xf32>
        %max3A_164 = arith.maximumf %max3A, %max3A_163 : vector<16xf32>
        %max3A_165 = arith.maximumf %scan3A_62, %max3A_164 : vector<16xf32>
        %slice3A_166 = vector.extract_strided_slice %get3A_69 {offsets = [0], sizes = [1], strides = [1]} : vector<16xf32> to vector<1xf32>
        %squeeze3A_167 = vector.extract %slice3A_166[0] : f32 from vector<1xf32>
        %slice3A_168 = vector.extract_strided_slice %get3A_73 {offsets = [0], sizes = [1], strides = [1]} : vector<16xf32> to vector<1xf32>
        %squeeze3A_169 = vector.extract %slice3A_168[0] : f32 from vector<1xf32>
        %slice3A_170 = vector.extract_strided_slice %get3A_77 {offsets = [0], sizes = [1], strides = [1]} : vector<16xf32> to vector<1xf32>
        %squeeze3A_171 = vector.extract %slice3A_170[0] : f32 from vector<1xf32>
        %sub3A_172 = vector.broadcast %squeeze3A_167 : f32 to vector<16xf32>
        %sub3A_173 = arith.subf %get3A_22, %sub3A_172 : vector<16xf32>
        %mul3A_174 = vector.broadcast %squeeze3A_171 : f32 to vector<16xf32>
        %mul3A_175 = arith.mulf %mul3A_174, %sub3A_173 : vector<16xf32>
        %mul3A_176 = arith.mulf %mul3A_175, %sub3A_173 : vector<16xf32>
        %sub3A_177 = vector.broadcast %squeeze3A_169 : f32 to vector<16xf32>
        %sub3A_178 = arith.subf %sub3A_177, %mul3A_176 : vector<16xf32>
        %mul3A_179 = arith.constant 16 : i32
        %mul3A_180 = arith.muli %mul3A_179, %scan3A_61 : i32
        %add3A_181 = arith.constant 0 : i32
        %add3A_182 = arith.addi %mul3A_180, %add3A_181 : i32
        %swap3A_183 = arith.index_cast %add3A_182 : i32 to index
        %swap3A_184 = arith.constant 16 : index
        %swap3A_185 = tpu.vector_load %arg15[%swap3A_183, %swap3A_184] {strides = array<i32>} : memref<256x32xf32, #tpu.memory_space<vmem>>, vector<1x16xf32>,
        %swap3A_186 = vector.shape_cast %swap3A_185 : vector<1x16xf32> to vector<16xf32>
        %swap3A_187 = vector.shape_cast %sub3A_178 : vector<16xf32> to vector<1x16xf32>
        tpu.vector_store %arg15[%swap3A_183, %swap3A_184], %swap3A_187 {strides = array<i32>} : memref<256x32xf32, #tpu.memory_space<vmem>>, vector<1x16xf32>,
        %slice3A_188 = vector.extract_strided_slice %get3A_69 {offsets = [1], sizes = [1], strides = [1]} : vector<16xf32> to vector<1xf32>
        %squeeze3A_189 = vector.extract %slice3A_188[0] : f32 from vector<1xf32>
        %slice3A_190 = vector.extract_strided_slice %get3A_73 {offsets = [1], sizes = [1], strides = [1]} : vector<16xf32> to vector<1xf32>
        %squeeze3A_191 = vector.extract %slice3A_190[0] : f32 from vector<1xf32>
        %slice3A_192 = vector.extract_strided_slice %get3A_77 {offsets = [1], sizes = [1], strides = [1]} : vector<16xf32> to vector<1xf32>
        %squeeze3A_193 = vector.extract %slice3A_192[0] : f32 from vector<1xf32>
        %sub3A_194 = vector.broadcast %squeeze3A_189 : f32 to vector<16xf32>
        %sub3A_195 = arith.subf %get3A_22, %sub3A_194 : vector<16xf32>
        %mul3A_196 = vector.broadcast %squeeze3A_193 : f32 to vector<16xf32>
        %mul3A_197 = arith.mulf %mul3A_196, %sub3A_195 : vector<16xf32>
        %mul3A_198 = arith.mulf %mul3A_197, %sub3A_195 : vector<16xf32>
        %sub3A_199 = vector.broadcast %squeeze3A_191 : f32 to vector<16xf32>
        %sub3A_200 = arith.subf %sub3A_199, %mul3A_198 : vector<16xf32>
        %mul3A_201 = arith.constant 16 : i32
        %mul3A_202 = arith.muli %mul3A_201, %scan3A_61 : i32
        %add3A_203 = arith.constant 1 : i32
        %add3A_204 = arith.addi %mul3A_202, %add3A_203 : i32
        %swap3A_205 = arith.index_cast %add3A_204 : i32 to index
        %swap3A_206 = arith.constant 16 : index
        %swap3A_207 = tpu.vector_load %arg15[%swap3A_205, %swap3A_206] {strides = array<i32>} : memref<256x32xf32, #tpu.memory_space<vmem>>, vector<1x16xf32>,
        %swap3A_208 = vector.shape_cast %swap3A_207 : vector<1x16xf32> to vector<16xf32>
        %swap3A_209 = vector.shape_cast %sub3A_200 : vector<16xf32> to vector<1x16xf32>
        tpu.vector_store %arg15[%swap3A_205, %swap3A_206], %swap3A_209 {strides = array<i32>} : memref<256x32xf32, #tpu.memory_space<vmem>>, vector<1x16xf32>,
        %slice3A_210 = vector.extract_strided_slice %get3A_69 {offsets = [2], sizes = [1], strides = [1]} : vector<16xf32> to vector<1xf32>
        %squeeze3A_211 = vector.extract %slice3A_210[0] : f32 from vector<1xf32>
        %slice3A_212 = vector.extract_strided_slice %get3A_73 {offsets = [2], sizes = [1], strides = [1]} : vector<16xf32> to vector<1xf32>
        %squeeze3A_213 = vector.extract %slice3A_212[0] : f32 from vector<1xf32>
        %slice3A_214 = vector.extract_strided_slice %get3A_77 {offsets = [2], sizes = [1], strides = [1]} : vector<16xf32> to vector<1xf32>
        %squeeze3A_215 = vector.extract %slice3A_214[0] : f32 from vector<1xf32>
        %sub3A_216 = vector.broadcast %squeeze3A_211 : f32 to vector<16xf32>
        %sub3A_217 = arith.subf %get3A_22, %sub3A_216 : vector<16xf32>
        %mul3A_218 = vector.broadcast %squeeze3A_215 : f32 to vector<16xf32>
        %mul3A_219 = arith.mulf %mul3A_218, %sub3A_217 : vector<16xf32>
        %mul3A_220 = arith.mulf %mul3A_219, %sub3A_217 : vector<16xf32>
        %sub3A_221 = vector.broadcast %squeeze3A_213 : f32 to vector<16xf32>
        %sub3A_222 = arith.subf %sub3A_221, %mul3A_220 : vector<16xf32>
        %mul3A_223 = arith.constant 16 : i32
        %mul3A_224 = arith.muli %mul3A_223, %scan3A_61 : i32
        %add3A_225 = arith.constant 2 : i32
        %add3A_226 = arith.addi %mul3A_224, %add3A_225 : i32
        %swap3A_227 = arith.index_cast %add3A_226 : i32 to index
        %swap3A_228 = arith.constant 16 : index
        %swap3A_229 = tpu.vector_load %arg15[%swap3A_227, %swap3A_228] {strides = array<i32>} : memref<256x32xf32, #tpu.memory_space<vmem>>, vector<1x16xf32>,
        %swap3A_230 = vector.shape_cast %swap3A_229 : vector<1x16xf32> to vector<16xf32>
        %swap3A_231 = vector.shape_cast %sub3A_222 : vector<16xf32> to vector<1x16xf32>
        tpu.vector_store %arg15[%swap3A_227, %swap3A_228], %swap3A_231 {strides = array<i32>} : memref<256x32xf32, #tpu.memory_space<vmem>>, vector<1x16xf32>,
        %slice3A_232 = vector.extract_strided_slice %get3A_69 {offsets = [3], sizes = [1], strides = [1]} : vector<16xf32> to vector<1xf32>
        %squeeze3A_233 = vector.extract %slice3A_232[0] : f32 from vector<1xf32>
        %slice3A_234 = vector.extract_strided_slice %get3A_73 {offsets = [3], sizes = [1], strides = [1]} : vector<16xf32> to vector<1xf32>
        %squeeze3A_235 = vector.extract %slice3A_234[0] : f32 from vector<1xf32>
        %slice3A_236 = vector.extract_strided_slice %get3A_77 {offsets = [3], sizes = [1], strides = [1]} : vector<16xf32> to vector<1xf32>
        %squeeze3A_237 = vector.extract %slice3A_236[0] : f32 from vector<1xf32>
        %sub3A_238 = vector.broadcast %squeeze3A_233 : f32 to vector<16xf32>
        %sub3A_239 = arith.subf %get3A_22, %sub3A_238 : vector<16xf32>
        %mul3A_240 = vector.broadcast %squeeze3A_237 : f32 to vector<16xf32>
        %mul3A_241 = arith.mulf %mul3A_240, %sub3A_239 : vector<16xf32>
        %mul3A_242 = arith.mulf %mul3A_241, %sub3A_239 : vector<16xf32>
        %sub3A_243 = vector.broadcast %squeeze3A_235 : f32 to vector<16xf32>
        %sub3A_244 = arith.subf %sub3A_243, %mul3A_242 : vector<16xf32>
        %mul3A_245 = arith.constant 16 : i32
        %mul3A_246 = arith.muli %mul3A_245, %scan3A_61 : i32
        %add3A_247 = arith.constant 3 : i32
        %add3A_248 = arith.addi %mul3A_246, %add3A_247 : i32
        %swap3A_249 = arith.index_cast %add3A_248 : i32 to index
        %swap3A_250 = arith.constant 16 : index
        %swap3A_251 = tpu.vector_load %arg15[%swap3A_249, %swap3A_250] {strides = array<i32>} : memref<256x32xf32, #tpu.memory_space<vmem>>, vector<1x16xf32>,
        %swap3A_252 = vector.shape_cast %swap3A_251 : vector<1x16xf32> to vector<16xf32>
        %swap3A_253 = vector.shape_cast %sub3A_244 : vector<16xf32> to vector<1x16xf32>
        tpu.vector_store %arg15[%swap3A_249, %swap3A_250], %swap3A_253 {strides = array<i32>} : memref<256x32xf32, #tpu.memory_space<vmem>>, vector<1x16xf32>,
        %max3A_254 = arith.maximumf %sub3A_178, %sub3A_200 : vector<16xf32>
        %max3A_255 = arith.maximumf %sub3A_222, %sub3A_244 : vector<16xf32>
        %max3A_256 = arith.maximumf %max3A_254, %max3A_255 : vector<16xf32>
        %max3A_257 = arith.maximumf %scan3A_63, %max3A_256 : vector<16xf32>
        %slice3A_258 = vector.extract_strided_slice %get3A_69 {offsets = [4], sizes = [1], strides = [1]} : vector<16xf32> to vector<1xf32>
        %squeeze3A_259 = vector.extract %slice3A_258[0] : f32 from vector<1xf32>
        %slice3A_260 = vector.extract_strided_slice %get3A_73 {offsets = [4], sizes = [1], strides = [1]} : vector<16xf32> to vector<1xf32>
        %squeeze3A_261 = vector.extract %slice3A_260[0] : f32 from vector<1xf32>
        %slice3A_262 = vector.extract_strided_slice %get3A_77 {offsets = [4], sizes = [1], strides = [1]} : vector<16xf32> to vector<1xf32>
        %squeeze3A_263 = vector.extract %slice3A_262[0] : f32 from vector<1xf32>
        %sub3A_264 = vector.broadcast %squeeze3A_259 : f32 to vector<16xf32>
        %sub3A_265 = arith.subf %get3A_18, %sub3A_264 : vector<16xf32>
        %mul3A_266 = vector.broadcast %squeeze3A_263 : f32 to vector<16xf32>
        %mul3A_267 = arith.mulf %mul3A_266, %sub3A_265 : vector<16xf32>
        %mul3A_268 = arith.mulf %mul3A_267, %sub3A_265 : vector<16xf32>
        %sub3A_269 = vector.broadcast %squeeze3A_261 : f32 to vector<16xf32>
        %sub3A_270 = arith.subf %sub3A_269, %mul3A_268 : vector<16xf32>
        %mul3A_271 = arith.constant 16 : i32
        %mul3A_272 = arith.muli %mul3A_271, %scan3A_61 : i32
        %add3A_273 = arith.constant 4 : i32
        %add3A_274 = arith.addi %mul3A_272, %add3A_273 : i32
        %swap3A_275 = arith.index_cast %add3A_274 : i32 to index
        %swap3A_276 = arith.constant 0 : index
        %swap3A_277 = tpu.vector_load %arg15[%swap3A_275, %swap3A_276] {strides = array<i32>} : memref<256x32xf32, #tpu.memory_space<vmem>>, vector<1x16xf32>,
        %swap3A_278 = vector.shape_cast %swap3A_277 : vector<1x16xf32> to vector<16xf32>
        %swap3A_279 = vector.shape_cast %sub3A_270 : vector<16xf32> to vector<1x16xf32>
        tpu.vector_store %arg15[%swap3A_275, %swap3A_276], %swap3A_279 {strides = array<i32>} : memref<256x32xf32, #tpu.memory_space<vmem>>, vector<1x16xf32>,
        %slice3A_280 = vector.extract_strided_slice %get3A_69 {offsets = [5], sizes = [1], strides = [1]} : vector<16xf32> to vector<1xf32>
        %squeeze3A_281 = vector.extract %slice3A_280[0] : f32 from vector<1xf32>
        %slice3A_282 = vector.extract_strided_slice %get3A_73 {offsets = [5], sizes = [1], strides = [1]} : vector<16xf32> to vector<1xf32>
        %squeeze3A_283 = vector.extract %slice3A_282[0] : f32 from vector<1xf32>
        %slice3A_284 = vector.extract_strided_slice %get3A_77 {offsets = [5], sizes = [1], strides = [1]} : vector<16xf32> to vector<1xf32>
        %squeeze3A_285 = vector.extract %slice3A_284[0] : f32 from vector<1xf32>
        %sub3A_286 = vector.broadcast %squeeze3A_281 : f32 to vector<16xf32>
        %sub3A_287 = arith.subf %get3A_18, %sub3A_286 : vector<16xf32>
        %mul3A_288 = vector.broadcast %squeeze3A_285 : f32 to vector<16xf32>
        %mul3A_289 = arith.mulf %mul3A_288, %sub3A_287 : vector<16xf32>
        %mul3A_290 = arith.mulf %mul3A_289, %sub3A_287 : vector<16xf32>
        %sub3A_291 = vector.broadcast %squeeze3A_283 : f32 to vector<16xf32>
        %sub3A_292 = arith.subf %sub3A_291, %mul3A_290 : vector<16xf32>
        %mul3A_293 = arith.constant 16 : i32
        %mul3A_294 = arith.muli %mul3A_293, %scan3A_61 : i32
        %add3A_295 = arith.constant 5 : i32
        %add3A_296 = arith.addi %mul3A_294, %add3A_295 : i32
        %swap3A_297 = arith.index_cast %add3A_296 : i32 to index
        %swap3A_298 = arith.constant 0 : index
        %swap3A_299 = tpu.vector_load %arg15[%swap3A_297, %swap3A_298] {strides = array<i32>} : memref<256x32xf32, #tpu.memory_space<vmem>>, vector<1x16xf32>,
        %swap3A_300 = vector.shape_cast %swap3A_299 : vector<1x16xf32> to vector<16xf32>
        %swap3A_301 = vector.shape_cast %sub3A_292 : vector<16xf32> to vector<1x16xf32>
        tpu.vector_store %arg15[%swap3A_297, %swap3A_298], %swap3A_301 {strides = array<i32>} : memref<256x32xf32, #tpu.memory_space<vmem>>, vector<1x16xf32>,
        %slice3A_302 = vector.extract_strided_slice %get3A_69 {offsets = [6], sizes = [1], strides = [1]} : vector<16xf32> to vector<1xf32>
        %squeeze3A_303 = vector.extract %slice3A_302[0] : f32 from vector<1xf32>
        %slice3A_304 = vector.extract_strided_slice %get3A_73 {offsets = [6], sizes = [1], strides = [1]} : vector<16xf32> to vector<1xf32>
        %squeeze3A_305 = vector.extract %slice3A_304[0] : f32 from vector<1xf32>
        %slice3A_306 = vector.extract_strided_slice %get3A_77 {offsets = [6], sizes = [1], strides = [1]} : vector<16xf32> to vector<1xf32>
        %squeeze3A_307 = vector.extract %slice3A_306[0] : f32 from vector<1xf32>
        %sub3A_308 = vector.broadcast %squeeze3A_303 : f32 to vector<16xf32>
        %sub3A_309 = arith.subf %get3A_18, %sub3A_308 : vector<16xf32>
        %mul3A_310 = vector.broadcast %squeeze3A_307 : f32 to vector<16xf32>
        %mul3A_311 = arith.mulf %mul3A_310, %sub3A_309 : vector<16xf32>
        %mul3A_312 = arith.mulf %mul3A_311, %sub3A_309 : vector<16xf32>
        %sub3A_313 = vector.broadcast %squeeze3A_305 : f32 to vector<16xf32>
        %sub3A_314 = arith.subf %sub3A_313, %mul3A_312 : vector<16xf32>
        %mul3A_315 = arith.constant 16 : i32
        %mul3A_316 = arith.muli %mul3A_315, %scan3A_61 : i32
        %add3A_317 = arith.constant 6 : i32
        %add3A_318 = arith.addi %mul3A_316, %add3A_317 : i32
        %swap3A_319 = arith.index_cast %add3A_318 : i32 to index
        %swap3A_320 = arith.constant 0 : index
        %swap3A_321 = tpu.vector_load %arg15[%swap3A_319, %swap3A_320] {strides = array<i32>} : memref<256x32xf32, #tpu.memory_space<vmem>>, vector<1x16xf32>,
        %swap3A_322 = vector.shape_cast %swap3A_321 : vector<1x16xf32> to vector<16xf32>
        %swap3A_323 = vector.shape_cast %sub3A_314 : vector<16xf32> to vector<1x16xf32>
        tpu.vector_store %arg15[%swap3A_319, %swap3A_320], %swap3A_323 {strides = array<i32>} : memref<256x32xf32, #tpu.memory_space<vmem>>, vector<1x16xf32>,
        %slice3A_324 = vector.extract_strided_slice %get3A_69 {offsets = [7], sizes = [1], strides = [1]} : vector<16xf32> to vector<1xf32>
        %squeeze3A_325 = vector.extract %slice3A_324[0] : f32 from vector<1xf32>
        %slice3A_326 = vector.extract_strided_slice %get3A_73 {offsets = [7], sizes = [1], strides = [1]} : vector<16xf32> to vector<1xf32>
        %squeeze3A_327 = vector.extract %slice3A_326[0] : f32 from vector<1xf32>
        %slice3A_328 = vector.extract_strided_slice %get3A_77 {offsets = [7], sizes = [1], strides = [1]} : vector<16xf32> to vector<1xf32>
        %squeeze3A_329 = vector.extract %slice3A_328[0] : f32 from vector<1xf32>
        %sub3A_330 = vector.broadcast %squeeze3A_325 : f32 to vector<16xf32>
        %sub3A_331 = arith.subf %get3A_18, %sub3A_330 : vector<16xf32>
        %mul3A_332 = vector.broadcast %squeeze3A_329 : f32 to vector<16xf32>
        %mul3A_333 = arith.mulf %mul3A_332, %sub3A_331 : vector<16xf32>
        %mul3A_334 = arith.mulf %mul3A_333, %sub3A_331 : vector<16xf32>
        %sub3A_335 = vector.broadcast %squeeze3A_327 : f32 to vector<16xf32>
        %sub3A_336 = arith.subf %sub3A_335, %mul3A_334 : vector<16xf32>
        %mul3A_337 = arith.constant 16 : i32
        %mul3A_338 = arith.muli %mul3A_337, %scan3A_61 : i32
        %add3A_339 = arith.constant 7 : i32
        %add3A_340 = arith.addi %mul3A_338, %add3A_339 : i32
        %swap3A_341 = arith.index_cast %add3A_340 : i32 to index
        %swap3A_342 = arith.constant 0 : index
        %swap3A_343 = tpu.vector_load %arg15[%swap3A_341, %swap3A_342] {strides = array<i32>} : memref<256x32xf32, #tpu.memory_space<vmem>>, vector<1x16xf32>,
        %swap3A_344 = vector.shape_cast %swap3A_343 : vector<1x16xf32> to vector<16xf32>
        %swap3A_345 = vector.shape_cast %sub3A_336 : vector<16xf32> to vector<1x16xf32>
        tpu.vector_store %arg15[%swap3A_341, %swap3A_342], %swap3A_345 {strides = array<i32>} : memref<256x32xf32, #tpu.memory_space<vmem>>, vector<1x16xf32>,
        %max3A_346 = arith.maximumf %sub3A_270, %sub3A_292 : vector<16xf32>
        %max3A_347 = arith.maximumf %sub3A_314, %sub3A_336 : vector<16xf32>
        %max3A_348 = arith.maximumf %max3A_346, %max3A_347 : vector<16xf32>
        %max3A_349 = arith.maximumf %max3A_165, %max3A_348 : vector<16xf32>
        %slice3A_350 = vector.extract_strided_slice %get3A_69 {offsets = [4], sizes = [1], strides = [1]} : vector<16xf32> to vector<1xf32>
        %squeeze3A_351 = vector.extract %slice3A_350[0] : f32 from vector<1xf32>
        %slice3A_352 = vector.extract_strided_slice %get3A_73 {offsets = [4], sizes = [1], strides = [1]} : vector<16xf32> to vector<1xf32>
        %squeeze3A_353 = vector.extract %slice3A_352[0] : f32 from vector<1xf32>
        %slice3A_354 = vector.extract_strided_slice %get3A_77 {offsets = [4], sizes = [1], strides = [1]} : vector<16xf32> to vector<1xf32>
        %squeeze3A_355 = vector.extract %slice3A_354[0] : f32 from vector<1xf32>
        %sub3A_356 = vector.broadcast %squeeze3A_351 : f32 to vector<16xf32>
        %sub3A_357 = arith.subf %get3A_22, %sub3A_356 : vector<16xf32>
        %mul3A_358 = vector.broadcast %squeeze3A_355 : f32 to vector<16xf32>
        %mul3A_359 = arith.mulf %mul3A_358, %sub3A_357 : vector<16xf32>
        %mul3A_360 = arith.mulf %mul3A_359, %sub3A_357 : vector<16xf32>
        %sub3A_361 = vector.broadcast %squeeze3A_353 : f32 to vector<16xf32>
        %sub3A_362 = arith.subf %sub3A_361, %mul3A_360 : vector<16xf32>
        %mul3A_363 = arith.constant 16 : i32
        %mul3A_364 = arith.muli %mul3A_363, %scan3A_61 : i32
        %add3A_365 = arith.constant 4 : i32
        %add3A_366 = arith.addi %mul3A_364, %add3A_365 : i32
        %swap3A_367 = arith.index_cast %add3A_366 : i32 to index
        %swap3A_368 = arith.constant 16 : index
        %swap3A_369 = tpu.vector_load %arg15[%swap3A_367, %swap3A_368] {strides = array<i32>} : memref<256x32xf32, #tpu.memory_space<vmem>>, vector<1x16xf32>,
        %swap3A_370 = vector.shape_cast %swap3A_369 : vector<1x16xf32> to vector<16xf32>
        %swap3A_371 = vector.shape_cast %sub3A_362 : vector<16xf32> to vector<1x16xf32>
        tpu.vector_store %arg15[%swap3A_367, %swap3A_368], %swap3A_371 {strides = array<i32>} : memref<256x32xf32, #tpu.memory_space<vmem>>, vector<1x16xf32>,
        %slice3A_372 = vector.extract_strided_slice %get3A_69 {offsets = [5], sizes = [1], strides = [1]} : vector<16xf32> to vector<1xf32>
        %squeeze3A_373 = vector.extract %slice3A_372[0] : f32 from vector<1xf32>
        %slice3A_374 = vector.extract_strided_slice %get3A_73 {offsets = [5], sizes = [1], strides = [1]} : vector<16xf32> to vector<1xf32>
        %squeeze3A_375 = vector.extract %slice3A_374[0] : f32 from vector<1xf32>
        %slice3A_376 = vector.extract_strided_slice %get3A_77 {offsets = [5], sizes = [1], strides = [1]} : vector<16xf32> to vector<1xf32>
        %squeeze3A_377 = vector.extract %slice3A_376[0] : f32 from vector<1xf32>
        %sub3A_378 = vector.broadcast %squeeze3A_373 : f32 to vector<16xf32>
        %sub3A_379 = arith.subf %get3A_22, %sub3A_378 : vector<16xf32>
        %mul3A_380 = vector.broadcast %squeeze3A_377 : f32 to vector<16xf32>
        %mul3A_381 = arith.mulf %mul3A_380, %sub3A_379 : vector<16xf32>
        %mul3A_382 = arith.mulf %mul3A_381, %sub3A_379 : vector<16xf32>
        %sub3A_383 = vector.broadcast %squeeze3A_375 : f32 to vector<16xf32>
        %sub3A_384 = arith.subf %sub3A_383, %mul3A_382 : vector<16xf32>
        %mul3A_385 = arith.constant 16 : i32
        %mul3A_386 = arith.muli %mul3A_385, %scan3A_61 : i32
        %add3A_387 = arith.constant 5 : i32
        %add3A_388 = arith.addi %mul3A_386, %add3A_387 : i32
        %swap3A_389 = arith.index_cast %add3A_388 : i32 to index
        %swap3A_390 = arith.constant 16 : index
        %swap3A_391 = tpu.vector_load %arg15[%swap3A_389, %swap3A_390] {strides = array<i32>} : memref<256x32xf32, #tpu.memory_space<vmem>>, vector<1x16xf32>,
        %swap3A_392 = vector.shape_cast %swap3A_391 : vector<1x16xf32> to vector<16xf32>
        %swap3A_393 = vector.shape_cast %sub3A_384 : vector<16xf32> to vector<1x16xf32>
        tpu.vector_store %arg15[%swap3A_389, %swap3A_390], %swap3A_393 {strides = array<i32>} : memref<256x32xf32, #tpu.memory_space<vmem>>, vector<1x16xf32>,
        %slice3A_394 = vector.extract_strided_slice %get3A_69 {offsets = [6], sizes = [1], strides = [1]} : vector<16xf32> to vector<1xf32>
        %squeeze3A_395 = vector.extract %slice3A_394[0] : f32 from vector<1xf32>
        %slice3A_396 = vector.extract_strided_slice %get3A_73 {offsets = [6], sizes = [1], strides = [1]} : vector<16xf32> to vector<1xf32>
        %squeeze3A_397 = vector.extract %slice3A_396[0] : f32 from vector<1xf32>
        %slice3A_398 = vector.extract_strided_slice %get3A_77 {offsets = [6], sizes = [1], strides = [1]} : vector<16xf32> to vector<1xf32>
        %squeeze3A_399 = vector.extract %slice3A_398[0] : f32 from vector<1xf32>
        %sub3A_400 = vector.broadcast %squeeze3A_395 : f32 to vector<16xf32>
        %sub3A_401 = arith.subf %get3A_22, %sub3A_400 : vector<16xf32>
        %mul3A_402 = vector.broadcast %squeeze3A_399 : f32 to vector<16xf32>
        %mul3A_403 = arith.mulf %mul3A_402, %sub3A_401 : vector<16xf32>
        %mul3A_404 = arith.mulf %mul3A_403, %sub3A_401 : vector<16xf32>
        %sub3A_405 = vector.broadcast %squeeze3A_397 : f32 to vector<16xf32>
        %sub3A_406 = arith.subf %sub3A_405, %mul3A_404 : vector<16xf32>
        %mul3A_407 = arith.constant 16 : i32
        %mul3A_408 = arith.muli %mul3A_407, %scan3A_61 : i32
        %add3A_409 = arith.constant 6 : i32
        %add3A_410 = arith.addi %mul3A_408, %add3A_409 : i32
        %swap3A_411 = arith.index_cast %add3A_410 : i32 to index
        %swap3A_412 = arith.constant 16 : index
        %swap3A_413 = tpu.vector_load %arg15[%swap3A_411, %swap3A_412] {strides = array<i32>} : memref<256x32xf32, #tpu.memory_space<vmem>>, vector<1x16xf32>,
        %swap3A_414 = vector.shape_cast %swap3A_413 : vector<1x16xf32> to vector<16xf32>
        %swap3A_415 = vector.shape_cast %sub3A_406 : vector<16xf32> to vector<1x16xf32>
        tpu.vector_store %arg15[%swap3A_411, %swap3A_412], %swap3A_415 {strides = array<i32>} : memref<256x32xf32, #tpu.memory_space<vmem>>, vector<1x16xf32>,
        %slice3A_416 = vector.extract_strided_slice %get3A_69 {offsets = [7], sizes = [1], strides = [1]} : vector<16xf32> to vector<1xf32>
        %squeeze3A_417 = vector.extract %slice3A_416[0] : f32 from vector<1xf32>
        %slice3A_418 = vector.extract_strided_slice %get3A_73 {offsets = [7], sizes = [1], strides = [1]} : vector<16xf32> to vector<1xf32>
        %squeeze3A_419 = vector.extract %slice3A_418[0] : f32 from vector<1xf32>
        %slice3A_420 = vector.extract_strided_slice %get3A_77 {offsets = [7], sizes = [1], strides = [1]} : vector<16xf32> to vector<1xf32>
        %squeeze3A_421 = vector.extract %slice3A_420[0] : f32 from vector<1xf32>
        %sub3A_422 = vector.broadcast %squeeze3A_417 : f32 to vector<16xf32>
        %sub3A_423 = arith.subf %get3A_22, %sub3A_422 : vector<16xf32>
        %mul3A_424 = vector.broadcast %squeeze3A_421 : f32 to vector<16xf32>
        %mul3A_425 = arith.mulf %mul3A_424, %sub3A_423 : vector<16xf32>
        %mul3A_426 = arith.mulf %mul3A_425, %sub3A_423 : vector<16xf32>
        %sub3A_427 = vector.broadcast %squeeze3A_419 : f32 to vector<16xf32>
        %sub3A_428 = arith.subf %sub3A_427, %mul3A_426 : vector<16xf32>
        %mul3A_429 = arith.constant 16 : i32
        %mul3A_430 = arith.muli %mul3A_429, %scan3A_61 : i32
        %add3A_431 = arith.constant 7 : i32
        %add3A_432 = arith.addi %mul3A_430, %add3A_431 : i32
        %swap3A_433 = arith.index_cast %add3A_432 : i32 to index
        %swap3A_434 = arith.constant 16 : index
        %swap3A_435 = tpu.vector_load %arg15[%swap3A_433, %swap3A_434] {strides = array<i32>} : memref<256x32xf32, #tpu.memory_space<vmem>>, vector<1x16xf32>,
        %swap3A_436 = vector.shape_cast %swap3A_435 : vector<1x16xf32> to vector<16xf32>
        %swap3A_437 = vector.shape_cast %sub3A_428 : vector<16xf32> to vector<1x16xf32>
        tpu.vector_store %arg15[%swap3A_433, %swap3A_434], %swap3A_437 {strides = array<i32>} : memref<256x32xf32, #tpu.memory_space<vmem>>, vector<1x16xf32>,
        %max3A_438 = arith.maximumf %sub3A_362, %sub3A_384 : vector<16xf32>
        %max3A_439 = arith.maximumf %sub3A_406, %sub3A_428 : vector<16xf32>
        %max3A_440 = arith.maximumf %max3A_438, %max3A_439 : vector<16xf32>
        %max3A_441 = arith.maximumf %max3A_257, %max3A_440 : vector<16xf32>
        %slice3A_442 = vector.extract_strided_slice %get3A_69 {offsets = [8], sizes = [1], strides = [1]} : vector<16xf32> to vector<1xf32>
        %squeeze3A_443 = vector.extract %slice3A_442[0] : f32 from vector<1xf32>
        %slice3A_444 = vector.extract_strided_slice %get3A_73 {offsets = [8], sizes = [1], strides = [1]} : vector<16xf32> to vector<1xf32>
        %squeeze3A_445 = vector.extract %slice3A_444[0] : f32 from vector<1xf32>
        %slice3A_446 = vector.extract_strided_slice %get3A_77 {offsets = [8], sizes = [1], strides = [1]} : vector<16xf32> to vector<1xf32>
        %squeeze3A_447 = vector.extract %slice3A_446[0] : f32 from vector<1xf32>
        %sub3A_448 = vector.broadcast %squeeze3A_443 : f32 to vector<16xf32>
        %sub3A_449 = arith.subf %get3A_18, %sub3A_448 : vector<16xf32>
        %mul3A_450 = vector.broadcast %squeeze3A_447 : f32 to vector<16xf32>
        %mul3A_451 = arith.mulf %mul3A_450, %sub3A_449 : vector<16xf32>
        %mul3A_452 = arith.mulf %mul3A_451, %sub3A_449 : vector<16xf32>
        %sub3A_453 = vector.broadcast %squeeze3A_445 : f32 to vector<16xf32>
        %sub3A_454 = arith.subf %sub3A_453, %mul3A_452 : vector<16xf32>
        %mul3A_455 = arith.constant 16 : i32
        %mul3A_456 = arith.muli %mul3A_455, %scan3A_61 : i32
        %add3A_457 = arith.constant 8 : i32
        %add3A_458 = arith.addi %mul3A_456, %add3A_457 : i32
        %swap3A_459 = arith.index_cast %add3A_458 : i32 to index
        %swap3A_460 = arith.constant 0 : index
        %swap3A_461 = tpu.vector_load %arg15[%swap3A_459, %swap3A_460] {strides = array<i32>} : memref<256x32xf32, #tpu.memory_space<vmem>>, vector<1x16xf32>,
        %swap3A_462 = vector.shape_cast %swap3A_461 : vector<1x16xf32> to vector<16xf32>
        %swap3A_463 = vector.shape_cast %sub3A_454 : vector<16xf32> to vector<1x16xf32>
        tpu.vector_store %arg15[%swap3A_459, %swap3A_460], %swap3A_463 {strides = array<i32>} : memref<256x32xf32, #tpu.memory_space<vmem>>, vector<1x16xf32>,
        %slice3A_464 = vector.extract_strided_slice %get3A_69 {offsets = [9], sizes = [1], strides = [1]} : vector<16xf32> to vector<1xf32>
        %squeeze3A_465 = vector.extract %slice3A_464[0] : f32 from vector<1xf32>
        %slice3A_466 = vector.extract_strided_slice %get3A_73 {offsets = [9], sizes = [1], strides = [1]} : vector<16xf32> to vector<1xf32>
        %squeeze3A_467 = vector.extract %slice3A_466[0] : f32 from vector<1xf32>
        %slice3A_468 = vector.extract_strided_slice %get3A_77 {offsets = [9], sizes = [1], strides = [1]} : vector<16xf32> to vector<1xf32>
        %squeeze3A_469 = vector.extract %slice3A_468[0] : f32 from vector<1xf32>
        %sub3A_470 = vector.broadcast %squeeze3A_465 : f32 to vector<16xf32>
        %sub3A_471 = arith.subf %get3A_18, %sub3A_470 : vector<16xf32>
        %mul3A_472 = vector.broadcast %squeeze3A_469 : f32 to vector<16xf32>
        %mul3A_473 = arith.mulf %mul3A_472, %sub3A_471 : vector<16xf32>
        %mul3A_474 = arith.mulf %mul3A_473, %sub3A_471 : vector<16xf32>
        %sub3A_475 = vector.broadcast %squeeze3A_467 : f32 to vector<16xf32>
        %sub3A_476 = arith.subf %sub3A_475, %mul3A_474 : vector<16xf32>
        %mul3A_477 = arith.constant 16 : i32
        %mul3A_478 = arith.muli %mul3A_477, %scan3A_61 : i32
        %add3A_479 = arith.constant 9 : i32
        %add3A_480 = arith.addi %mul3A_478, %add3A_479 : i32
        %swap3A_481 = arith.index_cast %add3A_480 : i32 to index
        %swap3A_482 = arith.constant 0 : index
        %swap3A_483 = tpu.vector_load %arg15[%swap3A_481, %swap3A_482] {strides = array<i32>} : memref<256x32xf32, #tpu.memory_space<vmem>>, vector<1x16xf32>,
        %swap3A_484 = vector.shape_cast %swap3A_483 : vector<1x16xf32> to vector<16xf32>
        %swap3A_485 = vector.shape_cast %sub3A_476 : vector<16xf32> to vector<1x16xf32>
        tpu.vector_store %arg15[%swap3A_481, %swap3A_482], %swap3A_485 {strides = array<i32>} : memref<256x32xf32, #tpu.memory_space<vmem>>, vector<1x16xf32>,
        %slice3A_486 = vector.extract_strided_slice %get3A_69 {offsets = [10], sizes = [1], strides = [1]} : vector<16xf32> to vector<1xf32>
        %squeeze3A_487 = vector.extract %slice3A_486[0] : f32 from vector<1xf32>
        %slice3A_488 = vector.extract_strided_slice %get3A_73 {offsets = [10], sizes = [1], strides = [1]} : vector<16xf32> to vector<1xf32>
        %squeeze3A_489 = vector.extract %slice3A_488[0] : f32 from vector<1xf32>
        %slice3A_490 = vector.extract_strided_slice %get3A_77 {offsets = [10], sizes = [1], strides = [1]} : vector<16xf32> to vector<1xf32>
        %squeeze3A_491 = vector.extract %slice3A_490[0] : f32 from vector<1xf32>
        %sub3A_492 = vector.broadcast %squeeze3A_487 : f32 to vector<16xf32>
        %sub3A_493 = arith.subf %get3A_18, %sub3A_492 : vector<16xf32>
        %mul3A_494 = vector.broadcast %squeeze3A_491 : f32 to vector<16xf32>
        %mul3A_495 = arith.mulf %mul3A_494, %sub3A_493 : vector<16xf32>
        %mul3A_496 = arith.mulf %mul3A_495, %sub3A_493 : vector<16xf32>
        %sub3A_497 = vector.broadcast %squeeze3A_489 : f32 to vector<16xf32>
        %sub3A_498 = arith.subf %sub3A_497, %mul3A_496 : vector<16xf32>
        %mul3A_499 = arith.constant 16 : i32
        %mul3A_500 = arith.muli %mul3A_499, %scan3A_61 : i32
        %add3A_501 = arith.constant 10 : i32
        %add3A_502 = arith.addi %mul3A_500, %add3A_501 : i32
        %swap3A_503 = arith.index_cast %add3A_502 : i32 to index
        %swap3A_504 = arith.constant 0 : index
        %swap3A_505 = tpu.vector_load %arg15[%swap3A_503, %swap3A_504] {strides = array<i32>} : memref<256x32xf32, #tpu.memory_space<vmem>>, vector<1x16xf32>,
        %swap3A_506 = vector.shape_cast %swap3A_505 : vector<1x16xf32> to vector<16xf32>
        %swap3A_507 = vector.shape_cast %sub3A_498 : vector<16xf32> to vector<1x16xf32>
        tpu.vector_store %arg15[%swap3A_503, %swap3A_504], %swap3A_507 {strides = array<i32>} : memref<256x32xf32, #tpu.memory_space<vmem>>, vector<1x16xf32>,
        %slice3A_508 = vector.extract_strided_slice %get3A_69 {offsets = [11], sizes = [1], strides = [1]} : vector<16xf32> to vector<1xf32>
        %squeeze3A_509 = vector.extract %slice3A_508[0] : f32 from vector<1xf32>
        %slice3A_510 = vector.extract_strided_slice %get3A_73 {offsets = [11], sizes = [1], strides = [1]} : vector<16xf32> to vector<1xf32>
        %squeeze3A_511 = vector.extract %slice3A_510[0] : f32 from vector<1xf32>
        %slice3A_512 = vector.extract_strided_slice %get3A_77 {offsets = [11], sizes = [1], strides = [1]} : vector<16xf32> to vector<1xf32>
        %squeeze3A_513 = vector.extract %slice3A_512[0] : f32 from vector<1xf32>
        %sub3A_514 = vector.broadcast %squeeze3A_509 : f32 to vector<16xf32>
        %sub3A_515 = arith.subf %get3A_18, %sub3A_514 : vector<16xf32>
        %mul3A_516 = vector.broadcast %squeeze3A_513 : f32 to vector<16xf32>
        %mul3A_517 = arith.mulf %mul3A_516, %sub3A_515 : vector<16xf32>
        %mul3A_518 = arith.mulf %mul3A_517, %sub3A_515 : vector<16xf32>
        %sub3A_519 = vector.broadcast %squeeze3A_511 : f32 to vector<16xf32>
        %sub3A_520 = arith.subf %sub3A_519, %mul3A_518 : vector<16xf32>
        %mul3A_521 = arith.constant 16 : i32
        %mul3A_522 = arith.muli %mul3A_521, %scan3A_61 : i32
        %add3A_523 = arith.constant 11 : i32
        %add3A_524 = arith.addi %mul3A_522, %add3A_523 : i32
        %swap3A_525 = arith.index_cast %add3A_524 : i32 to index
        %swap3A_526 = arith.constant 0 : index
        %swap3A_527 = tpu.vector_load %arg15[%swap3A_525, %swap3A_526] {strides = array<i32>} : memref<256x32xf32, #tpu.memory_space<vmem>>, vector<1x16xf32>,
        %swap3A_528 = vector.shape_cast %swap3A_527 : vector<1x16xf32> to vector<16xf32>
        %swap3A_529 = vector.shape_cast %sub3A_520 : vector<16xf32> to vector<1x16xf32>
        tpu.vector_store %arg15[%swap3A_525, %swap3A_526], %swap3A_529 {strides = array<i32>} : memref<256x32xf32, #tpu.memory_space<vmem>>, vector<1x16xf32>,
        %max3A_530 = arith.maximumf %sub3A_454, %sub3A_476 : vector<16xf32>
        %max3A_531 = arith.maximumf %sub3A_498, %sub3A_520 : vector<16xf32>
        %max3A_532 = arith.maximumf %max3A_530, %max3A_531 : vector<16xf32>
        %max3A_533 = arith.maximumf %max3A_349, %max3A_532 : vector<16xf32>
        %slice3A_534 = vector.extract_strided_slice %get3A_69 {offsets = [8], sizes = [1], strides = [1]} : vector<16xf32> to vector<1xf32>
        %squeeze3A_535 = vector.extract %slice3A_534[0] : f32 from vector<1xf32>
        %slice3A_536 = vector.extract_strided_slice %get3A_73 {offsets = [8], sizes = [1], strides = [1]} : vector<16xf32> to vector<1xf32>
        %squeeze3A_537 = vector.extract %slice3A_536[0] : f32 from vector<1xf32>
        %slice3A_538 = vector.extract_strided_slice %get3A_77 {offsets = [8], sizes = [1], strides = [1]} : vector<16xf32> to vector<1xf32>
        %squeeze3A_539 = vector.extract %slice3A_538[0] : f32 from vector<1xf32>
        %sub3A_540 = vector.broadcast %squeeze3A_535 : f32 to vector<16xf32>
        %sub3A_541 = arith.subf %get3A_22, %sub3A_540 : vector<16xf32>
        %mul3A_542 = vector.broadcast %squeeze3A_539 : f32 to vector<16xf32>
        %mul3A_543 = arith.mulf %mul3A_542, %sub3A_541 : vector<16xf32>
        %mul3A_544 = arith.mulf %mul3A_543, %sub3A_541 : vector<16xf32>
        %sub3A_545 = vector.broadcast %squeeze3A_537 : f32 to vector<16xf32>
        %sub3A_546 = arith.subf %sub3A_545, %mul3A_544 : vector<16xf32>
        %mul3A_547 = arith.constant 16 : i32
        %mul3A_548 = arith.muli %mul3A_547, %scan3A_61 : i32
        %add3A_549 = arith.constant 8 : i32
        %add3A_550 = arith.addi %mul3A_548, %add3A_549 : i32
        %swap3A_551 = arith.index_cast %add3A_550 : i32 to index
        %swap3A_552 = arith.constant 16 : index
        %swap3A_553 = tpu.vector_load %arg15[%swap3A_551, %swap3A_552] {strides = array<i32>} : memref<256x32xf32, #tpu.memory_space<vmem>>, vector<1x16xf32>,
        %swap3A_554 = vector.shape_cast %swap3A_553 : vector<1x16xf32> to vector<16xf32>
        %swap3A_555 = vector.shape_cast %sub3A_546 : vector<16xf32> to vector<1x16xf32>
        tpu.vector_store %arg15[%swap3A_551, %swap3A_552], %swap3A_555 {strides = array<i32>} : memref<256x32xf32, #tpu.memory_space<vmem>>, vector<1x16xf32>,
        %slice3A_556 = vector.extract_strided_slice %get3A_69 {offsets = [9], sizes = [1], strides = [1]} : vector<16xf32> to vector<1xf32>
        %squeeze3A_557 = vector.extract %slice3A_556[0] : f32 from vector<1xf32>
        %slice3A_558 = vector.extract_strided_slice %get3A_73 {offsets = [9], sizes = [1], strides = [1]} : vector<16xf32> to vector<1xf32>
        %squeeze3A_559 = vector.extract %slice3A_558[0] : f32 from vector<1xf32>
        %slice3A_560 = vector.extract_strided_slice %get3A_77 {offsets = [9], sizes = [1], strides = [1]} : vector<16xf32> to vector<1xf32>
        %squeeze3A_561 = vector.extract %slice3A_560[0] : f32 from vector<1xf32>
        %sub3A_562 = vector.broadcast %squeeze3A_557 : f32 to vector<16xf32>
        %sub3A_563 = arith.subf %get3A_22, %sub3A_562 : vector<16xf32>
        %mul3A_564 = vector.broadcast %squeeze3A_561 : f32 to vector<16xf32>
        %mul3A_565 = arith.mulf %mul3A_564, %sub3A_563 : vector<16xf32>
        %mul3A_566 = arith.mulf %mul3A_565, %sub3A_563 : vector<16xf32>
        %sub3A_567 = vector.broadcast %squeeze3A_559 : f32 to vector<16xf32>
        %sub3A_568 = arith.subf %sub3A_567, %mul3A_566 : vector<16xf32>
        %mul3A_569 = arith.constant 16 : i32
        %mul3A_570 = arith.muli %mul3A_569, %scan3A_61 : i32
        %add3A_571 = arith.constant 9 : i32
        %add3A_572 = arith.addi %mul3A_570, %add3A_571 : i32
        %swap3A_573 = arith.index_cast %add3A_572 : i32 to index
        %swap3A_574 = arith.constant 16 : index
        %swap3A_575 = tpu.vector_load %arg15[%swap3A_573, %swap3A_574] {strides = array<i32>} : memref<256x32xf32, #tpu.memory_space<vmem>>, vector<1x16xf32>,
        %swap3A_576 = vector.shape_cast %swap3A_575 : vector<1x16xf32> to vector<16xf32>
        %swap3A_577 = vector.shape_cast %sub3A_568 : vector<16xf32> to vector<1x16xf32>
        tpu.vector_store %arg15[%swap3A_573, %swap3A_574], %swap3A_577 {strides = array<i32>} : memref<256x32xf32, #tpu.memory_space<vmem>>, vector<1x16xf32>,
        %slice3A_578 = vector.extract_strided_slice %get3A_69 {offsets = [10], sizes = [1], strides = [1]} : vector<16xf32> to vector<1xf32>
        %squeeze3A_579 = vector.extract %slice3A_578[0] : f32 from vector<1xf32>
        %slice3A_580 = vector.extract_strided_slice %get3A_73 {offsets = [10], sizes = [1], strides = [1]} : vector<16xf32> to vector<1xf32>
        %squeeze3A_581 = vector.extract %slice3A_580[0] : f32 from vector<1xf32>
        %slice3A_582 = vector.extract_strided_slice %get3A_77 {offsets = [10], sizes = [1], strides = [1]} : vector<16xf32> to vector<1xf32>
        %squeeze3A_583 = vector.extract %slice3A_582[0] : f32 from vector<1xf32>
        %sub3A_584 = vector.broadcast %squeeze3A_579 : f32 to vector<16xf32>
        %sub3A_585 = arith.subf %get3A_22, %sub3A_584 : vector<16xf32>
        %mul3A_586 = vector.broadcast %squeeze3A_583 : f32 to vector<16xf32>
        %mul3A_587 = arith.mulf %mul3A_586, %sub3A_585 : vector<16xf32>
        %mul3A_588 = arith.mulf %mul3A_587, %sub3A_585 : vector<16xf32>
        %sub3A_589 = vector.broadcast %squeeze3A_581 : f32 to vector<16xf32>
        %sub3A_590 = arith.subf %sub3A_589, %mul3A_588 : vector<16xf32>
        %mul3A_591 = arith.constant 16 : i32
        %mul3A_592 = arith.muli %mul3A_591, %scan3A_61 : i32
        %add3A_593 = arith.constant 10 : i32
        %add3A_594 = arith.addi %mul3A_592, %add3A_593 : i32
        %swap3A_595 = arith.index_cast %add3A_594 : i32 to index
        %swap3A_596 = arith.constant 16 : index
        %swap3A_597 = tpu.vector_load %arg15[%swap3A_595, %swap3A_596] {strides = array<i32>} : memref<256x32xf32, #tpu.memory_space<vmem>>, vector<1x16xf32>,
        %swap3A_598 = vector.shape_cast %swap3A_597 : vector<1x16xf32> to vector<16xf32>
        %swap3A_599 = vector.shape_cast %sub3A_590 : vector<16xf32> to vector<1x16xf32>
        tpu.vector_store %arg15[%swap3A_595, %swap3A_596], %swap3A_599 {strides = array<i32>} : memref<256x32xf32, #tpu.memory_space<vmem>>, vector<1x16xf32>,
        %slice3A_600 = vector.extract_strided_slice %get3A_69 {offsets = [11], sizes = [1], strides = [1]} : vector<16xf32> to vector<1xf32>
        %squeeze3A_601 = vector.extract %slice3A_600[0] : f32 from vector<1xf32>
        %slice3A_602 = vector.extract_strided_slice %get3A_73 {offsets = [11], sizes = [1], strides = [1]} : vector<16xf32> to vector<1xf32>
        %squeeze3A_603 = vector.extract %slice3A_602[0] : f32 from vector<1xf32>
        %slice3A_604 = vector.extract_strided_slice %get3A_77 {offsets = [11], sizes = [1], strides = [1]} : vector<16xf32> to vector<1xf32>
        %squeeze3A_605 = vector.extract %slice3A_604[0] : f32 from vector<1xf32>
        %sub3A_606 = vector.broadcast %squeeze3A_601 : f32 to vector<16xf32>
        %sub3A_607 = arith.subf %get3A_22, %sub3A_606 : vector<16xf32>
        %mul3A_608 = vector.broadcast %squeeze3A_605 : f32 to vector<16xf32>
        %mul3A_609 = arith.mulf %mul3A_608, %sub3A_607 : vector<16xf32>
        %mul3A_610 = arith.mulf %mul3A_609, %sub3A_607 : vector<16xf32>
        %sub3A_611 = vector.broadcast %squeeze3A_603 : f32 to vector<16xf32>
        %sub3A_612 = arith.subf %sub3A_611, %mul3A_610 : vector<16xf32>
        %mul3A_613 = arith.constant 16 : i32
        %mul3A_614 = arith.muli %mul3A_613, %scan3A_61 : i32
        %add3A_615 = arith.constant 11 : i32
        %add3A_616 = arith.addi %mul3A_614, %add3A_615 : i32
        %swap3A_617 = arith.index_cast %add3A_616 : i32 to index
        %swap3A_618 = arith.constant 16 : index
        %swap3A_619 = tpu.vector_load %arg15[%swap3A_617, %swap3A_618] {strides = array<i32>} : memref<256x32xf32, #tpu.memory_space<vmem>>, vector<1x16xf32>,
        %swap3A_620 = vector.shape_cast %swap3A_619 : vector<1x16xf32> to vector<16xf32>
        %swap3A_621 = vector.shape_cast %sub3A_612 : vector<16xf32> to vector<1x16xf32>
        tpu.vector_store %arg15[%swap3A_617, %swap3A_618], %swap3A_621 {strides = array<i32>} : memref<256x32xf32, #tpu.memory_space<vmem>>, vector<1x16xf32>,
        %max3A_622 = arith.maximumf %sub3A_546, %sub3A_568 : vector<16xf32>
        %max3A_623 = arith.maximumf %sub3A_590, %sub3A_612 : vector<16xf32>
        %max3A_624 = arith.maximumf %max3A_622, %max3A_623 : vector<16xf32>
        %max3A_625 = arith.maximumf %max3A_441, %max3A_624 : vector<16xf32>
        %slice3A_626 = vector.extract_strided_slice %get3A_69 {offsets = [12], sizes = [1], strides = [1]} : vector<16xf32> to vector<1xf32>
        %squeeze3A_627 = vector.extract %slice3A_626[0] : f32 from vector<1xf32>
        %slice3A_628 = vector.extract_strided_slice %get3A_73 {offsets = [12], sizes = [1], strides = [1]} : vector<16xf32> to vector<1xf32>
        %squeeze3A_629 = vector.extract %slice3A_628[0] : f32 from vector<1xf32>
        %slice3A_630 = vector.extract_strided_slice %get3A_77 {offsets = [12], sizes = [1], strides = [1]} : vector<16xf32> to vector<1xf32>
        %squeeze3A_631 = vector.extract %slice3A_630[0] : f32 from vector<1xf32>
        %sub3A_632 = vector.broadcast %squeeze3A_627 : f32 to vector<16xf32>
        %sub3A_633 = arith.subf %get3A_18, %sub3A_632 : vector<16xf32>
        %mul3A_634 = vector.broadcast %squeeze3A_631 : f32 to vector<16xf32>
        %mul3A_635 = arith.mulf %mul3A_634, %sub3A_633 : vector<16xf32>
        %mul3A_636 = arith.mulf %mul3A_635, %sub3A_633 : vector<16xf32>
        %sub3A_637 = vector.broadcast %squeeze3A_629 : f32 to vector<16xf32>
        %sub3A_638 = arith.subf %sub3A_637, %mul3A_636 : vector<16xf32>
        %mul3A_639 = arith.constant 16 : i32
        %mul3A_640 = arith.muli %mul3A_639, %scan3A_61 : i32
        %add3A_641 = arith.constant 12 : i32
        %add3A_642 = arith.addi %mul3A_640, %add3A_641 : i32
        %swap3A_643 = arith.index_cast %add3A_642 : i32 to index
        %swap3A_644 = arith.constant 0 : index
        %swap3A_645 = tpu.vector_load %arg15[%swap3A_643, %swap3A_644] {strides = array<i32>} : memref<256x32xf32, #tpu.memory_space<vmem>>, vector<1x16xf32>,
        %swap3A_646 = vector.shape_cast %swap3A_645 : vector<1x16xf32> to vector<16xf32>
        %swap3A_647 = vector.shape_cast %sub3A_638 : vector<16xf32> to vector<1x16xf32>
        tpu.vector_store %arg15[%swap3A_643, %swap3A_644], %swap3A_647 {strides = array<i32>} : memref<256x32xf32, #tpu.memory_space<vmem>>, vector<1x16xf32>,
        %slice3A_648 = vector.extract_strided_slice %get3A_69 {offsets = [13], sizes = [1], strides = [1]} : vector<16xf32> to vector<1xf32>
        %squeeze3A_649 = vector.extract %slice3A_648[0] : f32 from vector<1xf32>
        %slice3A_650 = vector.extract_strided_slice %get3A_73 {offsets = [13], sizes = [1], strides = [1]} : vector<16xf32> to vector<1xf32>
        %squeeze3A_651 = vector.extract %slice3A_650[0] : f32 from vector<1xf32>
        %slice3A_652 = vector.extract_strided_slice %get3A_77 {offsets = [13], sizes = [1], strides = [1]} : vector<16xf32> to vector<1xf32>
        %squeeze3A_653 = vector.extract %slice3A_652[0] : f32 from vector<1xf32>
        %sub3A_654 = vector.broadcast %squeeze3A_649 : f32 to vector<16xf32>
        %sub3A_655 = arith.subf %get3A_18, %sub3A_654 : vector<16xf32>
        %mul3A_656 = vector.broadcast %squeeze3A_653 : f32 to vector<16xf32>
        %mul3A_657 = arith.mulf %mul3A_656, %sub3A_655 : vector<16xf32>
        %mul3A_658 = arith.mulf %mul3A_657, %sub3A_655 : vector<16xf32>
        %sub3A_659 = vector.broadcast %squeeze3A_651 : f32 to vector<16xf32>
        %sub3A_660 = arith.subf %sub3A_659, %mul3A_658 : vector<16xf32>
        %mul3A_661 = arith.constant 16 : i32
        %mul3A_662 = arith.muli %mul3A_661, %scan3A_61 : i32
        %add3A_663 = arith.constant 13 : i32
        %add3A_664 = arith.addi %mul3A_662, %add3A_663 : i32
        %swap3A_665 = arith.index_cast %add3A_664 : i32 to index
        %swap3A_666 = arith.constant 0 : index
        %swap3A_667 = tpu.vector_load %arg15[%swap3A_665, %swap3A_666] {strides = array<i32>} : memref<256x32xf32, #tpu.memory_space<vmem>>, vector<1x16xf32>,
        %swap3A_668 = vector.shape_cast %swap3A_667 : vector<1x16xf32> to vector<16xf32>
        %swap3A_669 = vector.shape_cast %sub3A_660 : vector<16xf32> to vector<1x16xf32>
        tpu.vector_store %arg15[%swap3A_665, %swap3A_666], %swap3A_669 {strides = array<i32>} : memref<256x32xf32, #tpu.memory_space<vmem>>, vector<1x16xf32>,
        %slice3A_670 = vector.extract_strided_slice %get3A_69 {offsets = [14], sizes = [1], strides = [1]} : vector<16xf32> to vector<1xf32>
        %squeeze3A_671 = vector.extract %slice3A_670[0] : f32 from vector<1xf32>
        %slice3A_672 = vector.extract_strided_slice %get3A_73 {offsets = [14], sizes = [1], strides = [1]} : vector<16xf32> to vector<1xf32>
        %squeeze3A_673 = vector.extract %slice3A_672[0] : f32 from vector<1xf32>
        %slice3A_674 = vector.extract_strided_slice %get3A_77 {offsets = [14], sizes = [1], strides = [1]} : vector<16xf32> to vector<1xf32>
        %squeeze3A_675 = vector.extract %slice3A_674[0] : f32 from vector<1xf32>
        %sub3A_676 = vector.broadcast %squeeze3A_671 : f32 to vector<16xf32>
        %sub3A_677 = arith.subf %get3A_18, %sub3A_676 : vector<16xf32>
        %mul3A_678 = vector.broadcast %squeeze3A_675 : f32 to vector<16xf32>
        %mul3A_679 = arith.mulf %mul3A_678, %sub3A_677 : vector<16xf32>
        %mul3A_680 = arith.mulf %mul3A_679, %sub3A_677 : vector<16xf32>
        %sub3A_681 = vector.broadcast %squeeze3A_673 : f32 to vector<16xf32>
        %sub3A_682 = arith.subf %sub3A_681, %mul3A_680 : vector<16xf32>
        %mul3A_683 = arith.constant 16 : i32
        %mul3A_684 = arith.muli %mul3A_683, %scan3A_61 : i32
        %add3A_685 = arith.constant 14 : i32
        %add3A_686 = arith.addi %mul3A_684, %add3A_685 : i32
        %swap3A_687 = arith.index_cast %add3A_686 : i32 to index
        %swap3A_688 = arith.constant 0 : index
        %swap3A_689 = tpu.vector_load %arg15[%swap3A_687, %swap3A_688] {strides = array<i32>} : memref<256x32xf32, #tpu.memory_space<vmem>>, vector<1x16xf32>,
        %swap3A_690 = vector.shape_cast %swap3A_689 : vector<1x16xf32> to vector<16xf32>
        %swap3A_691 = vector.shape_cast %sub3A_682 : vector<16xf32> to vector<1x16xf32>
        tpu.vector_store %arg15[%swap3A_687, %swap3A_688], %swap3A_691 {strides = array<i32>} : memref<256x32xf32, #tpu.memory_space<vmem>>, vector<1x16xf32>,
        %slice3A_692 = vector.extract_strided_slice %get3A_69 {offsets = [15], sizes = [1], strides = [1]} : vector<16xf32> to vector<1xf32>
        %squeeze3A_693 = vector.extract %slice3A_692[0] : f32 from vector<1xf32>
        %slice3A_694 = vector.extract_strided_slice %get3A_73 {offsets = [15], sizes = [1], strides = [1]} : vector<16xf32> to vector<1xf32>
        %squeeze3A_695 = vector.extract %slice3A_694[0] : f32 from vector<1xf32>
        %slice3A_696 = vector.extract_strided_slice %get3A_77 {offsets = [15], sizes = [1], strides = [1]} : vector<16xf32> to vector<1xf32>
        %squeeze3A_697 = vector.extract %slice3A_696[0] : f32 from vector<1xf32>
        %sub3A_698 = vector.broadcast %squeeze3A_693 : f32 to vector<16xf32>
        %sub3A_699 = arith.subf %get3A_18, %sub3A_698 : vector<16xf32>
        %mul3A_700 = vector.broadcast %squeeze3A_697 : f32 to vector<16xf32>
        %mul3A_701 = arith.mulf %mul3A_700, %sub3A_699 : vector<16xf32>
        %mul3A_702 = arith.mulf %mul3A_701, %sub3A_699 : vector<16xf32>
        %sub3A_703 = vector.broadcast %squeeze3A_695 : f32 to vector<16xf32>
        %sub3A_704 = arith.subf %sub3A_703, %mul3A_702 : vector<16xf32>
        %mul3A_705 = arith.constant 16 : i32
        %mul3A_706 = arith.muli %mul3A_705, %scan3A_61 : i32
        %add3A_707 = arith.constant 15 : i32
        %add3A_708 = arith.addi %mul3A_706, %add3A_707 : i32
        %swap3A_709 = arith.index_cast %add3A_708 : i32 to index
        %swap3A_710 = arith.constant 0 : index
        %swap3A_711 = tpu.vector_load %arg15[%swap3A_709, %swap3A_710] {strides = array<i32>} : memref<256x32xf32, #tpu.memory_space<vmem>>, vector<1x16xf32>,
        %swap3A_712 = vector.shape_cast %swap3A_711 : vector<1x16xf32> to vector<16xf32>
        %swap3A_713 = vector.shape_cast %sub3A_704 : vector<16xf32> to vector<1x16xf32>
        tpu.vector_store %arg15[%swap3A_709, %swap3A_710], %swap3A_713 {strides = array<i32>} : memref<256x32xf32, #tpu.memory_space<vmem>>, vector<1x16xf32>,
        %max3A_714 = arith.maximumf %sub3A_638, %sub3A_660 : vector<16xf32>
        %max3A_715 = arith.maximumf %sub3A_682, %sub3A_704 : vector<16xf32>
        %max3A_716 = arith.maximumf %max3A_714, %max3A_715 : vector<16xf32>
        %max3A_717 = arith.maximumf %max3A_533, %max3A_716 : vector<16xf32>
        %slice3A_718 = vector.extract_strided_slice %get3A_69 {offsets = [12], sizes = [1], strides = [1]} : vector<16xf32> to vector<1xf32>
        %squeeze3A_719 = vector.extract %slice3A_718[0] : f32 from vector<1xf32>
        %slice3A_720 = vector.extract_strided_slice %get3A_73 {offsets = [12], sizes = [1], strides = [1]} : vector<16xf32> to vector<1xf32>
        %squeeze3A_721 = vector.extract %slice3A_720[0] : f32 from vector<1xf32>
        %slice3A_722 = vector.extract_strided_slice %get3A_77 {offsets = [12], sizes = [1], strides = [1]} : vector<16xf32> to vector<1xf32>
        %squeeze3A_723 = vector.extract %slice3A_722[0] : f32 from vector<1xf32>
        %sub3A_724 = vector.broadcast %squeeze3A_719 : f32 to vector<16xf32>
        %sub3A_725 = arith.subf %get3A_22, %sub3A_724 : vector<16xf32>
        %mul3A_726 = vector.broadcast %squeeze3A_723 : f32 to vector<16xf32>
        %mul3A_727 = arith.mulf %mul3A_726, %sub3A_725 : vector<16xf32>
        %mul3A_728 = arith.mulf %mul3A_727, %sub3A_725 : vector<16xf32>
        %sub3A_729 = vector.broadcast %squeeze3A_721 : f32 to vector<16xf32>
        %sub3A_730 = arith.subf %sub3A_729, %mul3A_728 : vector<16xf32>
        %mul3A_731 = arith.constant 16 : i32
        %mul3A_732 = arith.muli %mul3A_731, %scan3A_61 : i32
        %add3A_733 = arith.constant 12 : i32
        %add3A_734 = arith.addi %mul3A_732, %add3A_733 : i32
        %swap3A_735 = arith.index_cast %add3A_734 : i32 to index
        %swap3A_736 = arith.constant 16 : index
        %swap3A_737 = tpu.vector_load %arg15[%swap3A_735, %swap3A_736] {strides = array<i32>} : memref<256x32xf32, #tpu.memory_space<vmem>>, vector<1x16xf32>,
        %swap3A_738 = vector.shape_cast %swap3A_737 : vector<1x16xf32> to vector<16xf32>
        %swap3A_739 = vector.shape_cast %sub3A_730 : vector<16xf32> to vector<1x16xf32>
        tpu.vector_store %arg15[%swap3A_735, %swap3A_736], %swap3A_739 {strides = array<i32>} : memref<256x32xf32, #tpu.memory_space<vmem>>, vector<1x16xf32>,
        %slice3A_740 = vector.extract_strided_slice %get3A_69 {offsets = [13], sizes = [1], strides = [1]} : vector<16xf32> to vector<1xf32>
        %squeeze3A_741 = vector.extract %slice3A_740[0] : f32 from vector<1xf32>
        %slice3A_742 = vector.extract_strided_slice %get3A_73 {offsets = [13], sizes = [1], strides = [1]} : vector<16xf32> to vector<1xf32>
        %squeeze3A_743 = vector.extract %slice3A_742[0] : f32 from vector<1xf32>
        %slice3A_744 = vector.extract_strided_slice %get3A_77 {offsets = [13], sizes = [1], strides = [1]} : vector<16xf32> to vector<1xf32>
        %squeeze3A_745 = vector.extract %slice3A_744[0] : f32 from vector<1xf32>
        %sub3A_746 = vector.broadcast %squeeze3A_741 : f32 to vector<16xf32>
        %sub3A_747 = arith.subf %get3A_22, %sub3A_746 : vector<16xf32>
        %mul3A_748 = vector.broadcast %squeeze3A_745 : f32 to vector<16xf32>
        %mul3A_749 = arith.mulf %mul3A_748, %sub3A_747 : vector<16xf32>
        %mul3A_750 = arith.mulf %mul3A_749, %sub3A_747 : vector<16xf32>
        %sub3A_751 = vector.broadcast %squeeze3A_743 : f32 to vector<16xf32>
        %sub3A_752 = arith.subf %sub3A_751, %mul3A_750 : vector<16xf32>
        %mul3A_753 = arith.constant 16 : i32
        %mul3A_754 = arith.muli %mul3A_753, %scan3A_61 : i32
        %add3A_755 = arith.constant 13 : i32
        %add3A_756 = arith.addi %mul3A_754, %add3A_755 : i32
        %swap3A_757 = arith.index_cast %add3A_756 : i32 to index
        %swap3A_758 = arith.constant 16 : index
        %swap3A_759 = tpu.vector_load %arg15[%swap3A_757, %swap3A_758] {strides = array<i32>} : memref<256x32xf32, #tpu.memory_space<vmem>>, vector<1x16xf32>,
        %swap3A_760 = vector.shape_cast %swap3A_759 : vector<1x16xf32> to vector<16xf32>
        %swap3A_761 = vector.shape_cast %sub3A_752 : vector<16xf32> to vector<1x16xf32>
        tpu.vector_store %arg15[%swap3A_757, %swap3A_758], %swap3A_761 {strides = array<i32>} : memref<256x32xf32, #tpu.memory_space<vmem>>, vector<1x16xf32>,
        %slice3A_762 = vector.extract_strided_slice %get3A_69 {offsets = [14], sizes = [1], strides = [1]} : vector<16xf32> to vector<1xf32>
        %squeeze3A_763 = vector.extract %slice3A_762[0] : f32 from vector<1xf32>
        %slice3A_764 = vector.extract_strided_slice %get3A_73 {offsets = [14], sizes = [1], strides = [1]} : vector<16xf32> to vector<1xf32>
        %squeeze3A_765 = vector.extract %slice3A_764[0] : f32 from vector<1xf32>
        %slice3A_766 = vector.extract_strided_slice %get3A_77 {offsets = [14], sizes = [1], strides = [1]} : vector<16xf32> to vector<1xf32>
        %squeeze3A_767 = vector.extract %slice3A_766[0] : f32 from vector<1xf32>
        %sub3A_768 = vector.broadcast %squeeze3A_763 : f32 to vector<16xf32>
        %sub3A_769 = arith.subf %get3A_22, %sub3A_768 : vector<16xf32>
        %mul3A_770 = vector.broadcast %squeeze3A_767 : f32 to vector<16xf32>
        %mul3A_771 = arith.mulf %mul3A_770, %sub3A_769 : vector<16xf32>
        %mul3A_772 = arith.mulf %mul3A_771, %sub3A_769 : vector<16xf32>
        %sub3A_773 = vector.broadcast %squeeze3A_765 : f32 to vector<16xf32>
        %sub3A_774 = arith.subf %sub3A_773, %mul3A_772 : vector<16xf32>
        %mul3A_775 = arith.constant 16 : i32
        %mul3A_776 = arith.muli %mul3A_775, %scan3A_61 : i32
        %add3A_777 = arith.constant 14 : i32
        %add3A_778 = arith.addi %mul3A_776, %add3A_777 : i32
        %swap3A_779 = arith.index_cast %add3A_778 : i32 to index
        %swap3A_780 = arith.constant 16 : index
        %swap3A_781 = tpu.vector_load %arg15[%swap3A_779, %swap3A_780] {strides = array<i32>} : memref<256x32xf32, #tpu.memory_space<vmem>>, vector<1x16xf32>,
        %swap3A_782 = vector.shape_cast %swap3A_781 : vector<1x16xf32> to vector<16xf32>
        %swap3A_783 = vector.shape_cast %sub3A_774 : vector<16xf32> to vector<1x16xf32>
        tpu.vector_store %arg15[%swap3A_779, %swap3A_780], %swap3A_783 {strides = array<i32>} : memref<256x32xf32, #tpu.memory_space<vmem>>, vector<1x16xf32>,
        %slice3A_784 = vector.extract_strided_slice %get3A_69 {offsets = [15], sizes = [1], strides = [1]} : vector<16xf32> to vector<1xf32>
        %squeeze3A_785 = vector.extract %slice3A_784[0] : f32 from vector<1xf32>
        %slice3A_786 = vector.extract_strided_slice %get3A_73 {offsets = [15], sizes = [1], strides = [1]} : vector<16xf32> to vector<1xf32>
        %squeeze3A_787 = vector.extract %slice3A_786[0] : f32 from vector<1xf32>
        %slice3A_788 = vector.extract_strided_slice %get3A_77 {offsets = [15], sizes = [1], strides = [1]} : vector<16xf32> to vector<1xf32>
        %squeeze3A_789 = vector.extract %slice3A_788[0] : f32 from vector<1xf32>
        %sub3A_790 = vector.broadcast %squeeze3A_785 : f32 to vector<16xf32>
        %sub3A_791 = arith.subf %get3A_22, %sub3A_790 : vector<16xf32>
        %mul3A_792 = vector.broadcast %squeeze3A_789 : f32 to vector<16xf32>
        %mul3A_793 = arith.mulf %mul3A_792, %sub3A_791 : vector<16xf32>
        %mul3A_794 = arith.mulf %mul3A_793, %sub3A_791 : vector<16xf32>
        %sub3A_795 = vector.broadcast %squeeze3A_787 : f32 to vector<16xf32>
        %sub3A_796 = arith.subf %sub3A_795, %mul3A_794 : vector<16xf32>
        %mul3A_797 = arith.constant 16 : i32
        %mul3A_798 = arith.muli %mul3A_797, %scan3A_61 : i32
        %add3A_799 = arith.constant 15 : i32
        %add3A_800 = arith.addi %mul3A_798, %add3A_799 : i32
        %swap3A_801 = arith.index_cast %add3A_800 : i32 to index
        %swap3A_802 = arith.constant 16 : index
        %swap3A_803 = tpu.vector_load %arg15[%swap3A_801, %swap3A_802] {strides = array<i32>} : memref<256x32xf32, #tpu.memory_space<vmem>>, vector<1x16xf32>,
        %swap3A_804 = vector.shape_cast %swap3A_803 : vector<1x16xf32> to vector<16xf32>
        %swap3A_805 = vector.shape_cast %sub3A_796 : vector<16xf32> to vector<1x16xf32>
        tpu.vector_store %arg15[%swap3A_801, %swap3A_802], %swap3A_805 {strides = array<i32>} : memref<256x32xf32, #tpu.memory_space<vmem>>, vector<1x16xf32>,
        %max3A_806 = arith.maximumf %sub3A_730, %sub3A_752 : vector<16xf32>
        %max3A_807 = arith.maximumf %sub3A_774, %sub3A_796 : vector<16xf32>
        %max3A_808 = arith.maximumf %max3A_806, %max3A_807 : vector<16xf32>
        %max3A_809 = arith.maximumf %max3A_625, %max3A_808 : vector<16xf32>
        scf.yield %max3A_717, %max3A_809 : vector<16xf32>, vector<16xf32>
      }
      %scan3A_31 = arith.constant 16 : i32
      %broadcast_in_dim3A_32 = arith.constant 0.000000e+00 : f32
      %broadcast_in_dim3A_33 = vector.broadcast %broadcast_in_dim3A_32 : f32 to vector<16xf32>
      %broadcast_in_dim3A_34 = arith.constant 0.000000e+00 : f32
      %broadcast_in_dim3A_35 = vector.broadcast %broadcast_in_dim3A_34 : f32 to vector<16xf32>
      %scan3A_36 = arith.constant 0 : i32
      %scan3A_37 = arith.constant 16 : i32
      %scan3A_38 = arith.addi %scan3A_36, %scan3A_37 : i32
      %scan3A_39 = arith.constant 2 : i32
      %scan3A_40:2 = scf.for %scan3A_61 = %scan3A_36 to %scan3A_38 step %scan3A_39 iter_args(%scan3A_62 = %broadcast_in_dim3A_33, %scan3A_63 = %broadcast_in_dim3A_35) -> (vector<16xf32>, vector<16xf32>)  : i32 {
        %mul3A_64 = arith.constant 16 : i32
        %mul3A_65 = arith.muli %mul3A_64, %scan3A_61 : i32
        %add3A_66 = arith.constant 0 : i32
        %add3A_67 = arith.addi %mul3A_65, %add3A_66 : i32
        %get3A_68 = arith.index_cast %add3A_67 : i32 to index
        %get3A_69 = arith.constant 0 : index
        %get3A_70 = tpu.vector_load %arg15[%get3A_68, %get3A_69] {strides = array<i32>} : memref<256x32xf32, #tpu.memory_space<vmem>>, vector<1x16xf32>,
        %get3A_71 = vector.shape_cast %get3A_70 : vector<1x16xf32> to vector<16xf32>
        %sub3A = arith.subf %get3A_71, %scan3A_30#0 : vector<16xf32>
        %exp3A = math.exp %sub3A : vector<16xf32>
        %mul3A_72 = arith.constant 16 : i32
        %mul3A_73 = arith.muli %mul3A_72, %scan3A_61 : i32
        %add3A_74 = arith.constant 1 : i32
        %add3A_75 = arith.addi %mul3A_73, %add3A_74 : i32
        %get3A_76 = arith.index_cast %add3A_75 : i32 to index
        %get3A_77 = arith.constant 0 : index
        %get3A_78 = tpu.vector_load %arg15[%get3A_76, %get3A_77] {strides = array<i32>} : memref<256x32xf32, #tpu.memory_space<vmem>>, vector<1x16xf32>,
        %get3A_79 = vector.shape_cast %get3A_78 : vector<1x16xf32> to vector<16xf32>
        %sub3A_80 = arith.subf %get3A_79, %scan3A_30#0 : vector<16xf32>
        %exp3A_81 = math.exp %sub3A_80 : vector<16xf32>
        %mul3A_82 = arith.constant 16 : i32
        %mul3A_83 = arith.muli %mul3A_82, %scan3A_61 : i32
        %add3A_84 = arith.constant 2 : i32
        %add3A_85 = arith.addi %mul3A_83, %add3A_84 : i32
        %get3A_86 = arith.index_cast %add3A_85 : i32 to index
        %get3A_87 = arith.constant 0 : index
        %get3A_88 = tpu.vector_load %arg15[%get3A_86, %get3A_87] {strides = array<i32>} : memref<256x32xf32, #tpu.memory_space<vmem>>, vector<1x16xf32>,
        %get3A_89 = vector.shape_cast %get3A_88 : vector<1x16xf32> to vector<16xf32>
        %sub3A_90 = arith.subf %get3A_89, %scan3A_30#0 : vector<16xf32>
        %exp3A_91 = math.exp %sub3A_90 : vector<16xf32>
        %mul3A_92 = arith.constant 16 : i32
        %mul3A_93 = arith.muli %mul3A_92, %scan3A_61 : i32
        %add3A_94 = arith.constant 3 : i32
        %add3A_95 = arith.addi %mul3A_93, %add3A_94 : i32
        %get3A_96 = arith.index_cast %add3A_95 : i32 to index
        %get3A_97 = arith.constant 0 : index
        %get3A_98 = tpu.vector_load %arg15[%get3A_96, %get3A_97] {strides = array<i32>} : memref<256x32xf32, #tpu.memory_space<vmem>>, vector<1x16xf32>,
        %get3A_99 = vector.shape_cast %get3A_98 : vector<1x16xf32> to vector<16xf32>
        %sub3A_100 = arith.subf %get3A_99, %scan3A_30#0 : vector<16xf32>
        %exp3A_101 = math.exp %sub3A_100 : vector<16xf32>
        %add3A_102 = arith.addf %exp3A, %exp3A_81 : vector<16xf32>
        %add3A_103 = arith.addf %exp3A_91, %exp3A_101 : vector<16xf32>
        %add3A_104 = arith.addf %add3A_102, %add3A_103 : vector<16xf32>
        %add3A_105 = arith.addf %scan3A_62, %add3A_104 : vector<16xf32>
        %mul3A_106 = arith.constant 16 : i32
        %mul3A_107 = arith.muli %mul3A_106, %scan3A_61 : i32
        %add3A_108 = arith.constant 0 : i32
        %add3A_109 = arith.addi %mul3A_107, %add3A_108 : i32
        %get3A_110 = arith.index_cast %add3A_109 : i32 to index
        %get3A_111 = arith.constant 16 : index
        %get3A_112 = tpu.vector_load %arg15[%get3A_110, %get3A_111] {strides = array<i32>} : memref<256x32xf32, #tpu.memory_space<vmem>>, vector<1x16xf32>,
        %get3A_113 = vector.shape_cast %get3A_112 : vector<1x16xf32> to vector<16xf32>
        %sub3A_114 = arith.subf %get3A_113, %scan3A_30#1 : vector<16xf32>
        %exp3A_115 = math.exp %sub3A_114 : vector<16xf32>
        %mul3A_116 = arith.constant 16 : i32
        %mul3A_117 = arith.muli %mul3A_116, %scan3A_61 : i32
        %add3A_118 = arith.constant 1 : i32
        %add3A_119 = arith.addi %mul3A_117, %add3A_118 : i32
        %get3A_120 = arith.index_cast %add3A_119 : i32 to index
        %get3A_121 = arith.constant 16 : index
        %get3A_122 = tpu.vector_load %arg15[%get3A_120, %get3A_121] {strides = array<i32>} : memref<256x32xf32, #tpu.memory_space<vmem>>, vector<1x16xf32>,
        %get3A_123 = vector.shape_cast %get3A_122 : vector<1x16xf32> to vector<16xf32>
        %sub3A_124 = arith.subf %get3A_123, %scan3A_30#1 : vector<16xf32>
        %exp3A_125 = math.exp %sub3A_124 : vector<16xf32>
        %mul3A_126 = arith.constant 16 : i32
        %mul3A_127 = arith.muli %mul3A_126, %scan3A_61 : i32
        %add3A_128 = arith.constant 2 : i32
        %add3A_129 = arith.addi %mul3A_127, %add3A_128 : i32
        %get3A_130 = arith.index_cast %add3A_129 : i32 to index
        %get3A_131 = arith.constant 16 : index
        %get3A_132 = tpu.vector_load %arg15[%get3A_130, %get3A_131] {strides = array<i32>} : memref<256x32xf32, #tpu.memory_space<vmem>>, vector<1x16xf32>,
        %get3A_133 = vector.shape_cast %get3A_132 : vector<1x16xf32> to vector<16xf32>
        %sub3A_134 = arith.subf %get3A_133, %scan3A_30#1 : vector<16xf32>
        %exp3A_135 = math.exp %sub3A_134 : vector<16xf32>
        %mul3A_136 = arith.constant 16 : i32
        %mul3A_137 = arith.muli %mul3A_136, %scan3A_61 : i32
        %add3A_138 = arith.constant 3 : i32
        %add3A_139 = arith.addi %mul3A_137, %add3A_138 : i32
        %get3A_140 = arith.index_cast %add3A_139 : i32 to index
        %get3A_141 = arith.constant 16 : index
        %get3A_142 = tpu.vector_load %arg15[%get3A_140, %get3A_141] {strides = array<i32>} : memref<256x32xf32, #tpu.memory_space<vmem>>, vector<1x16xf32>,
        %get3A_143 = vector.shape_cast %get3A_142 : vector<1x16xf32> to vector<16xf32>
        %sub3A_144 = arith.subf %get3A_143, %scan3A_30#1 : vector<16xf32>
        %exp3A_145 = math.exp %sub3A_144 : vector<16xf32>
        %add3A_146 = arith.addf %exp3A_115, %exp3A_125 : vector<16xf32>
        %add3A_147 = arith.addf %exp3A_135, %exp3A_145 : vector<16xf32>
        %add3A_148 = arith.addf %add3A_146, %add3A_147 : vector<16xf32>
        %add3A_149 = arith.addf %scan3A_63, %add3A_148 : vector<16xf32>
        %mul3A_150 = arith.constant 16 : i32
        %mul3A_151 = arith.muli %mul3A_150, %scan3A_61 : i32
        %add3A_152 = arith.constant 4 : i32
        %add3A_153 = arith.addi %mul3A_151, %add3A_152 : i32
        %get3A_154 = arith.index_cast %add3A_153 : i32 to index
        %get3A_155 = arith.constant 0 : index
        %get3A_156 = tpu.vector_load %arg15[%get3A_154, %get3A_155] {strides = array<i32>} : memref<256x32xf32, #tpu.memory_space<vmem>>, vector<1x16xf32>,
        %get3A_157 = vector.shape_cast %get3A_156 : vector<1x16xf32> to vector<16xf32>
        %sub3A_158 = arith.subf %get3A_157, %scan3A_30#0 : vector<16xf32>
        %exp3A_159 = math.exp %sub3A_158 : vector<16xf32>
        %mul3A_160 = arith.constant 16 : i32
        %mul3A_161 = arith.muli %mul3A_160, %scan3A_61 : i32
        %add3A_162 = arith.constant 5 : i32
        %add3A_163 = arith.addi %mul3A_161, %add3A_162 : i32
        %get3A_164 = arith.index_cast %add3A_163 : i32 to index
        %get3A_165 = arith.constant 0 : index
        %get3A_166 = tpu.vector_load %arg15[%get3A_164, %get3A_165] {strides = array<i32>} : memref<256x32xf32, #tpu.memory_space<vmem>>, vector<1x16xf32>,
        %get3A_167 = vector.shape_cast %get3A_166 : vector<1x16xf32> to vector<16xf32>
        %sub3A_168 = arith.subf %get3A_167, %scan3A_30#0 : vector<16xf32>
        %exp3A_169 = math.exp %sub3A_168 : vector<16xf32>
        %mul3A_170 = arith.constant 16 : i32
        %mul3A_171 = arith.muli %mul3A_170, %scan3A_61 : i32
        %add3A_172 = arith.constant 6 : i32
        %add3A_173 = arith.addi %mul3A_171, %add3A_172 : i32
        %get3A_174 = arith.index_cast %add3A_173 : i32 to index
        %get3A_175 = arith.constant 0 : index
        %get3A_176 = tpu.vector_load %arg15[%get3A_174, %get3A_175] {strides = array<i32>} : memref<256x32xf32, #tpu.memory_space<vmem>>, vector<1x16xf32>,
        %get3A_177 = vector.shape_cast %get3A_176 : vector<1x16xf32> to vector<16xf32>
        %sub3A_178 = arith.subf %get3A_177, %scan3A_30#0 : vector<16xf32>
        %exp3A_179 = math.exp %sub3A_178 : vector<16xf32>
        %mul3A_180 = arith.constant 16 : i32
        %mul3A_181 = arith.muli %mul3A_180, %scan3A_61 : i32
        %add3A_182 = arith.constant 7 : i32
        %add3A_183 = arith.addi %mul3A_181, %add3A_182 : i32
        %get3A_184 = arith.index_cast %add3A_183 : i32 to index
        %get3A_185 = arith.constant 0 : index
        %get3A_186 = tpu.vector_load %arg15[%get3A_184, %get3A_185] {strides = array<i32>} : memref<256x32xf32, #tpu.memory_space<vmem>>, vector<1x16xf32>,
        %get3A_187 = vector.shape_cast %get3A_186 : vector<1x16xf32> to vector<16xf32>
        %sub3A_188 = arith.subf %get3A_187, %scan3A_30#0 : vector<16xf32>
        %exp3A_189 = math.exp %sub3A_188 : vector<16xf32>
        %add3A_190 = arith.addf %exp3A_159, %exp3A_169 : vector<16xf32>
        %add3A_191 = arith.addf %exp3A_179, %exp3A_189 : vector<16xf32>
        %add3A_192 = arith.addf %add3A_190, %add3A_191 : vector<16xf32>
        %add3A_193 = arith.addf %add3A_105, %add3A_192 : vector<16xf32>
        %mul3A_194 = arith.constant 16 : i32
        %mul3A_195 = arith.muli %mul3A_194, %scan3A_61 : i32
        %add3A_196 = arith.constant 4 : i32
        %add3A_197 = arith.addi %mul3A_195, %add3A_196 : i32
        %get3A_198 = arith.index_cast %add3A_197 : i32 to index
        %get3A_199 = arith.constant 16 : index
        %get3A_200 = tpu.vector_load %arg15[%get3A_198, %get3A_199] {strides = array<i32>} : memref<256x32xf32, #tpu.memory_space<vmem>>, vector<1x16xf32>,
        %get3A_201 = vector.shape_cast %get3A_200 : vector<1x16xf32> to vector<16xf32>
        %sub3A_202 = arith.subf %get3A_201, %scan3A_30#1 : vector<16xf32>
        %exp3A_203 = math.exp %sub3A_202 : vector<16xf32>
        %mul3A_204 = arith.constant 16 : i32
        %mul3A_205 = arith.muli %mul3A_204, %scan3A_61 : i32
        %add3A_206 = arith.constant 5 : i32
        %add3A_207 = arith.addi %mul3A_205, %add3A_206 : i32
        %get3A_208 = arith.index_cast %add3A_207 : i32 to index
        %get3A_209 = arith.constant 16 : index
        %get3A_210 = tpu.vector_load %arg15[%get3A_208, %get3A_209] {strides = array<i32>} : memref<256x32xf32, #tpu.memory_space<vmem>>, vector<1x16xf32>,
        %get3A_211 = vector.shape_cast %get3A_210 : vector<1x16xf32> to vector<16xf32>
        %sub3A_212 = arith.subf %get3A_211, %scan3A_30#1 : vector<16xf32>
        %exp3A_213 = math.exp %sub3A_212 : vector<16xf32>
        %mul3A_214 = arith.constant 16 : i32
        %mul3A_215 = arith.muli %mul3A_214, %scan3A_61 : i32
        %add3A_216 = arith.constant 6 : i32
        %add3A_217 = arith.addi %mul3A_215, %add3A_216 : i32
        %get3A_218 = arith.index_cast %add3A_217 : i32 to index
        %get3A_219 = arith.constant 16 : index
        %get3A_220 = tpu.vector_load %arg15[%get3A_218, %get3A_219] {strides = array<i32>} : memref<256x32xf32, #tpu.memory_space<vmem>>, vector<1x16xf32>,
        %get3A_221 = vector.shape_cast %get3A_220 : vector<1x16xf32> to vector<16xf32>
        %sub3A_222 = arith.subf %get3A_221, %scan3A_30#1 : vector<16xf32>
        %exp3A_223 = math.exp %sub3A_222 : vector<16xf32>
        %mul3A_224 = arith.constant 16 : i32
        %mul3A_225 = arith.muli %mul3A_224, %scan3A_61 : i32
        %add3A_226 = arith.constant 7 : i32
        %add3A_227 = arith.addi %mul3A_225, %add3A_226 : i32
        %get3A_228 = arith.index_cast %add3A_227 : i32 to index
        %get3A_229 = arith.constant 16 : index
        %get3A_230 = tpu.vector_load %arg15[%get3A_228, %get3A_229] {strides = array<i32>} : memref<256x32xf32, #tpu.memory_space<vmem>>, vector<1x16xf32>,
        %get3A_231 = vector.shape_cast %get3A_230 : vector<1x16xf32> to vector<16xf32>
        %sub3A_232 = arith.subf %get3A_231, %scan3A_30#1 : vector<16xf32>
        %exp3A_233 = math.exp %sub3A_232 : vector<16xf32>
        %add3A_234 = arith.addf %exp3A_203, %exp3A_213 : vector<16xf32>
        %add3A_235 = arith.addf %exp3A_223, %exp3A_233 : vector<16xf32>
        %add3A_236 = arith.addf %add3A_234, %add3A_235 : vector<16xf32>
        %add3A_237 = arith.addf %add3A_149, %add3A_236 : vector<16xf32>
        %mul3A_238 = arith.constant 16 : i32
        %mul3A_239 = arith.muli %mul3A_238, %scan3A_61 : i32
        %add3A_240 = arith.constant 8 : i32
        %add3A_241 = arith.addi %mul3A_239, %add3A_240 : i32
        %get3A_242 = arith.index_cast %add3A_241 : i32 to index
        %get3A_243 = arith.constant 0 : index
        %get3A_244 = tpu.vector_load %arg15[%get3A_242, %get3A_243] {strides = array<i32>} : memref<256x32xf32, #tpu.memory_space<vmem>>, vector<1x16xf32>,
        %get3A_245 = vector.shape_cast %get3A_244 : vector<1x16xf32> to vector<16xf32>
        %sub3A_246 = arith.subf %get3A_245, %scan3A_30#0 : vector<16xf32>
        %exp3A_247 = math.exp %sub3A_246 : vector<16xf32>
        %mul3A_248 = arith.constant 16 : i32
        %mul3A_249 = arith.muli %mul3A_248, %scan3A_61 : i32
        %add3A_250 = arith.constant 9 : i32
        %add3A_251 = arith.addi %mul3A_249, %add3A_250 : i32
        %get3A_252 = arith.index_cast %add3A_251 : i32 to index
        %get3A_253 = arith.constant 0 : index
        %get3A_254 = tpu.vector_load %arg15[%get3A_252, %get3A_253] {strides = array<i32>} : memref<256x32xf32, #tpu.memory_space<vmem>>, vector<1x16xf32>,
        %get3A_255 = vector.shape_cast %get3A_254 : vector<1x16xf32> to vector<16xf32>
        %sub3A_256 = arith.subf %get3A_255, %scan3A_30#0 : vector<16xf32>
        %exp3A_257 = math.exp %sub3A_256 : vector<16xf32>
        %mul3A_258 = arith.constant 16 : i32
        %mul3A_259 = arith.muli %mul3A_258, %scan3A_61 : i32
        %add3A_260 = arith.constant 10 : i32
        %add3A_261 = arith.addi %mul3A_259, %add3A_260 : i32
        %get3A_262 = arith.index_cast %add3A_261 : i32 to index
        %get3A_263 = arith.constant 0 : index
        %get3A_264 = tpu.vector_load %arg15[%get3A_262, %get3A_263] {strides = array<i32>} : memref<256x32xf32, #tpu.memory_space<vmem>>, vector<1x16xf32>,
        %get3A_265 = vector.shape_cast %get3A_264 : vector<1x16xf32> to vector<16xf32>
        %sub3A_266 = arith.subf %get3A_265, %scan3A_30#0 : vector<16xf32>
        %exp3A_267 = math.exp %sub3A_266 : vector<16xf32>
        %mul3A_268 = arith.constant 16 : i32
        %mul3A_269 = arith.muli %mul3A_268, %scan3A_61 : i32
        %add3A_270 = arith.constant 11 : i32
        %add3A_271 = arith.addi %mul3A_269, %add3A_270 : i32
        %get3A_272 = arith.index_cast %add3A_271 : i32 to index
        %get3A_273 = arith.constant 0 : index
        %get3A_274 = tpu.vector_load %arg15[%get3A_272, %get3A_273] {strides = array<i32>} : memref<256x32xf32, #tpu.memory_space<vmem>>, vector<1x16xf32>,
        %get3A_275 = vector.shape_cast %get3A_274 : vector<1x16xf32> to vector<16xf32>
        %sub3A_276 = arith.subf %get3A_275, %scan3A_30#0 : vector<16xf32>
        %exp3A_277 = math.exp %sub3A_276 : vector<16xf32>
        %add3A_278 = arith.addf %exp3A_247, %exp3A_257 : vector<16xf32>
        %add3A_279 = arith.addf %exp3A_267, %exp3A_277 : vector<16xf32>
        %add3A_280 = arith.addf %add3A_278, %add3A_279 : vector<16xf32>
        %add3A_281 = arith.addf %add3A_193, %add3A_280 : vector<16xf32>
        %mul3A_282 = arith.constant 16 : i32
        %mul3A_283 = arith.muli %mul3A_282, %scan3A_61 : i32
        %add3A_284 = arith.constant 8 : i32
        %add3A_285 = arith.addi %mul3A_283, %add3A_284 : i32
        %get3A_286 = arith.index_cast %add3A_285 : i32 to index
        %get3A_287 = arith.constant 16 : index
        %get3A_288 = tpu.vector_load %arg15[%get3A_286, %get3A_287] {strides = array<i32>} : memref<256x32xf32, #tpu.memory_space<vmem>>, vector<1x16xf32>,
        %get3A_289 = vector.shape_cast %get3A_288 : vector<1x16xf32> to vector<16xf32>
        %sub3A_290 = arith.subf %get3A_289, %scan3A_30#1 : vector<16xf32>
        %exp3A_291 = math.exp %sub3A_290 : vector<16xf32>
        %mul3A_292 = arith.constant 16 : i32
        %mul3A_293 = arith.muli %mul3A_292, %scan3A_61 : i32
        %add3A_294 = arith.constant 9 : i32
        %add3A_295 = arith.addi %mul3A_293, %add3A_294 : i32
        %get3A_296 = arith.index_cast %add3A_295 : i32 to index
        %get3A_297 = arith.constant 16 : index
        %get3A_298 = tpu.vector_load %arg15[%get3A_296, %get3A_297] {strides = array<i32>} : memref<256x32xf32, #tpu.memory_space<vmem>>, vector<1x16xf32>,
        %get3A_299 = vector.shape_cast %get3A_298 : vector<1x16xf32> to vector<16xf32>
        %sub3A_300 = arith.subf %get3A_299, %scan3A_30#1 : vector<16xf32>
        %exp3A_301 = math.exp %sub3A_300 : vector<16xf32>
        %mul3A_302 = arith.constant 16 : i32
        %mul3A_303 = arith.muli %mul3A_302, %scan3A_61 : i32
        %add3A_304 = arith.constant 10 : i32
        %add3A_305 = arith.addi %mul3A_303, %add3A_304 : i32
        %get3A_306 = arith.index_cast %add3A_305 : i32 to index
        %get3A_307 = arith.constant 16 : index
        %get3A_308 = tpu.vector_load %arg15[%get3A_306, %get3A_307] {strides = array<i32>} : memref<256x32xf32, #tpu.memory_space<vmem>>, vector<1x16xf32>,
        %get3A_309 = vector.shape_cast %get3A_308 : vector<1x16xf32> to vector<16xf32>
        %sub3A_310 = arith.subf %get3A_309, %scan3A_30#1 : vector<16xf32>
        %exp3A_311 = math.exp %sub3A_310 : vector<16xf32>
        %mul3A_312 = arith.constant 16 : i32
        %mul3A_313 = arith.muli %mul3A_312, %scan3A_61 : i32
        %add3A_314 = arith.constant 11 : i32
        %add3A_315 = arith.addi %mul3A_313, %add3A_314 : i32
        %get3A_316 = arith.index_cast %add3A_315 : i32 to index
        %get3A_317 = arith.constant 16 : index
        %get3A_318 = tpu.vector_load %arg15[%get3A_316, %get3A_317] {strides = array<i32>} : memref<256x32xf32, #tpu.memory_space<vmem>>, vector<1x16xf32>,
        %get3A_319 = vector.shape_cast %get3A_318 : vector<1x16xf32> to vector<16xf32>
        %sub3A_320 = arith.subf %get3A_319, %scan3A_30#1 : vector<16xf32>
        %exp3A_321 = math.exp %sub3A_320 : vector<16xf32>
        %add3A_322 = arith.addf %exp3A_291, %exp3A_301 : vector<16xf32>
        %add3A_323 = arith.addf %exp3A_311, %exp3A_321 : vector<16xf32>
        %add3A_324 = arith.addf %add3A_322, %add3A_323 : vector<16xf32>
        %add3A_325 = arith.addf %add3A_237, %add3A_324 : vector<16xf32>
        %mul3A_326 = arith.constant 16 : i32
        %mul3A_327 = arith.muli %mul3A_326, %scan3A_61 : i32
        %add3A_328 = arith.constant 12 : i32
        %add3A_329 = arith.addi %mul3A_327, %add3A_328 : i32
        %get3A_330 = arith.index_cast %add3A_329 : i32 to index
        %get3A_331 = arith.constant 0 : index
        %get3A_332 = tpu.vector_load %arg15[%get3A_330, %get3A_331] {strides = array<i32>} : memref<256x32xf32, #tpu.memory_space<vmem>>, vector<1x16xf32>,
        %get3A_333 = vector.shape_cast %get3A_332 : vector<1x16xf32> to vector<16xf32>
        %sub3A_334 = arith.subf %get3A_333, %scan3A_30#0 : vector<16xf32>
        %exp3A_335 = math.exp %sub3A_334 : vector<16xf32>
        %mul3A_336 = arith.constant 16 : i32
        %mul3A_337 = arith.muli %mul3A_336, %scan3A_61 : i32
        %add3A_338 = arith.constant 13 : i32
        %add3A_339 = arith.addi %mul3A_337, %add3A_338 : i32
        %get3A_340 = arith.index_cast %add3A_339 : i32 to index
        %get3A_341 = arith.constant 0 : index
        %get3A_342 = tpu.vector_load %arg15[%get3A_340, %get3A_341] {strides = array<i32>} : memref<256x32xf32, #tpu.memory_space<vmem>>, vector<1x16xf32>,
        %get3A_343 = vector.shape_cast %get3A_342 : vector<1x16xf32> to vector<16xf32>
        %sub3A_344 = arith.subf %get3A_343, %scan3A_30#0 : vector<16xf32>
        %exp3A_345 = math.exp %sub3A_344 : vector<16xf32>
        %mul3A_346 = arith.constant 16 : i32
        %mul3A_347 = arith.muli %mul3A_346, %scan3A_61 : i32
        %add3A_348 = arith.constant 14 : i32
        %add3A_349 = arith.addi %mul3A_347, %add3A_348 : i32
        %get3A_350 = arith.index_cast %add3A_349 : i32 to index
        %get3A_351 = arith.constant 0 : index
        %get3A_352 = tpu.vector_load %arg15[%get3A_350, %get3A_351] {strides = array<i32>} : memref<256x32xf32, #tpu.memory_space<vmem>>, vector<1x16xf32>,
        %get3A_353 = vector.shape_cast %get3A_352 : vector<1x16xf32> to vector<16xf32>
        %sub3A_354 = arith.subf %get3A_353, %scan3A_30#0 : vector<16xf32>
        %exp3A_355 = math.exp %sub3A_354 : vector<16xf32>
        %mul3A_356 = arith.constant 16 : i32
        %mul3A_357 = arith.muli %mul3A_356, %scan3A_61 : i32
        %add3A_358 = arith.constant 15 : i32
        %add3A_359 = arith.addi %mul3A_357, %add3A_358 : i32
        %get3A_360 = arith.index_cast %add3A_359 : i32 to index
        %get3A_361 = arith.constant 0 : index
        %get3A_362 = tpu.vector_load %arg15[%get3A_360, %get3A_361] {strides = array<i32>} : memref<256x32xf32, #tpu.memory_space<vmem>>, vector<1x16xf32>,
        %get3A_363 = vector.shape_cast %get3A_362 : vector<1x16xf32> to vector<16xf32>
        %sub3A_364 = arith.subf %get3A_363, %scan3A_30#0 : vector<16xf32>
        %exp3A_365 = math.exp %sub3A_364 : vector<16xf32>
        %add3A_366 = arith.addf %exp3A_335, %exp3A_345 : vector<16xf32>
        %add3A_367 = arith.addf %exp3A_355, %exp3A_365 : vector<16xf32>
        %add3A_368 = arith.addf %add3A_366, %add3A_367 : vector<16xf32>
        %add3A_369 = arith.addf %add3A_281, %add3A_368 : vector<16xf32>
        %mul3A_370 = arith.constant 16 : i32
        %mul3A_371 = arith.muli %mul3A_370, %scan3A_61 : i32
        %add3A_372 = arith.constant 12 : i32
        %add3A_373 = arith.addi %mul3A_371, %add3A_372 : i32
        %get3A_374 = arith.index_cast %add3A_373 : i32 to index
        %get3A_375 = arith.constant 16 : index
        %get3A_376 = tpu.vector_load %arg15[%get3A_374, %get3A_375] {strides = array<i32>} : memref<256x32xf32, #tpu.memory_space<vmem>>, vector<1x16xf32>,
        %get3A_377 = vector.shape_cast %get3A_376 : vector<1x16xf32> to vector<16xf32>
        %sub3A_378 = arith.subf %get3A_377, %scan3A_30#1 : vector<16xf32>
        %exp3A_379 = math.exp %sub3A_378 : vector<16xf32>
        %mul3A_380 = arith.constant 16 : i32
        %mul3A_381 = arith.muli %mul3A_380, %scan3A_61 : i32
        %add3A_382 = arith.constant 13 : i32
        %add3A_383 = arith.addi %mul3A_381, %add3A_382 : i32
        %get3A_384 = arith.index_cast %add3A_383 : i32 to index
        %get3A_385 = arith.constant 16 : index
        %get3A_386 = tpu.vector_load %arg15[%get3A_384, %get3A_385] {strides = array<i32>} : memref<256x32xf32, #tpu.memory_space<vmem>>, vector<1x16xf32>,
        %get3A_387 = vector.shape_cast %get3A_386 : vector<1x16xf32> to vector<16xf32>
        %sub3A_388 = arith.subf %get3A_387, %scan3A_30#1 : vector<16xf32>
        %exp3A_389 = math.exp %sub3A_388 : vector<16xf32>
        %mul3A_390 = arith.constant 16 : i32
        %mul3A_391 = arith.muli %mul3A_390, %scan3A_61 : i32
        %add3A_392 = arith.constant 14 : i32
        %add3A_393 = arith.addi %mul3A_391, %add3A_392 : i32
        %get3A_394 = arith.index_cast %add3A_393 : i32 to index
        %get3A_395 = arith.constant 16 : index
        %get3A_396 = tpu.vector_load %arg15[%get3A_394, %get3A_395] {strides = array<i32>} : memref<256x32xf32, #tpu.memory_space<vmem>>, vector<1x16xf32>,
        %get3A_397 = vector.shape_cast %get3A_396 : vector<1x16xf32> to vector<16xf32>
        %sub3A_398 = arith.subf %get3A_397, %scan3A_30#1 : vector<16xf32>
        %exp3A_399 = math.exp %sub3A_398 : vector<16xf32>
        %mul3A_400 = arith.constant 16 : i32
        %mul3A_401 = arith.muli %mul3A_400, %scan3A_61 : i32
        %add3A_402 = arith.constant 15 : i32
        %add3A_403 = arith.addi %mul3A_401, %add3A_402 : i32
        %get3A_404 = arith.index_cast %add3A_403 : i32 to index
        %get3A_405 = arith.constant 16 : index
        %get3A_406 = tpu.vector_load %arg15[%get3A_404, %get3A_405] {strides = array<i32>} : memref<256x32xf32, #tpu.memory_space<vmem>>, vector<1x16xf32>,
        %get3A_407 = vector.shape_cast %get3A_406 : vector<1x16xf32> to vector<16xf32>
        %sub3A_408 = arith.subf %get3A_407, %scan3A_30#1 : vector<16xf32>
        %exp3A_409 = math.exp %sub3A_408 : vector<16xf32>
        %add3A_410 = arith.addf %exp3A_379, %exp3A_389 : vector<16xf32>
        %add3A_411 = arith.addf %exp3A_399, %exp3A_409 : vector<16xf32>
        %add3A_412 = arith.addf %add3A_410, %add3A_411 : vector<16xf32>
        %add3A_413 = arith.addf %add3A_325, %add3A_412 : vector<16xf32>
        %scan3A_414 = arith.constant 1 : i32
        %scan3A_415 = arith.addi %scan3A_61, %scan3A_414 : i32
        %mul3A_416 = arith.constant 16 : i32
        %mul3A_417 = arith.muli %mul3A_416, %scan3A_415 : i32
        %add3A_418 = arith.constant 0 : i32
        %add3A_419 = arith.addi %mul3A_417, %add3A_418 : i32
        %get3A_420 = arith.index_cast %add3A_419 : i32 to index
        %get3A_421 = arith.constant 0 : index
        %get3A_422 = tpu.vector_load %arg15[%get3A_420, %get3A_421] {strides = array<i32>} : memref<256x32xf32, #tpu.memory_space<vmem>>, vector<1x16xf32>,
        %get3A_423 = vector.shape_cast %get3A_422 : vector<1x16xf32> to vector<16xf32>
        %sub3A_424 = arith.subf %get3A_423, %scan3A_30#0 : vector<16xf32>
        %exp3A_425 = math.exp %sub3A_424 : vector<16xf32>
        %mul3A_426 = arith.constant 16 : i32
        %mul3A_427 = arith.muli %mul3A_426, %scan3A_415 : i32
        %add3A_428 = arith.constant 1 : i32
        %add3A_429 = arith.addi %mul3A_427, %add3A_428 : i32
        %get3A_430 = arith.index_cast %add3A_429 : i32 to index
        %get3A_431 = arith.constant 0 : index
        %get3A_432 = tpu.vector_load %arg15[%get3A_430, %get3A_431] {strides = array<i32>} : memref<256x32xf32, #tpu.memory_space<vmem>>, vector<1x16xf32>,
        %get3A_433 = vector.shape_cast %get3A_432 : vector<1x16xf32> to vector<16xf32>
        %sub3A_434 = arith.subf %get3A_433, %scan3A_30#0 : vector<16xf32>
        %exp3A_435 = math.exp %sub3A_434 : vector<16xf32>
        %mul3A_436 = arith.constant 16 : i32
        %mul3A_437 = arith.muli %mul3A_436, %scan3A_415 : i32
        %add3A_438 = arith.constant 2 : i32
        %add3A_439 = arith.addi %mul3A_437, %add3A_438 : i32
        %get3A_440 = arith.index_cast %add3A_439 : i32 to index
        %get3A_441 = arith.constant 0 : index
        %get3A_442 = tpu.vector_load %arg15[%get3A_440, %get3A_441] {strides = array<i32>} : memref<256x32xf32, #tpu.memory_space<vmem>>, vector<1x16xf32>,
        %get3A_443 = vector.shape_cast %get3A_442 : vector<1x16xf32> to vector<16xf32>
        %sub3A_444 = arith.subf %get3A_443, %scan3A_30#0 : vector<16xf32>
        %exp3A_445 = math.exp %sub3A_444 : vector<16xf32>
        %mul3A_446 = arith.constant 16 : i32
        %mul3A_447 = arith.muli %mul3A_446, %scan3A_415 : i32
        %add3A_448 = arith.constant 3 : i32
        %add3A_449 = arith.addi %mul3A_447, %add3A_448 : i32
        %get3A_450 = arith.index_cast %add3A_449 : i32 to index
        %get3A_451 = arith.constant 0 : index
        %get3A_452 = tpu.vector_load %arg15[%get3A_450, %get3A_451] {strides = array<i32>} : memref<256x32xf32, #tpu.memory_space<vmem>>, vector<1x16xf32>,
        %get3A_453 = vector.shape_cast %get3A_452 : vector<1x16xf32> to vector<16xf32>
        %sub3A_454 = arith.subf %get3A_453, %scan3A_30#0 : vector<16xf32>
        %exp3A_455 = math.exp %sub3A_454 : vector<16xf32>
        %add3A_456 = arith.addf %exp3A_425, %exp3A_435 : vector<16xf32>
        %add3A_457 = arith.addf %exp3A_445, %exp3A_455 : vector<16xf32>
        %add3A_458 = arith.addf %add3A_456, %add3A_457 : vector<16xf32>
        %add3A_459 = arith.addf %add3A_369, %add3A_458 : vector<16xf32>
        %mul3A_460 = arith.constant 16 : i32
        %mul3A_461 = arith.muli %mul3A_460, %scan3A_415 : i32
        %add3A_462 = arith.constant 0 : i32
        %add3A_463 = arith.addi %mul3A_461, %add3A_462 : i32
        %get3A_464 = arith.index_cast %add3A_463 : i32 to index
        %get3A_465 = arith.constant 16 : index
        %get3A_466 = tpu.vector_load %arg15[%get3A_464, %get3A_465] {strides = array<i32>} : memref<256x32xf32, #tpu.memory_space<vmem>>, vector<1x16xf32>,
        %get3A_467 = vector.shape_cast %get3A_466 : vector<1x16xf32> to vector<16xf32>
        %sub3A_468 = arith.subf %get3A_467, %scan3A_30#1 : vector<16xf32>
        %exp3A_469 = math.exp %sub3A_468 : vector<16xf32>
        %mul3A_470 = arith.constant 16 : i32
        %mul3A_471 = arith.muli %mul3A_470, %scan3A_415 : i32
        %add3A_472 = arith.constant 1 : i32
        %add3A_473 = arith.addi %mul3A_471, %add3A_472 : i32
        %get3A_474 = arith.index_cast %add3A_473 : i32 to index
        %get3A_475 = arith.constant 16 : index
        %get3A_476 = tpu.vector_load %arg15[%get3A_474, %get3A_475] {strides = array<i32>} : memref<256x32xf32, #tpu.memory_space<vmem>>, vector<1x16xf32>,
        %get3A_477 = vector.shape_cast %get3A_476 : vector<1x16xf32> to vector<16xf32>
        %sub3A_478 = arith.subf %get3A_477, %scan3A_30#1 : vector<16xf32>
        %exp3A_479 = math.exp %sub3A_478 : vector<16xf32>
        %mul3A_480 = arith.constant 16 : i32
        %mul3A_481 = arith.muli %mul3A_480, %scan3A_415 : i32
        %add3A_482 = arith.constant 2 : i32
        %add3A_483 = arith.addi %mul3A_481, %add3A_482 : i32
        %get3A_484 = arith.index_cast %add3A_483 : i32 to index
        %get3A_485 = arith.constant 16 : index
        %get3A_486 = tpu.vector_load %arg15[%get3A_484, %get3A_485] {strides = array<i32>} : memref<256x32xf32, #tpu.memory_space<vmem>>, vector<1x16xf32>,
        %get3A_487 = vector.shape_cast %get3A_486 : vector<1x16xf32> to vector<16xf32>
        %sub3A_488 = arith.subf %get3A_487, %scan3A_30#1 : vector<16xf32>
        %exp3A_489 = math.exp %sub3A_488 : vector<16xf32>
        %mul3A_490 = arith.constant 16 : i32
        %mul3A_491 = arith.muli %mul3A_490, %scan3A_415 : i32
        %add3A_492 = arith.constant 3 : i32
        %add3A_493 = arith.addi %mul3A_491, %add3A_492 : i32
        %get3A_494 = arith.index_cast %add3A_493 : i32 to index
        %get3A_495 = arith.constant 16 : index
        %get3A_496 = tpu.vector_load %arg15[%get3A_494, %get3A_495] {strides = array<i32>} : memref<256x32xf32, #tpu.memory_space<vmem>>, vector<1x16xf32>,
        %get3A_497 = vector.shape_cast %get3A_496 : vector<1x16xf32> to vector<16xf32>
        %sub3A_498 = arith.subf %get3A_497, %scan3A_30#1 : vector<16xf32>
        %exp3A_499 = math.exp %sub3A_498 : vector<16xf32>
        %add3A_500 = arith.addf %exp3A_469, %exp3A_479 : vector<16xf32>
        %add3A_501 = arith.addf %exp3A_489, %exp3A_499 : vector<16xf32>
        %add3A_502 = arith.addf %add3A_500, %add3A_501 : vector<16xf32>
        %add3A_503 = arith.addf %add3A_413, %add3A_502 : vector<16xf32>
        %mul3A_504 = arith.constant 16 : i32
        %mul3A_505 = arith.muli %mul3A_504, %scan3A_415 : i32
        %add3A_506 = arith.constant 4 : i32
        %add3A_507 = arith.addi %mul3A_505, %add3A_506 : i32
        %get3A_508 = arith.index_cast %add3A_507 : i32 to index
        %get3A_509 = arith.constant 0 : index
        %get3A_510 = tpu.vector_load %arg15[%get3A_508, %get3A_509] {strides = array<i32>} : memref<256x32xf32, #tpu.memory_space<vmem>>, vector<1x16xf32>,
        %get3A_511 = vector.shape_cast %get3A_510 : vector<1x16xf32> to vector<16xf32>
        %sub3A_512 = arith.subf %get3A_511, %scan3A_30#0 : vector<16xf32>
        %exp3A_513 = math.exp %sub3A_512 : vector<16xf32>
        %mul3A_514 = arith.constant 16 : i32
        %mul3A_515 = arith.muli %mul3A_514, %scan3A_415 : i32
        %add3A_516 = arith.constant 5 : i32
        %add3A_517 = arith.addi %mul3A_515, %add3A_516 : i32
        %get3A_518 = arith.index_cast %add3A_517 : i32 to index
        %get3A_519 = arith.constant 0 : index
        %get3A_520 = tpu.vector_load %arg15[%get3A_518, %get3A_519] {strides = array<i32>} : memref<256x32xf32, #tpu.memory_space<vmem>>, vector<1x16xf32>,
        %get3A_521 = vector.shape_cast %get3A_520 : vector<1x16xf32> to vector<16xf32>
        %sub3A_522 = arith.subf %get3A_521, %scan3A_30#0 : vector<16xf32>
        %exp3A_523 = math.exp %sub3A_522 : vector<16xf32>
        %mul3A_524 = arith.constant 16 : i32
        %mul3A_525 = arith.muli %mul3A_524, %scan3A_415 : i32
        %add3A_526 = arith.constant 6 : i32
        %add3A_527 = arith.addi %mul3A_525, %add3A_526 : i32
        %get3A_528 = arith.index_cast %add3A_527 : i32 to index
        %get3A_529 = arith.constant 0 : index
        %get3A_530 = tpu.vector_load %arg15[%get3A_528, %get3A_529] {strides = array<i32>} : memref<256x32xf32, #tpu.memory_space<vmem>>, vector<1x16xf32>,
        %get3A_531 = vector.shape_cast %get3A_530 : vector<1x16xf32> to vector<16xf32>
        %sub3A_532 = arith.subf %get3A_531, %scan3A_30#0 : vector<16xf32>
        %exp3A_533 = math.exp %sub3A_532 : vector<16xf32>
        %mul3A_534 = arith.constant 16 : i32
        %mul3A_535 = arith.muli %mul3A_534, %scan3A_415 : i32
        %add3A_536 = arith.constant 7 : i32
        %add3A_537 = arith.addi %mul3A_535, %add3A_536 : i32
        %get3A_538 = arith.index_cast %add3A_537 : i32 to index
        %get3A_539 = arith.constant 0 : index
        %get3A_540 = tpu.vector_load %arg15[%get3A_538, %get3A_539] {strides = array<i32>} : memref<256x32xf32, #tpu.memory_space<vmem>>, vector<1x16xf32>,
        %get3A_541 = vector.shape_cast %get3A_540 : vector<1x16xf32> to vector<16xf32>
        %sub3A_542 = arith.subf %get3A_541, %scan3A_30#0 : vector<16xf32>
        %exp3A_543 = math.exp %sub3A_542 : vector<16xf32>
        %add3A_544 = arith.addf %exp3A_513, %exp3A_523 : vector<16xf32>
        %add3A_545 = arith.addf %exp3A_533, %exp3A_543 : vector<16xf32>
        %add3A_546 = arith.addf %add3A_544, %add3A_545 : vector<16xf32>
        %add3A_547 = arith.addf %add3A_459, %add3A_546 : vector<16xf32>
        %mul3A_548 = arith.constant 16 : i32
        %mul3A_549 = arith.muli %mul3A_548, %scan3A_415 : i32
        %add3A_550 = arith.constant 4 : i32
        %add3A_551 = arith.addi %mul3A_549, %add3A_550 : i32
        %get3A_552 = arith.index_cast %add3A_551 : i32 to index
        %get3A_553 = arith.constant 16 : index
        %get3A_554 = tpu.vector_load %arg15[%get3A_552, %get3A_553] {strides = array<i32>} : memref<256x32xf32, #tpu.memory_space<vmem>>, vector<1x16xf32>,
        %get3A_555 = vector.shape_cast %get3A_554 : vector<1x16xf32> to vector<16xf32>
        %sub3A_556 = arith.subf %get3A_555, %scan3A_30#1 : vector<16xf32>
        %exp3A_557 = math.exp %sub3A_556 : vector<16xf32>
        %mul3A_558 = arith.constant 16 : i32
        %mul3A_559 = arith.muli %mul3A_558, %scan3A_415 : i32
        %add3A_560 = arith.constant 5 : i32
        %add3A_561 = arith.addi %mul3A_559, %add3A_560 : i32
        %get3A_562 = arith.index_cast %add3A_561 : i32 to index
        %get3A_563 = arith.constant 16 : index
        %get3A_564 = tpu.vector_load %arg15[%get3A_562, %get3A_563] {strides = array<i32>} : memref<256x32xf32, #tpu.memory_space<vmem>>, vector<1x16xf32>,
        %get3A_565 = vector.shape_cast %get3A_564 : vector<1x16xf32> to vector<16xf32>
        %sub3A_566 = arith.subf %get3A_565, %scan3A_30#1 : vector<16xf32>
        %exp3A_567 = math.exp %sub3A_566 : vector<16xf32>
        %mul3A_568 = arith.constant 16 : i32
        %mul3A_569 = arith.muli %mul3A_568, %scan3A_415 : i32
        %add3A_570 = arith.constant 6 : i32
        %add3A_571 = arith.addi %mul3A_569, %add3A_570 : i32
        %get3A_572 = arith.index_cast %add3A_571 : i32 to index
        %get3A_573 = arith.constant 16 : index
        %get3A_574 = tpu.vector_load %arg15[%get3A_572, %get3A_573] {strides = array<i32>} : memref<256x32xf32, #tpu.memory_space<vmem>>, vector<1x16xf32>,
        %get3A_575 = vector.shape_cast %get3A_574 : vector<1x16xf32> to vector<16xf32>
        %sub3A_576 = arith.subf %get3A_575, %scan3A_30#1 : vector<16xf32>
        %exp3A_577 = math.exp %sub3A_576 : vector<16xf32>
        %mul3A_578 = arith.constant 16 : i32
        %mul3A_579 = arith.muli %mul3A_578, %scan3A_415 : i32
        %add3A_580 = arith.constant 7 : i32
        %add3A_581 = arith.addi %mul3A_579, %add3A_580 : i32
        %get3A_582 = arith.index_cast %add3A_581 : i32 to index
        %get3A_583 = arith.constant 16 : index
        %get3A_584 = tpu.vector_load %arg15[%get3A_582, %get3A_583] {strides = array<i32>} : memref<256x32xf32, #tpu.memory_space<vmem>>, vector<1x16xf32>,
        %get3A_585 = vector.shape_cast %get3A_584 : vector<1x16xf32> to vector<16xf32>
        %sub3A_586 = arith.subf %get3A_585, %scan3A_30#1 : vector<16xf32>
        %exp3A_587 = math.exp %sub3A_586 : vector<16xf32>
        %add3A_588 = arith.addf %exp3A_557, %exp3A_567 : vector<16xf32>
        %add3A_589 = arith.addf %exp3A_577, %exp3A_587 : vector<16xf32>
        %add3A_590 = arith.addf %add3A_588, %add3A_589 : vector<16xf32>
        %add3A_591 = arith.addf %add3A_503, %add3A_590 : vector<16xf32>
        %mul3A_592 = arith.constant 16 : i32
        %mul3A_593 = arith.muli %mul3A_592, %scan3A_415 : i32
        %add3A_594 = arith.constant 8 : i32
        %add3A_595 = arith.addi %mul3A_593, %add3A_594 : i32
        %get3A_596 = arith.index_cast %add3A_595 : i32 to index
        %get3A_597 = arith.constant 0 : index
        %get3A_598 = tpu.vector_load %arg15[%get3A_596, %get3A_597] {strides = array<i32>} : memref<256x32xf32, #tpu.memory_space<vmem>>, vector<1x16xf32>,
        %get3A_599 = vector.shape_cast %get3A_598 : vector<1x16xf32> to vector<16xf32>
        %sub3A_600 = arith.subf %get3A_599, %scan3A_30#0 : vector<16xf32>
        %exp3A_601 = math.exp %sub3A_600 : vector<16xf32>
        %mul3A_602 = arith.constant 16 : i32
        %mul3A_603 = arith.muli %mul3A_602, %scan3A_415 : i32
        %add3A_604 = arith.constant 9 : i32
        %add3A_605 = arith.addi %mul3A_603, %add3A_604 : i32
        %get3A_606 = arith.index_cast %add3A_605 : i32 to index
        %get3A_607 = arith.constant 0 : index
        %get3A_608 = tpu.vector_load %arg15[%get3A_606, %get3A_607] {strides = array<i32>} : memref<256x32xf32, #tpu.memory_space<vmem>>, vector<1x16xf32>,
        %get3A_609 = vector.shape_cast %get3A_608 : vector<1x16xf32> to vector<16xf32>
        %sub3A_610 = arith.subf %get3A_609, %scan3A_30#0 : vector<16xf32>
        %exp3A_611 = math.exp %sub3A_610 : vector<16xf32>
        %mul3A_612 = arith.constant 16 : i32
        %mul3A_613 = arith.muli %mul3A_612, %scan3A_415 : i32
        %add3A_614 = arith.constant 10 : i32
        %add3A_615 = arith.addi %mul3A_613, %add3A_614 : i32
        %get3A_616 = arith.index_cast %add3A_615 : i32 to index
        %get3A_617 = arith.constant 0 : index
        %get3A_618 = tpu.vector_load %arg15[%get3A_616, %get3A_617] {strides = array<i32>} : memref<256x32xf32, #tpu.memory_space<vmem>>, vector<1x16xf32>,
        %get3A_619 = vector.shape_cast %get3A_618 : vector<1x16xf32> to vector<16xf32>
        %sub3A_620 = arith.subf %get3A_619, %scan3A_30#0 : vector<16xf32>
        %exp3A_621 = math.exp %sub3A_620 : vector<16xf32>
        %mul3A_622 = arith.constant 16 : i32
        %mul3A_623 = arith.muli %mul3A_622, %scan3A_415 : i32
        %add3A_624 = arith.constant 11 : i32
        %add3A_625 = arith.addi %mul3A_623, %add3A_624 : i32
        %get3A_626 = arith.index_cast %add3A_625 : i32 to index
        %get3A_627 = arith.constant 0 : index
        %get3A_628 = tpu.vector_load %arg15[%get3A_626, %get3A_627] {strides = array<i32>} : memref<256x32xf32, #tpu.memory_space<vmem>>, vector<1x16xf32>,
        %get3A_629 = vector.shape_cast %get3A_628 : vector<1x16xf32> to vector<16xf32>
        %sub3A_630 = arith.subf %get3A_629, %scan3A_30#0 : vector<16xf32>
        %exp3A_631 = math.exp %sub3A_630 : vector<16xf32>
        %add3A_632 = arith.addf %exp3A_601, %exp3A_611 : vector<16xf32>
        %add3A_633 = arith.addf %exp3A_621, %exp3A_631 : vector<16xf32>
        %add3A_634 = arith.addf %add3A_632, %add3A_633 : vector<16xf32>
        %add3A_635 = arith.addf %add3A_547, %add3A_634 : vector<16xf32>
        %mul3A_636 = arith.constant 16 : i32
        %mul3A_637 = arith.muli %mul3A_636, %scan3A_415 : i32
        %add3A_638 = arith.constant 8 : i32
        %add3A_639 = arith.addi %mul3A_637, %add3A_638 : i32
        %get3A_640 = arith.index_cast %add3A_639 : i32 to index
        %get3A_641 = arith.constant 16 : index
        %get3A_642 = tpu.vector_load %arg15[%get3A_640, %get3A_641] {strides = array<i32>} : memref<256x32xf32, #tpu.memory_space<vmem>>, vector<1x16xf32>,
        %get3A_643 = vector.shape_cast %get3A_642 : vector<1x16xf32> to vector<16xf32>
        %sub3A_644 = arith.subf %get3A_643, %scan3A_30#1 : vector<16xf32>
        %exp3A_645 = math.exp %sub3A_644 : vector<16xf32>
        %mul3A_646 = arith.constant 16 : i32
        %mul3A_647 = arith.muli %mul3A_646, %scan3A_415 : i32
        %add3A_648 = arith.constant 9 : i32
        %add3A_649 = arith.addi %mul3A_647, %add3A_648 : i32
        %get3A_650 = arith.index_cast %add3A_649 : i32 to index
        %get3A_651 = arith.constant 16 : index
        %get3A_652 = tpu.vector_load %arg15[%get3A_650, %get3A_651] {strides = array<i32>} : memref<256x32xf32, #tpu.memory_space<vmem>>, vector<1x16xf32>,
        %get3A_653 = vector.shape_cast %get3A_652 : vector<1x16xf32> to vector<16xf32>
        %sub3A_654 = arith.subf %get3A_653, %scan3A_30#1 : vector<16xf32>
        %exp3A_655 = math.exp %sub3A_654 : vector<16xf32>
        %mul3A_656 = arith.constant 16 : i32
        %mul3A_657 = arith.muli %mul3A_656, %scan3A_415 : i32
        %add3A_658 = arith.constant 10 : i32
        %add3A_659 = arith.addi %mul3A_657, %add3A_658 : i32
        %get3A_660 = arith.index_cast %add3A_659 : i32 to index
        %get3A_661 = arith.constant 16 : index
        %get3A_662 = tpu.vector_load %arg15[%get3A_660, %get3A_661] {strides = array<i32>} : memref<256x32xf32, #tpu.memory_space<vmem>>, vector<1x16xf32>,
        %get3A_663 = vector.shape_cast %get3A_662 : vector<1x16xf32> to vector<16xf32>
        %sub3A_664 = arith.subf %get3A_663, %scan3A_30#1 : vector<16xf32>
        %exp3A_665 = math.exp %sub3A_664 : vector<16xf32>
        %mul3A_666 = arith.constant 16 : i32
        %mul3A_667 = arith.muli %mul3A_666, %scan3A_415 : i32
        %add3A_668 = arith.constant 11 : i32
        %add3A_669 = arith.addi %mul3A_667, %add3A_668 : i32
        %get3A_670 = arith.index_cast %add3A_669 : i32 to index
        %get3A_671 = arith.constant 16 : index
        %get3A_672 = tpu.vector_load %arg15[%get3A_670, %get3A_671] {strides = array<i32>} : memref<256x32xf32, #tpu.memory_space<vmem>>, vector<1x16xf32>,
        %get3A_673 = vector.shape_cast %get3A_672 : vector<1x16xf32> to vector<16xf32>
        %sub3A_674 = arith.subf %get3A_673, %scan3A_30#1 : vector<16xf32>
        %exp3A_675 = math.exp %sub3A_674 : vector<16xf32>
        %add3A_676 = arith.addf %exp3A_645, %exp3A_655 : vector<16xf32>
        %add3A_677 = arith.addf %exp3A_665, %exp3A_675 : vector<16xf32>
        %add3A_678 = arith.addf %add3A_676, %add3A_677 : vector<16xf32>
        %add3A_679 = arith.addf %add3A_591, %add3A_678 : vector<16xf32>
        %mul3A_680 = arith.constant 16 : i32
        %mul3A_681 = arith.muli %mul3A_680, %scan3A_415 : i32
        %add3A_682 = arith.constant 12 : i32
        %add3A_683 = arith.addi %mul3A_681, %add3A_682 : i32
        %get3A_684 = arith.index_cast %add3A_683 : i32 to index
        %get3A_685 = arith.constant 0 : index
        %get3A_686 = tpu.vector_load %arg15[%get3A_684, %get3A_685] {strides = array<i32>} : memref<256x32xf32, #tpu.memory_space<vmem>>, vector<1x16xf32>,
        %get3A_687 = vector.shape_cast %get3A_686 : vector<1x16xf32> to vector<16xf32>
        %sub3A_688 = arith.subf %get3A_687, %scan3A_30#0 : vector<16xf32>
        %exp3A_689 = math.exp %sub3A_688 : vector<16xf32>
        %mul3A_690 = arith.constant 16 : i32
        %mul3A_691 = arith.muli %mul3A_690, %scan3A_415 : i32
        %add3A_692 = arith.constant 13 : i32
        %add3A_693 = arith.addi %mul3A_691, %add3A_692 : i32
        %get3A_694 = arith.index_cast %add3A_693 : i32 to index
        %get3A_695 = arith.constant 0 : index
        %get3A_696 = tpu.vector_load %arg15[%get3A_694, %get3A_695] {strides = array<i32>} : memref<256x32xf32, #tpu.memory_space<vmem>>, vector<1x16xf32>,
        %get3A_697 = vector.shape_cast %get3A_696 : vector<1x16xf32> to vector<16xf32>
        %sub3A_698 = arith.subf %get3A_697, %scan3A_30#0 : vector<16xf32>
        %exp3A_699 = math.exp %sub3A_698 : vector<16xf32>
        %mul3A_700 = arith.constant 16 : i32
        %mul3A_701 = arith.muli %mul3A_700, %scan3A_415 : i32
        %add3A_702 = arith.constant 14 : i32
        %add3A_703 = arith.addi %mul3A_701, %add3A_702 : i32
        %get3A_704 = arith.index_cast %add3A_703 : i32 to index
        %get3A_705 = arith.constant 0 : index
        %get3A_706 = tpu.vector_load %arg15[%get3A_704, %get3A_705] {strides = array<i32>} : memref<256x32xf32, #tpu.memory_space<vmem>>, vector<1x16xf32>,
        %get3A_707 = vector.shape_cast %get3A_706 : vector<1x16xf32> to vector<16xf32>
        %sub3A_708 = arith.subf %get3A_707, %scan3A_30#0 : vector<16xf32>
        %exp3A_709 = math.exp %sub3A_708 : vector<16xf32>
        %mul3A_710 = arith.constant 16 : i32
        %mul3A_711 = arith.muli %mul3A_710, %scan3A_415 : i32
        %add3A_712 = arith.constant 15 : i32
        %add3A_713 = arith.addi %mul3A_711, %add3A_712 : i32
        %get3A_714 = arith.index_cast %add3A_713 : i32 to index
        %get3A_715 = arith.constant 0 : index
        %get3A_716 = tpu.vector_load %arg15[%get3A_714, %get3A_715] {strides = array<i32>} : memref<256x32xf32, #tpu.memory_space<vmem>>, vector<1x16xf32>,
        %get3A_717 = vector.shape_cast %get3A_716 : vector<1x16xf32> to vector<16xf32>
        %sub3A_718 = arith.subf %get3A_717, %scan3A_30#0 : vector<16xf32>
        %exp3A_719 = math.exp %sub3A_718 : vector<16xf32>
        %add3A_720 = arith.addf %exp3A_689, %exp3A_699 : vector<16xf32>
        %add3A_721 = arith.addf %exp3A_709, %exp3A_719 : vector<16xf32>
        %add3A_722 = arith.addf %add3A_720, %add3A_721 : vector<16xf32>
        %add3A_723 = arith.addf %add3A_635, %add3A_722 : vector<16xf32>
        %mul3A_724 = arith.constant 16 : i32
        %mul3A_725 = arith.muli %mul3A_724, %scan3A_415 : i32
        %add3A_726 = arith.constant 12 : i32
        %add3A_727 = arith.addi %mul3A_725, %add3A_726 : i32
        %get3A_728 = arith.index_cast %add3A_727 : i32 to index
        %get3A_729 = arith.constant 16 : index
        %get3A_730 = tpu.vector_load %arg15[%get3A_728, %get3A_729] {strides = array<i32>} : memref<256x32xf32, #tpu.memory_space<vmem>>, vector<1x16xf32>,
        %get3A_731 = vector.shape_cast %get3A_730 : vector<1x16xf32> to vector<16xf32>
        %sub3A_732 = arith.subf %get3A_731, %scan3A_30#1 : vector<16xf32>
        %exp3A_733 = math.exp %sub3A_732 : vector<16xf32>
        %mul3A_734 = arith.constant 16 : i32
        %mul3A_735 = arith.muli %mul3A_734, %scan3A_415 : i32
        %add3A_736 = arith.constant 13 : i32
        %add3A_737 = arith.addi %mul3A_735, %add3A_736 : i32
        %get3A_738 = arith.index_cast %add3A_737 : i32 to index
        %get3A_739 = arith.constant 16 : index
        %get3A_740 = tpu.vector_load %arg15[%get3A_738, %get3A_739] {strides = array<i32>} : memref<256x32xf32, #tpu.memory_space<vmem>>, vector<1x16xf32>,
        %get3A_741 = vector.shape_cast %get3A_740 : vector<1x16xf32> to vector<16xf32>
        %sub3A_742 = arith.subf %get3A_741, %scan3A_30#1 : vector<16xf32>
        %exp3A_743 = math.exp %sub3A_742 : vector<16xf32>
        %mul3A_744 = arith.constant 16 : i32
        %mul3A_745 = arith.muli %mul3A_744, %scan3A_415 : i32
        %add3A_746 = arith.constant 14 : i32
        %add3A_747 = arith.addi %mul3A_745, %add3A_746 : i32
        %get3A_748 = arith.index_cast %add3A_747 : i32 to index
        %get3A_749 = arith.constant 16 : index
        %get3A_750 = tpu.vector_load %arg15[%get3A_748, %get3A_749] {strides = array<i32>} : memref<256x32xf32, #tpu.memory_space<vmem>>, vector<1x16xf32>,
        %get3A_751 = vector.shape_cast %get3A_750 : vector<1x16xf32> to vector<16xf32>
        %sub3A_752 = arith.subf %get3A_751, %scan3A_30#1 : vector<16xf32>
        %exp3A_753 = math.exp %sub3A_752 : vector<16xf32>
        %mul3A_754 = arith.constant 16 : i32
        %mul3A_755 = arith.muli %mul3A_754, %scan3A_415 : i32
        %add3A_756 = arith.constant 15 : i32
        %add3A_757 = arith.addi %mul3A_755, %add3A_756 : i32
        %get3A_758 = arith.index_cast %add3A_757 : i32 to index
        %get3A_759 = arith.constant 16 : index
        %get3A_760 = tpu.vector_load %arg15[%get3A_758, %get3A_759] {strides = array<i32>} : memref<256x32xf32, #tpu.memory_space<vmem>>, vector<1x16xf32>,
        %get3A_761 = vector.shape_cast %get3A_760 : vector<1x16xf32> to vector<16xf32>
        %sub3A_762 = arith.subf %get3A_761, %scan3A_30#1 : vector<16xf32>
        %exp3A_763 = math.exp %sub3A_762 : vector<16xf32>
        %add3A_764 = arith.addf %exp3A_733, %exp3A_743 : vector<16xf32>
        %add3A_765 = arith.addf %exp3A_753, %exp3A_763 : vector<16xf32>
        %add3A_766 = arith.addf %add3A_764, %add3A_765 : vector<16xf32>
        %add3A_767 = arith.addf %add3A_679, %add3A_766 : vector<16xf32>
        scf.yield %add3A_723, %add3A_767 : vector<16xf32>, vector<16xf32>
      }
      %scan3A_41 = arith.constant 16 : i32
      %swap3A = arith.index_cast %scan3A_14 : i32 to index
      %swap3A_42 = arith.constant 0 : index
      %swap3A_43 = tpu.vector_load %arg13[%swap3A, %swap3A_42] {strides = array<i32>} : memref<32x32xf32, #tpu.memory_space<vmem>>, vector<1x16xf32>,
      %swap3A_44 = vector.shape_cast %swap3A_43 : vector<1x16xf32> to vector<16xf32>
      %swap3A_45 = vector.shape_cast %scan3A_30#0 : vector<16xf32> to vector<1x16xf32>
      tpu.vector_store %arg13[%swap3A, %swap3A_42], %swap3A_45 {strides = array<i32>} : memref<32x32xf32, #tpu.memory_space<vmem>>, vector<1x16xf32>,
      %swap3A_46 = arith.index_cast %scan3A_14 : i32 to index
      %swap3A_47 = arith.constant 0 : index
      %swap3A_48 = tpu.vector_load %arg14[%swap3A_46, %swap3A_47] {strides = array<i32>} : memref<32x32xf32, #tpu.memory_space<vmem>>, vector<1x16xf32>,
      %swap3A_49 = vector.shape_cast %swap3A_48 : vector<1x16xf32> to vector<16xf32>
      %swap3A_50 = vector.shape_cast %scan3A_40#0 : vector<16xf32> to vector<1x16xf32>
      tpu.vector_store %arg14[%swap3A_46, %swap3A_47], %swap3A_50 {strides = array<i32>} : memref<32x32xf32, #tpu.memory_space<vmem>>, vector<1x16xf32>,
      %swap3A_51 = arith.index_cast %scan3A_14 : i32 to index
      %swap3A_52 = arith.constant 16 : index
      %swap3A_53 = tpu.vector_load %arg13[%swap3A_51, %swap3A_52] {strides = array<i32>} : memref<32x32xf32, #tpu.memory_space<vmem>>, vector<1x16xf32>,
      %swap3A_54 = vector.shape_cast %swap3A_53 : vector<1x16xf32> to vector<16xf32>
      %swap3A_55 = vector.shape_cast %scan3A_30#1 : vector<16xf32> to vector<1x16xf32>
      tpu.vector_store %arg13[%swap3A_51, %swap3A_52], %swap3A_55 {strides = array<i32>} : memref<32x32xf32, #tpu.memory_space<vmem>>, vector<1x16xf32>,
      %swap3A_56 = arith.index_cast %scan3A_14 : i32 to index
      %swap3A_57 = arith.constant 16 : index
      %swap3A_58 = tpu.vector_load %arg14[%swap3A_56, %swap3A_57] {strides = array<i32>} : memref<32x32xf32, #tpu.memory_space<vmem>>, vector<1x16xf32>,
      %swap3A_59 = vector.shape_cast %swap3A_58 : vector<1x16xf32> to vector<16xf32>
      %swap3A_60 = vector.shape_cast %scan3A_40#1 : vector<16xf32> to vector<1x16xf32>
      tpu.vector_store %arg14[%swap3A_56, %swap3A_57], %swap3A_60 {strides = array<i32>} : memref<32x32xf32, #tpu.memory_space<vmem>>, vector<1x16xf32>,
    }
    %scan3A_13 = arith.constant 32 : i32
    "tpu.region"() ({
      %run_scoped3A = tpu.sem_alloc : memref<!tpu.dma_semaphore, #tpu.memory_space<semaphore_mem>>
      %dma_start3A = arith.constant 0 : i32
      %dma_start3A_14 = arith.constant 0 : i32
      %dma_start3A_15 = tpu.memref_slice %arg6[%add3A, %dma_start3A, %dma_start3A_14] : memref<32x32x32xf32, #tpu.memory_space<hbm>> -> memref<1x32x32xf32, #tpu.memory_space<hbm>>
      %dma_start3A_16 = tpu.memref_squeeze %dma_start3A_15 : memref<1x32x32xf32, #tpu.memory_space<hbm>> -> memref<32x32xf32, #tpu.memory_space<hbm>>
      %dma_start3A_17 = arith.constant 0 : i32
      %dma_start3A_18 = arith.constant 0 : i32
      %dma_start3A_19 = tpu.memref_slice %arg6[%add3A, %dma_start3A_17, %dma_start3A_18] : memref<32x32x32xf32, #tpu.memory_space<hbm>> -> memref<1x32x32xf32, #tpu.memory_space<hbm>>
      %dma_start3A_20 = tpu.memref_squeeze %dma_start3A_19 : memref<1x32x32xf32, #tpu.memory_space<hbm>> -> memref<32x32xf32, #tpu.memory_space<hbm>>
      tpu.enqueue_dma source(%arg13 : memref<32x32xf32, #tpu.memory_space<vmem>>) target(%dma_start3A_20 : memref<32x32xf32, #tpu.memory_space<hbm>>) target_semaphore(%run_scoped3A : memref<!tpu.dma_semaphore, #tpu.memory_space<semaphore_mem>>)
      %dma_wait3A = arith.constant 0 : i32
      %dma_wait3A_21 = arith.constant 0 : i32
      %dma_wait3A_22 = tpu.memref_slice %arg6[%add3A, %dma_wait3A, %dma_wait3A_21] : memref<32x32x32xf32, #tpu.memory_space<hbm>> -> memref<1x32x32xf32, #tpu.memory_space<hbm>>
      %dma_wait3A_23 = tpu.memref_squeeze %dma_wait3A_22 : memref<1x32x32xf32, #tpu.memory_space<hbm>> -> memref<32x32xf32, #tpu.memory_space<hbm>>
      %dma_wait3A_24 = arith.constant 0 : i32
      %dma_wait3A_25 = arith.constant 0 : i32
      %dma_wait3A_26 = tpu.memref_slice %arg6[%add3A, %dma_wait3A_24, %dma_wait3A_25] : memref<32x32x32xf32, #tpu.memory_space<hbm>> -> memref<1x32x32xf32, #tpu.memory_space<hbm>>
      %dma_wait3A_27 = tpu.memref_squeeze %dma_wait3A_26 : memref<1x32x32xf32, #tpu.memory_space<hbm>> -> memref<32x32xf32, #tpu.memory_space<hbm>>
      tpu.wait_dma2 semaphore(%run_scoped3A : memref<!tpu.dma_semaphore, #tpu.memory_space<semaphore_mem>>) src(%arg13 : memref<32x32xf32, #tpu.memory_space<vmem>>) dst(%dma_wait3A_27 : memref<32x32xf32, #tpu.memory_space<hbm>>)
      tpu.yield
    }) : () -> ()
    "tpu.region"() ({
      %run_scoped3A = tpu.sem_alloc : memref<!tpu.dma_semaphore, #tpu.memory_space<semaphore_mem>>
      %dma_start3A = arith.constant 0 : i32
      %dma_start3A_14 = arith.constant 0 : i32
      %dma_start3A_15 = tpu.memref_slice %arg7[%add3A, %dma_start3A, %dma_start3A_14] : memref<32x32x32xf32, #tpu.memory_space<hbm>> -> memref<1x32x32xf32, #tpu.memory_space<hbm>>
      %dma_start3A_16 = tpu.memref_squeeze %dma_start3A_15 : memref<1x32x32xf32, #tpu.memory_space<hbm>> -> memref<32x32xf32, #tpu.memory_space<hbm>>
      %dma_start3A_17 = arith.constant 0 : i32
      %dma_start3A_18 = arith.constant 0 : i32
      %dma_start3A_19 = tpu.memref_slice %arg7[%add3A, %dma_start3A_17, %dma_start3A_18] : memref<32x32x32xf32, #tpu.memory_space<hbm>> -> memref<1x32x32xf32, #tpu.memory_space<hbm>>
      %dma_start3A_20 = tpu.memref_squeeze %dma_start3A_19 : memref<1x32x32xf32, #tpu.memory_space<hbm>> -> memref<32x32xf32, #tpu.memory_space<hbm>>
      tpu.enqueue_dma source(%arg14 : memref<32x32xf32, #tpu.memory_space<vmem>>) target(%dma_start3A_20 : memref<32x32xf32, #tpu.memory_space<hbm>>) target_semaphore(%run_scoped3A : memref<!tpu.dma_semaphore, #tpu.memory_space<semaphore_mem>>)
      %dma_wait3A = arith.constant 0 : i32
      %dma_wait3A_21 = arith.constant 0 : i32
      %dma_wait3A_22 = tpu.memref_slice %arg7[%add3A, %dma_wait3A, %dma_wait3A_21] : memref<32x32x32xf32, #tpu.memory_space<hbm>> -> memref<1x32x32xf32, #tpu.memory_space<hbm>>
      %dma_wait3A_23 = tpu.memref_squeeze %dma_wait3A_22 : memref<1x32x32xf32, #tpu.memory_space<hbm>> -> memref<32x32xf32, #tpu.memory_space<hbm>>
      %dma_wait3A_24 = arith.constant 0 : i32
      %dma_wait3A_25 = arith.constant 0 : i32
      %dma_wait3A_26 = tpu.memref_slice %arg7[%add3A, %dma_wait3A_24, %dma_wait3A_25] : memref<32x32x32xf32, #tpu.memory_space<hbm>> -> memref<1x32x32xf32, #tpu.memory_space<hbm>>
      %dma_wait3A_27 = tpu.memref_squeeze %dma_wait3A_26 : memref<1x32x32xf32, #tpu.memory_space<hbm>> -> memref<32x32xf32, #tpu.memory_space<hbm>>
      tpu.wait_dma2 semaphore(%run_scoped3A : memref<!tpu.dma_semaphore, #tpu.memory_space<semaphore_mem>>) src(%arg14 : memref<32x32xf32, #tpu.memory_space<vmem>>) dst(%dma_wait3A_27 : memref<32x32xf32, #tpu.memory_space<hbm>>)
      tpu.yield
    }) : () -> ()
    return
  }
}

module attributes {stable_mosaic.version = 14 : i64} {
  func.func @_fin_body(%arg0: memref<256x128xf32, #tpu.memory_space<vmem>>, %arg1: memref<256x128xf32, #tpu.memory_space<vmem>>, %arg2: memref<1x256xf32, #tpu.memory_space<vmem>>, %arg3: memref<256x128xf32, #tpu.memory_space<vmem>>) attributes {dimension_semantics = [], scalar_prefetch = 0 : i64, scratch_operands = 0 : i64, tpu.core_type = #tpu.core_type<tc>} {
    %get3A = arith.constant 0 : index
    %get3A_0 = arith.constant 0 : index
    %get3A_1 = vector.load %arg2[%get3A, %get3A_0] : memref<1x256xf32, #tpu.memory_space<vmem>>, vector<1x256xf32>
    %reduce_max3A = vector.shape_cast %get3A_1 : vector<1x256xf32> to vector<1x1x256xf32>
    %reduce_max3A_2 = arith.constant dense<0xFF800000> : vector<1xf32>
    %reduce_max3A_3 = vector.multi_reduction <maximumf>, %reduce_max3A, %reduce_max3A_2 [1, 2] : vector<1x1x256xf32> to vector<1xf32>
    %reduce_max3A_4 = vector.shape_cast %reduce_max3A_3 : vector<1xf32> to vector<1x1x1xf32>
    %reduce_max3A_5 = vector.extract %reduce_max3A_4[0, 0, 0] : f32 from vector<1x1x1xf32>
    %sub3A = vector.broadcast %reduce_max3A_5 : f32 to vector<1x256xf32>
    %sub3A_6 = arith.subf %get3A_1, %sub3A : vector<1x256xf32>
    %exp3A = math.exp %sub3A_6 : vector<1x256xf32>
    %reduce_sum3A = vector.shape_cast %exp3A : vector<1x256xf32> to vector<1x1x256xf32>
    %reduce_sum3A_7 = arith.constant dense<0.000000e+00> : vector<1xf32>
    %reduce_sum3A_8 = vector.multi_reduction <add>, %reduce_sum3A, %reduce_sum3A_7 [1, 2] : vector<1x1x256xf32> to vector<1xf32>
    %reduce_sum3A_9 = vector.shape_cast %reduce_sum3A_8 : vector<1xf32> to vector<1x1x1xf32>
    %reduce_sum3A_10 = vector.extract %reduce_sum3A_9[0, 0, 0] : f32 from vector<1x1x1xf32>
    %log3A = math.log %reduce_sum3A_10 : f32
    %add3A = arith.addf %reduce_max3A_5, %log3A : f32
    %get3A_11 = arith.constant 0 : index
    %get3A_12 = arith.constant 0 : index
    %get3A_13 = vector.load %arg0[%get3A_11, %get3A_12] : memref<256x128xf32, #tpu.memory_space<vmem>>, vector<256x128xf32>
    %sub3A_14 = vector.broadcast %add3A : f32 to vector<256x128xf32>
    %sub3A_15 = arith.subf %get3A_13, %sub3A_14 : vector<256x128xf32>
    %get3A_16 = arith.constant 0 : index
    %get3A_17 = arith.constant 0 : index
    %get3A_18 = vector.load %arg1[%get3A_16, %get3A_17] : memref<256x128xf32, #tpu.memory_space<vmem>>, vector<256x128xf32>
    %log3A_19 = math.log %get3A_18 : vector<256x128xf32>
    %add3A_20 = arith.addf %sub3A_15, %log3A_19 : vector<256x128xf32>
    %swap3A = arith.constant 0 : index
    %swap3A_21 = arith.constant 0 : index
    %swap3A_22 = vector.load %arg3[%swap3A, %swap3A_21] : memref<256x128xf32, #tpu.memory_space<vmem>>, vector<256x128xf32>
    tpu.vector_store %arg3[%swap3A, %swap3A_21], %add3A_20 {strides = array<i32>} : memref<256x128xf32, #tpu.memory_space<vmem>>, vector<256x128xf32>,
    return
  }
}

module attributes {stable_mosaic.version = 14 : i64} {
  func.func @_tc_body(%arg0: i32, %arg1: memref<64x4096xf32, #tpu.memory_space<vmem>>, %arg2: memref<64x256xf32, #tpu.memory_space<vmem>>, %arg3: memref<64x256xf32, #tpu.memory_space<vmem>>, %arg4: memref<1x256xf32, #tpu.memory_space<vmem>>, %arg5: memref<64x3584xf32, #tpu.memory_space<vmem>>, %arg6: memref<64x256xf32, #tpu.memory_space<vmem>>, %arg7: memref<64x256xf32, #tpu.memory_space<vmem>>, %arg8: memref<64x256xf32, #tpu.memory_space<vmem>>) attributes {dimension_semantics = [#tpu.dimension_semantics<arbitrary>], iteration_bounds = array<i64: 1>, scalar_prefetch = 0 : i64, scratch_operands = 3 : i64, tpu.core_type = #tpu.core_type<tc>, window_params = [{pipeline_mode = #tpu.pipeline_mode<synchronous>, transform_indices = @transform_0, window_bounds = array<i64: 64, 4096>}, {pipeline_mode = #tpu.pipeline_mode<synchronous>, transform_indices = @transform_1, window_bounds = array<i64: 64, 256>}, {pipeline_mode = #tpu.pipeline_mode<synchronous>, transform_indices = @transform_2, window_bounds = array<i64: 64, 256>}, {pipeline_mode = #tpu.pipeline_mode<synchronous>, transform_indices = @transform_3, window_bounds = array<i64: 1, 256>}, {transform_indices = @transform_4, window_bounds = array<i64: 64, 3584>}]} {
    %get3A = arith.constant 0 : index
    %get3A_0 = arith.constant 0 : index
    %get3A_1 = vector.load %arg2[%get3A, %get3A_0] : memref<64x256xf32, #tpu.memory_space<vmem>>, vector<64x256xf32>
    %get3A_2 = arith.constant 0 : index
    %get3A_3 = arith.constant 0 : index
    %get3A_4 = vector.load %arg3[%get3A_2, %get3A_3] : memref<64x256xf32, #tpu.memory_space<vmem>>, vector<64x256xf32>
    %get3A_5 = arith.constant 0 : index
    %get3A_6 = arith.constant 0 : index
    %get3A_7 = vector.load %arg4[%get3A_5, %get3A_6] : memref<1x256xf32, #tpu.memory_space<vmem>>, vector<1x256xf32>
    %reduce_max3A = vector.shape_cast %get3A_7 : vector<1x256xf32> to vector<1x1x256xf32>
    %reduce_max3A_8 = arith.constant dense<0xFF800000> : vector<1xf32>
    %reduce_max3A_9 = vector.multi_reduction <maximumf>, %reduce_max3A, %reduce_max3A_8 [1, 2] : vector<1x1x256xf32> to vector<1xf32>
    %reduce_max3A_10 = vector.shape_cast %reduce_max3A_9 : vector<1xf32> to vector<1x1x1xf32>
    %reduce_max3A_11 = vector.extract %reduce_max3A_10[0, 0, 0] : f32 from vector<1x1x1xf32>
    %sub3A = vector.broadcast %reduce_max3A_11 : f32 to vector<1x256xf32>
    %sub3A_12 = arith.subf %get3A_7, %sub3A : vector<1x256xf32>
    %exp3A = math.exp %sub3A_12 : vector<1x256xf32>
    %reduce_sum3A = vector.shape_cast %exp3A : vector<1x256xf32> to vector<1x1x256xf32>
    %reduce_sum3A_13 = arith.constant dense<0.000000e+00> : vector<1xf32>
    %reduce_sum3A_14 = vector.multi_reduction <add>, %reduce_sum3A, %reduce_sum3A_13 [1, 2] : vector<1x1x256xf32> to vector<1xf32>
    %reduce_sum3A_15 = vector.shape_cast %reduce_sum3A_14 : vector<1xf32> to vector<1x1x1xf32>
    %reduce_sum3A_16 = vector.extract %reduce_sum3A_15[0, 0, 0] : f32 from vector<1x1x1xf32>
    %log3A = math.log %reduce_sum3A_16 : f32
    %add3A = arith.addf %reduce_max3A_11, %log3A : f32
    %neg3A = arith.constant 0.000000e+00 : f32
    %neg3A_17 = vector.broadcast %neg3A : f32 to vector<64x256xf32>
    %neg3A_18 = arith.subf %neg3A_17, %get3A_4 : vector<64x256xf32>
    %exp3A_19 = math.exp %neg3A_18 : vector<64x256xf32>
    %mul3A = arith.constant 5.000000e-01 : f32
    %mul3A_20 = vector.broadcast %mul3A : f32 to vector<64x256xf32>
    %mul3A_21 = arith.mulf %mul3A_20, %exp3A_19 : vector<64x256xf32>
    %add3A_22 = arith.constant -0.918938517 : f32
    %add3A_23 = vector.broadcast %add3A_22 : f32 to vector<1x256xf32>
    %add3A_24 = arith.addf %add3A_23, %get3A_7 : vector<1x256xf32>
    %mul3A_25 = arith.constant 5.000000e-01 : f32
    %mul3A_26 = vector.broadcast %mul3A_25 : f32 to vector<64x256xf32>
    %mul3A_27 = arith.mulf %mul3A_26, %get3A_4 : vector<64x256xf32>
    %sub3A_28 = vector.broadcast %add3A_24 : vector<1x256xf32> to vector<64x256xf32>
    %sub3A_29 = arith.subf %sub3A_28, %mul3A_27 : vector<64x256xf32>
    %mul3A_30 = arith.mulf %mul3A_21, %get3A_1 : vector<64x256xf32>
    %mul3A_31 = arith.mulf %mul3A_30, %get3A_1 : vector<64x256xf32>
    %sub3A_32 = arith.subf %sub3A_29, %mul3A_31 : vector<64x256xf32>
    %swap3A = arith.constant 0 : index
    %swap3A_33 = arith.constant 0 : index
    %swap3A_34 = vector.load %arg6[%swap3A, %swap3A_33] : memref<64x256xf32, #tpu.memory_space<vmem>>, vector<64x256xf32>
    tpu.vector_store %arg6[%swap3A, %swap3A_33], %sub3A_32 {strides = array<i32>} : memref<64x256xf32, #tpu.memory_space<vmem>>, vector<64x256xf32>,
    %mul3A_35 = arith.constant 2.000000e+00 : f32
    %mul3A_36 = vector.broadcast %mul3A_35 : f32 to vector<64x256xf32>
    %mul3A_37 = arith.mulf %mul3A_36, %mul3A_21 : vector<64x256xf32>
    %mul3A_38 = arith.mulf %mul3A_37, %get3A_1 : vector<64x256xf32>
    %swap3A_39 = arith.constant 0 : index
    %swap3A_40 = arith.constant 0 : index
    %swap3A_41 = vector.load %arg7[%swap3A_39, %swap3A_40] : memref<64x256xf32, #tpu.memory_space<vmem>>, vector<64x256xf32>
    tpu.vector_store %arg7[%swap3A_39, %swap3A_40], %mul3A_38 {strides = array<i32>} : memref<64x256xf32, #tpu.memory_space<vmem>>, vector<64x256xf32>,
    %neg3A_42 = arith.constant 0.000000e+00 : f32
    %neg3A_43 = vector.broadcast %neg3A_42 : f32 to vector<64x256xf32>
    %neg3A_44 = arith.subf %neg3A_43, %mul3A_21 : vector<64x256xf32>
    %swap3A_45 = arith.constant 0 : index
    %swap3A_46 = arith.constant 0 : index
    %swap3A_47 = vector.load %arg8[%swap3A_45, %swap3A_46] : memref<64x256xf32, #tpu.memory_space<vmem>>, vector<64x256xf32>
    tpu.vector_store %arg8[%swap3A_45, %swap3A_46], %neg3A_44 {strides = array<i32>} : memref<64x256xf32, #tpu.memory_space<vmem>>, vector<64x256xf32>,
    %scan3A = arith.constant 0 : i32
    %scan3A_48 = arith.constant 64 : i32
    %scan3A_49 = arith.addi %scan3A, %scan3A_48 : i32
    %scan3A_50 = arith.constant 2 : i32
    scf.for %scan3A_52 = %scan3A to %scan3A_49 step %scan3A_50  : i32 {
      %get3A_53 = arith.index_cast %scan3A_52 : i32 to index
      %get3A_54 = arith.constant 512 : index
      %get3A_55 = vector.load %arg1[%get3A_53, %get3A_54] : memref<64x4096xf32, #tpu.memory_space<vmem>>, vector<1x3584xf32>
      %mul3A_56 = arith.mulf %get3A_55, %get3A_55 : vector<1x3584xf32>
      %broadcast_in_dim3A = arith.constant 1.000000e+00 : f32
      %broadcast_in_dim3A_57 = vector.broadcast %broadcast_in_dim3A : f32 to vector<1x3584xf32>
      %concatenate3A = tpu.concatenate %broadcast_in_dim3A_57, %get3A_55, %mul3A_56 in 0 : vector<1x3584xf32>, vector<1x3584xf32>, vector<1x3584xf32> -> vector<3x3584xf32>
      %get3A_58 = arith.index_cast %scan3A_52 : i32 to index
      %get3A_59 = arith.constant 0 : index
      %get3A_60 = vector.load %arg6[%get3A_58, %get3A_59] : memref<64x256xf32, #tpu.memory_space<vmem>>, vector<1x256xf32>
      %get3A_61 = arith.index_cast %scan3A_52 : i32 to index
      %get3A_62 = arith.constant 0 : index
      %get3A_63 = vector.load %arg7[%get3A_61, %get3A_62] : memref<64x256xf32, #tpu.memory_space<vmem>>, vector<1x256xf32>
      %get3A_64 = arith.index_cast %scan3A_52 : i32 to index
      %get3A_65 = arith.constant 0 : index
      %get3A_66 = vector.load %arg8[%get3A_64, %get3A_65] : memref<64x256xf32, #tpu.memory_space<vmem>>, vector<1x256xf32>
      %concatenate3A_67 = tpu.concatenate %get3A_60, %get3A_63, %get3A_66 in 0 : vector<1x256xf32>, vector<1x256xf32>, vector<1x256xf32> -> vector<3x256xf32>
      %dot_general3A = arith.constant dense<0.000000e+00> : vector<256x3584xf32>
      %dot_general3A_68 = tpu.matmul %concatenate3A_67, %concatenate3A, %dot_general3A {dimension_numbers = #tpu.dot_dimension_numbers<[0], [0], [1], [1], [0, 1, 1, 1], [], []>, transpose_lhs_hint = false} : vector<3x256xf32>, vector<3x3584xf32>, vector<256x3584xf32> -> vector<256x3584xf32>
      %reduce_max3A_69 = arith.constant dense<0xFF800000> : vector<3584xf32>
      %reduce_max3A_70 = vector.multi_reduction <maximumf>, %dot_general3A_68, %reduce_max3A_69 [0] : vector<256x3584xf32> to vector<3584xf32>
      %broadcast_in_dim3A_71 = vector.shape_cast %reduce_max3A_70 : vector<3584xf32> to vector<1x3584xf32>
      %sub3A_72 = vector.broadcast %broadcast_in_dim3A_71 : vector<1x3584xf32> to vector<256x3584xf32>
      %sub3A_73 = arith.subf %dot_general3A_68, %sub3A_72 : vector<256x3584xf32>
      %exp3A_74 = math.exp %sub3A_73 : vector<256x3584xf32>
      %reduce_sum3A_75 = arith.constant dense<0.000000e+00> : vector<3584xf32>
      %reduce_sum3A_76 = vector.multi_reduction <add>, %exp3A_74, %reduce_sum3A_75 [0] : vector<256x3584xf32> to vector<3584xf32>
      %broadcast_in_dim3A_77 = vector.shape_cast %reduce_sum3A_76 : vector<3584xf32> to vector<1x3584xf32>
      %sub3A_78 = vector.broadcast %add3A : f32 to vector<1x3584xf32>
      %sub3A_79 = arith.subf %broadcast_in_dim3A_71, %sub3A_78 : vector<1x3584xf32>
      %log3A_80 = math.log %broadcast_in_dim3A_77 : vector<1x3584xf32>
      %add3A_81 = arith.addf %sub3A_79, %log3A_80 : vector<1x3584xf32>
      %swap3A_82 = arith.index_cast %scan3A_52 : i32 to index
      %swap3A_83 = arith.constant 0 : index
      %swap3A_84 = vector.load %arg5[%swap3A_82, %swap3A_83] : memref<64x3584xf32, #tpu.memory_space<vmem>>, vector<1x3584xf32>
      tpu.vector_store %arg5[%swap3A_82, %swap3A_83], %add3A_81 {strides = array<i32>} : memref<64x3584xf32, #tpu.memory_space<vmem>>, vector<1x3584xf32>,
      %scan3A_85 = arith.constant 1 : i32
      %scan3A_86 = arith.addi %scan3A_52, %scan3A_85 : i32
      %get3A_87 = arith.index_cast %scan3A_86 : i32 to index
      %get3A_88 = arith.constant 512 : index
      %get3A_89 = vector.load %arg1[%get3A_87, %get3A_88] : memref<64x4096xf32, #tpu.memory_space<vmem>>, vector<1x3584xf32>
      %mul3A_90 = arith.mulf %get3A_89, %get3A_89 : vector<1x3584xf32>
      %broadcast_in_dim3A_91 = arith.constant 1.000000e+00 : f32
      %broadcast_in_dim3A_92 = vector.broadcast %broadcast_in_dim3A_91 : f32 to vector<1x3584xf32>
      %concatenate3A_93 = tpu.concatenate %broadcast_in_dim3A_92, %get3A_89, %mul3A_90 in 0 : vector<1x3584xf32>, vector<1x3584xf32>, vector<1x3584xf32> -> vector<3x3584xf32>
      %get3A_94 = arith.index_cast %scan3A_86 : i32 to index
      %get3A_95 = arith.constant 0 : index
      %get3A_96 = vector.load %arg6[%get3A_94, %get3A_95] : memref<64x256xf32, #tpu.memory_space<vmem>>, vector<1x256xf32>
      %get3A_97 = arith.index_cast %scan3A_86 : i32 to index
      %get3A_98 = arith.constant 0 : index
      %get3A_99 = vector.load %arg7[%get3A_97, %get3A_98] : memref<64x256xf32, #tpu.memory_space<vmem>>, vector<1x256xf32>
      %get3A_100 = arith.index_cast %scan3A_86 : i32 to index
      %get3A_101 = arith.constant 0 : index
      %get3A_102 = vector.load %arg8[%get3A_100, %get3A_101] : memref<64x256xf32, #tpu.memory_space<vmem>>, vector<1x256xf32>
      %concatenate3A_103 = tpu.concatenate %get3A_96, %get3A_99, %get3A_102 in 0 : vector<1x256xf32>, vector<1x256xf32>, vector<1x256xf32> -> vector<3x256xf32>
      %dot_general3A_104 = arith.constant dense<0.000000e+00> : vector<256x3584xf32>
      %dot_general3A_105 = tpu.matmul %concatenate3A_103, %concatenate3A_93, %dot_general3A_104 {dimension_numbers = #tpu.dot_dimension_numbers<[0], [0], [1], [1], [0, 1, 1, 1], [], []>, transpose_lhs_hint = false} : vector<3x256xf32>, vector<3x3584xf32>, vector<256x3584xf32> -> vector<256x3584xf32>
      %reduce_max3A_106 = arith.constant dense<0xFF800000> : vector<3584xf32>
      %reduce_max3A_107 = vector.multi_reduction <maximumf>, %dot_general3A_105, %reduce_max3A_106 [0] : vector<256x3584xf32> to vector<3584xf32>
      %broadcast_in_dim3A_108 = vector.shape_cast %reduce_max3A_107 : vector<3584xf32> to vector<1x3584xf32>
      %sub3A_109 = vector.broadcast %broadcast_in_dim3A_108 : vector<1x3584xf32> to vector<256x3584xf32>
      %sub3A_110 = arith.subf %dot_general3A_105, %sub3A_109 : vector<256x3584xf32>
      %exp3A_111 = math.exp %sub3A_110 : vector<256x3584xf32>
      %reduce_sum3A_112 = arith.constant dense<0.000000e+00> : vector<3584xf32>
      %reduce_sum3A_113 = vector.multi_reduction <add>, %exp3A_111, %reduce_sum3A_112 [0] : vector<256x3584xf32> to vector<3584xf32>
      %broadcast_in_dim3A_114 = vector.shape_cast %reduce_sum3A_113 : vector<3584xf32> to vector<1x3584xf32>
      %sub3A_115 = vector.broadcast %add3A : f32 to vector<1x3584xf32>
      %sub3A_116 = arith.subf %broadcast_in_dim3A_108, %sub3A_115 : vector<1x3584xf32>
      %log3A_117 = math.log %broadcast_in_dim3A_114 : vector<1x3584xf32>
      %add3A_118 = arith.addf %sub3A_116, %log3A_117 : vector<1x3584xf32>
      %swap3A_119 = arith.index_cast %scan3A_86 : i32 to index
      %swap3A_120 = arith.constant 0 : index
      %swap3A_121 = vector.load %arg5[%swap3A_119, %swap3A_120] : memref<64x3584xf32, #tpu.memory_space<vmem>>, vector<1x3584xf32>
      tpu.vector_store %arg5[%swap3A_119, %swap3A_120], %add3A_118 {strides = array<i32>} : memref<64x3584xf32, #tpu.memory_space<vmem>>, vector<1x3584xf32>,
    }
    %scan3A_51 = arith.constant 64 : i32
    return
  }
  func.func @transform_0(%arg0: i32) -> (i32, i32) {
    %c0_i32 = arith.constant 0 : i32
    %c0_i32_0 = arith.constant 0 : i32
    %c0_i32_1 = arith.constant 0 : i32
    return %c0_i32, %c0_i32_0 : i32, i32
  }
  func.func @transform_1(%arg0: i32) -> (i32, i32) {
    %c0_i32 = arith.constant 0 : i32
    %c0_i32_0 = arith.constant 0 : i32
    %c0_i32_1 = arith.constant 0 : i32
    return %c0_i32, %c0_i32_0 : i32, i32
  }
  func.func @transform_2(%arg0: i32) -> (i32, i32) {
    %c0_i32 = arith.constant 0 : i32
    %c0_i32_0 = arith.constant 0 : i32
    %c0_i32_1 = arith.constant 0 : i32
    return %c0_i32, %c0_i32_0 : i32, i32
  }
  func.func @transform_3(%arg0: i32) -> (i32, i32) {
    %c0_i32 = arith.constant 0 : i32
    %c0_i32_0 = arith.constant 0 : i32
    %c0_i32_1 = arith.constant 0 : i32
    return %c0_i32, %c0_i32_0 : i32, i32
  }
  func.func @transform_4(%arg0: i32) -> (i32, i32) {
    %c0_i32 = arith.constant 0 : i32
    %c0_i32_0 = arith.constant 0 : i32
    return %c0_i32, %arg0 : i32, i32
  }
}

</mosaic_0001>

<sc_bundles>
// kernel: kernel.5.cloned.1.call-start
scs
__scs_entry_jumppad:
0x0: {  	(pc) =	sbr.rel $0x88, $3  }
0x1: {  	(tag) =	ssettag $0x0;
	lr =	simm.s32 $0x1  }
0x2: {  	[smem:$0x3F9D] =	sst lr;
	_ =	strace $0xD0000000  }
0x3: {  	_ = 	snop  }
0x4: {  	_ = 	snop  }
0x5: {  	_ = 	snop  }
0x6: {  	_ = 	snop  }
0x7: {  	_ = 	snop  }
__scs_overlays_trampoline_lowered:
0x8: {  	[smem:$0x3FAC] =	sst s0  }
0x9: {  	[smem:$0x3FAD] =	sst s1  }
0xa: {  	[smem:$0x3FAE] =	sst s2  }
0xb: {  	[smem:$0x3FAF] =	sst s3  }
0xc: {  	[smem:$0x3FB0] =	sst s4  }
0xd: {  	[smem:$0x3FB1] =	sst s5  }
0xe: {  	[smem:$0x3FB2] =	sst s6  }
0xf: {  	[smem:$0x3FB3] =	sst s7  }
0x10: {  	[smem:$0x3FB4] =	sst s8  }
0x11: {  	[smem:$0x3FB5] =	sst s9;
	s0 =	simm.s32 @!p0 $0x0  }
0x12: {  	s1 =	sld [smem:$0x3F9B];
	s0 =	simm.s32 @p0 $0x1  }
0x13: {  	[smem:$0x3FB6] =	sst s0;
	s0 =	simm.s32 @!p1 $0x0  }
0x14: {  	s2 =	sld [smem:$0x3F9A];
	s0 =	simm.s32 @p1 $0x1  }
0x15: {  	[smem:$0x3FB7] =	sst s0;
	s0 =	simm.s32 @!p2 $0x0  }
0x16: {  	s3 =	sld [smem:$0x3FDB];
	s0 =	simm.s32 @p2 $0x1  }
0x17: {  	s4 =	simm.s32 $0x1BF5;
	[smem:$0x3FB9] =	sst s0  }
0x18: {  	s0 =	sld [smem:$0x3F9C];
	_ =	swait.ge [sflag:s4], $0x0  }
0x19: {  	s7 =	sld [smem:$0x3F9D]  }
0x1a: {  	s8 =	sadd.s32 $0xFFFFE003, lr  }
0x1b: {  	s9 =	sadd.s32 $0xFFFFFEF7, lr;
	s5 =	simm.s32 $0xFFFFFFFF;
	p2 =	slt.u32 s8, $0xFFFFF086  }
0x1c: {  	p1 =	slt.u32 s9, $0xF7A;
	s5 =	simm.s32 @!p2 $0x0  }
0x1d: {  	s5 =	simm.s32 @p1 $0x1;
	p0 =	seq.s32 s7, s2  }
0x1e: {  	s7 =	smul.u32 @!p0 $0xF7A, s2;
	p2 =	seq.s32 @!p0 s5, $0x0  }
0x1f: {  	s9 =	smul.u32 $0xF7A, s1;
	s8 =	simm.s32 @!p0 $0x1BF5;
	p2 =	por !p2, p0  }
0x20: {  	[sflag:s8] =	ssyncset.s32 @!p0 $0xFFFFF086;
	s6 =	sadd.s32 @!p0 s3, s7;
	s7 =	simm.s32 @!p0 $0x108  }
0x21: {  	s3 =	sadd.s32 s3, s9;
	s6 =	sadd.s32 @!p0 $0x88, s6;
	s7 =	simm.s32 @p2 $0x1082  }
0x22: {  	[simem:s7], [sflag:s8] =	dma.local @!p0 [hbm:s6], $0xF7A  }
0x23: {  	s9 =	sor.u32 $0xD0000000, s2;
	s6 =	simm.s32 $0x108;
	_ =	swait.ge @!p0 [sflag:s8], $0x0  }
0x24: {  	s3 =	sadd.s32 $0x88, s3;
	s6 =	simm.s32 @!p1 $0x1082;
	[sflag:s4] =	ssyncset.s32 $0xFFFFF086  }
0x25: {  	[simem:s6], [sflag:s4] =	dma.local [hbm:s3], $0xF7A  }
0x26: {  	[smem:$0x3F9D] =	sst s1;
	(tag) =	ssettag s2;
	_ =	strace s9  }
0x27: {  	s1 =	sld [smem:$0x3FAD]  }
0x28: {  	s2 =	sld [smem:$0x3FAE]  }
0x29: {  	s4 =	sld [smem:$0x3FB0]  }
0x2a: {  	p0 =	seq.s32 s5, $0x0;
	s5 =	sld [smem:$0x3FB1]  }
0x2b: {  	s6 =	sld [smem:$0x3FB2]  }
0x2c: {  	s7 =	sld [smem:$0x3FB3]  }
0x2d: {  	s3 =	simm.s32 $0x108;
	s8 =	sld [smem:$0x3FB4]  }
0x2e: {  	s3 =	simm.s32 @!p0 $0x1082;
	s9 =	sld [smem:$0x3FB5]  }
0x2f: {  	lr =	sadd.s32 s0, s3;
	s0 =	sld [smem:$0x3FAC]  }
0x30: {  	s3 =	sld [smem:$0x3FAF]  }
0x31: {  	[smem:$0x3FB8] =	sst s10  }
0x32: {  	s10 =	sld [smem:$0x3FB6];
	_ =	sdelay $0x3  }
0x33: {  	p0 =	seq.s32 s10, $0x1;
	s10 =	sld [smem:$0x3FB8];
	_ =	sdelay $0x3  }
0x34: {  	[smem:$0x3FB8] =	sst s10  }
0x35: {  	s10 =	sld [smem:$0x3FB7];
	_ =	sdelay $0x3  }
0x36: {  	p1 =	seq.s32 s10, $0x1;
	s10 =	sld [smem:$0x3FB8];
	_ =	sdelay $0x3  }
0x37: {  	[smem:$0x3FB8] =	sst s10  }
0x38: {  	s10 =	sld [smem:$0x3FB9]  }
0x39: {  	_ = 	snop;
	(pc) =	sbr.ind lr, $3  }
0x3a: {  	_ = 	snop  }
0x3b: {  	_ = 	snop  }
0x3c: {  	p2 =	seq.s32 s10, $0x1;
	s10 =	sld [smem:$0x3FB8]  }
0x3d: {  	_ =	shalt  }
0x3e: {  	_ =	shalt  }
0x3f: {  	_ =	shalt  }
0x40: {  	_ =	shalt  }
0x41: {  	_ =	shalt  }
0x42: {  	_ =	shalt  }
0x43: {  	_ =	shalt  }
0x44: {  	_ =	shalt  }
0x45: {  	_ =	shalt  }
0x46: {  	_ =	shalt  }
0x47: {  	_ =	shalt  }
0x48: {  	_ =	shalt  }
0x49: {  	_ =	shalt  }
0x4a: {  	_ =	shalt  }
0x4b: {  	_ =	shalt  }
0x4c: {  	_ =	shalt  }
0x4d: {  	_ =	shalt  }
0x4e: {  	_ =	shalt  }
0x4f: {  	_ =	shalt  }
0x50: {  	_ =	shalt  }
0x51: {  	_ =	shalt  }
0x52: {  	_ =	shalt  }
0x53: {  	_ =	shalt  }
0x54: {  	_ =	shalt  }
0x55: {  	_ =	shalt  }
0x56: {  	_ =	shalt  }
0x57: {  	_ =	shalt  }
0x58: {  	_ =	shalt  }
0x59: {  	_ =	shalt  }
0x5a: {  	_ =	shalt  }
0x5b: {  	_ =	shalt  }
0x5c: {  	_ =	shalt  }
0x5d: {  	_ =	shalt  }
0x5e: {  	_ =	shalt  }
0x5f: {  	_ =	shalt  }
0x60: {  	_ =	shalt  }
0x61: {  	_ =	shalt  }
0x62: {  	_ =	shalt  }
0x63: {  	_ =	shalt  }
0x64: {  	_ =	shalt  }
0x65: {  	_ =	shalt  }
0x66: {  	_ =	shalt  }
0x67: {  	_ =	shalt  }
0x68: {  	_ =	shalt  }
0x69: {  	_ =	shalt  }
0x6a: {  	_ =	shalt  }
0x6b: {  	_ =	shalt  }
0x6c: {  	_ =	shalt  }
0x6d: {  	_ =	shalt  }
0x6e: {  	_ =	shalt  }
0x6f: {  	_ =	shalt  }
0x70: {  	_ =	shalt  }
0x71: {  	_ =	shalt  }
0x72: {  	_ =	shalt  }
0x73: {  	_ =	shalt  }
0x74: {  	_ =	shalt  }
0x75: {  	_ =	shalt  }
0x76: {  	_ =	shalt  }
0x77: {  	_ =	shalt  }
0x78: {  	_ =	shalt  }
0x79: {  	_ =	shalt  }
0x7a: {  	_ =	shalt  }
0x7b: {  	_ =	shalt  }
0x7c: {  	_ =	shalt  }
0x7d: {  	_ =	shalt  }
0x7e: {  	_ =	shalt  }
0x7f: {  	_ =	shalt  }
0x80: {  	_ =	shalt  }
0x81: {  	_ =	shalt  }
0x82: {  	_ =	shalt  }
0x83: {  	_ =	shalt  }
0x84: {  	_ =	shalt  }
0x85: {  	_ =	shalt  }
0x86: {  	_ =	shalt  }
0x87: {  	_ =	shalt  }
.Lfunc_end0:
.L_simem_size_0:
called_computation_lowered:
.L_overlay_start_0:
0x88: {  	s2 =	sld [smem:$0x3FD9]  }
0x89: {  	s3 =	sld [smem:$0x3FFE];
	_ =	sdelay $0x1  }
0x8a: {  	s1 =	srdreg.scid  }
0x8b: {  	s0 =	sand.u32 $0x1, s1  }
0x8c: {  	s17 =	sshll.u32 s0, $0xA;
	s2 =	sadd.s32 s3, s2  }
0x8d: {  	s2 =	sadd.s32 s2, s17  }
0x8e: {  	[smem:$0x3FC4] =	sst s2  }
0x8f: {  	_ = 	snop  }
0x90: {  	s2 =	sld [smem:$0x3FC8]  }
0x91: {  	s18 =	sld [smem:$0x3FC7]  }
0x92: {  	s4 =	sld [smem:$0x3FC6]  }
0x93: {  	s5 =	sld [smem:$0x3FD0];
	(tm) =	ssettm $0x1  }
0x94: {  	s6 =	sld [smem:$0x3FFB];
	_ =	sdelay $0x3  }
0x95: {  	_ =	strace s6  }
0x96: {  	s6 =	sld [smem:$0x3FFC];
	_ =	sdelay $0x3  }
0x97: {  	_ =	strace s6  }
0x98: {  	s6 =	sld [smem:$0x3FFD];
	_ =	sdelay $0x3  }
0x99: {  	_ =	strace s6  }
0x9a: {  	_ =	strace $0x8FFFFFFF  }
0x9b: {  	s19 =	sld [smem:$0x3FDB];
	_ =	sdelay $0x1  }
0x9c: {  	s7 =	simm.s32 $_scs_section_size  }
0x9d: {  	s8 =	simm.s32 $_size__tile_overlayer_lowered;
	s9 =	simm.s32 $_tile_overlayer_lowered  }
0x9e: {  	s22 =	simm.s32 $0x1BFF;
	s21 =	sshll.u32 s9, $0x1;
	s6 =	sadd.s32 s7, s19  }
0x9f: {  	s10 =	simm.s32 $0x0;
	s20 =	sshll.u32 s8, $0x1;
	s8 =	sadd.s32 s21, s6  }
0xa0: {  	[timem:s10], [sflag:s22] =	dma.local [hbm:s8], s20  }
0xa1: {  	_ =	swait.ge [sflag:s22], s20  }
0xa2: {  	s7 =	ssub.s32 $0x0, s20;
	[sflag:s22] =	ssyncset.done $0x0  }
0xa3: {  	[sflag:s22] =	ssyncadd.s32 s7;
	_ =	sdelay $0x1  }
0xa4: {  	s23 =	simm.s32 $0x1B8B  }
0xa5: {  	_ =	swait.ge [sflag:s23], $0x1  }
0xa6: {  	[sflag:s23] =	ssyncset.done $0x0  }
0xa7: {  	s25 =	simm.s32 $0x1B8E;
	s24 =	sld [smem:$0x3FFE];
	[sflag:s23] =	ssyncadd.s32 $0xFFFFFFFF  }
0xa8: {  	s26 =	simm.s32 $execute0_lowered;
	[smem:$0x3FD2] =	sst s25  }
0xa9: {  	s8 =	sshll.u32 s26, $0x1;
	_ =	strace $0x80000046;
	[dreg:$0x1] =	wrdreg $0xFFFFFFFF  }
0xaa: {  	s28 =	simm.s32 $_size_execute0_lowered;
	s6 =	sadd.s32 s6, s8;
	[dreg:$0x0] =	wrdreg $0x0  }
0xab: {  	s8 =	sshll.u32 s28, $0x1;
	[dreg:$0x2] =	wrdreg s6  }
0xac: {  	[dreg:$0x3] =	wrdreg s8  }
0xad: {  	[dreg:$0x4] =	wrdreg $0xC0  }
0xae: {  	_ =	task [dreg:s10], $0x5FFFF  }
0xaf: {  	[dreg:$0x1] =	wrdreg $0xFFFFFFFF  }
0xb0: {  	[dreg:$0x0] =	wrdreg $0x60  }
0xb1: {  	[dreg:$0x2] =	wrdreg s5  }
0xb2: {  	[dreg:$0x3] =	wrdreg s2  }
0xb3: {  	[dreg:$0x4] =	wrdreg s18  }
0xb4: {  	[dreg:$0x5] =	wrdreg s4  }
0xb5: {  	[dreg:$0x6] =	wrdreg s24  }
0xb6: {  	[dreg:$0x7] =	wrdreg $0x9  }
0xb7: {  	_ =	task.clear_ibuf [dreg:s10], $0x8FFFF;
	_ =	strace $0x90000046  }
0xb8: {  	s29 =	simm.s32 $0x9;
	_ =	strace $0x80000048  }
0xb9: {  	_ =	swait.ge [sflag:s29], $0x1  }
0xba: {  	[sflag:s29] =	ssyncadd.s32 $0xFFFFFFFF  }
0xbb: {  	_ =	strace $0x90000048  }
0xbc: {  	_ =	sfence  }
0xbd: {  	s30 =	sld [smem:$0x0];
	_ =	sdelay $0x2  }
0xbe: {  	s31 =	sshll.u32 s1, $0xD;
	s1 =	sshrl.u32 s1, $0x2  }
0xbf: {  	s3 =	sand.u32 $0x4000, s31;
	s1 =	sadd.s32 s1, s30  }
0xc0: {  	s0 =	sor.u32 s3, s0;
	s1 =	sshll.u32 s1, $0x11  }
0xc1: {  	s0 =	sor.u32 s1, s0  }
0xc2: {  	s0 =	sadd.s32 $0x8F2B, s0  }
0xc3: {  	[sflag:s0] =	ssyncadd.remote.s32 $0x1  }
0xc4: {  	_ =	sfence.sel $0xFFFF  }
0xc5: {  	[dreg:$0x0] =	wrdreg $0xFFFFFFFF;
	(pc) =	sbr.abs _section_cstart, $3  }
0xc6: {  	[dreg:$0x1] =	wrdreg $0xFFFFFFFF  }
0xc7: {  	_ =	task.clear_ibuf [dreg:s10], $0x2FFFF;
	_ =	strace $0x9FFFFFFF  }
0xc8: {  	(tm) =	ssettm $0x7FFFFFFF  }
0xc9: {  	_ =	shalt  }
tec
execute0_lowered:
.L_overlay_start_1:
0x0: {  	(tag) =	ssettag $0x1  }
0x1: {  	s7 =	rddreg [dreg:$0x0]  }
0x2: {  	s1 =	rddreg [dreg:$0x1]  }
0x3: {  	s2 =	rddreg [dreg:$0x2]  }
0x4: {  	s3 =	rddreg [dreg:$0x3]  }
0x5: {  	s6 =	rddreg [dreg:$0x4]  }
0x6: {  	s0 =	rddreg [dreg:$0x5];
	s5 =	simm.s32 $0x0;
	s8 =	srdreg.scid  }
0x7: {  	s4 =	stileid.u32;
	s13 =	simm.s32 $0x2000;
	s14 =	simm.s32 $0xA000  }
0x8: {  	s15 =	simm.s32 $0xE000;
	s16 =	simm.s32 $0xE100;
	s17 =	simm.s32 $0xF100  }
0x9: {  	s18 =	simm.s32 $0x0;
	[smem:$0x7FF] =	sst s5;
	s11 =	sand.u32 $0x1, s8  }
0xa: {  	s31 =	sshll.u32 s4, $0xA;
	s9 =	sshll.u32 s11, $0x9;
	s10 =	ssub.s32 $0x2, s11  }
0xb: {  	_ =	strace $0x80000047;
	s9 =	sor.u32 s9, s31;
	s12 =	sshrl.u32 s10, $0x1  }
0xc: {  	s7 =	sadd.s32 s7, s31;
	s9 =	sadd.s32 s9, s6;
	s10 =	ssub.s32 s10, s12  }
0xd: {  	s6 =	sshll.u32 s11, $0x5;
	s11 =	sshll.u32 s11, $0xD;
	s12 =	simm.s32 $0x1  }
0xe: {  	s8 =	sadd.s32 $0x1600, s9;
	s9 =	sadd.s32 $0x5600, s9;
	s10 =	smax.u32 s10, $0x1  }
.LBB2_1:
0xf: {  	[tilespmem:s5], [sflag:$0x1] =	stream.linear.gather [hbm4b:s7+s5], $0x2000, $0x38;
	[tilespmem:$0x18100] =	vst v63  }
0x10: {  	_ =	swait.ge [sflag:s12], $0x2000  }
0x11: {  	[sflag:s12] =	ssyncset.done $0x0  }
0x12: {  	[sflag:s12] =	ssyncadd.s32 $0xFFFFE000  }
0x13: {  	[tilespmem:s13], [sflag:$0x1] =	stream.linear.gather [hbm4b:s1+s5], $0x4000, $0x38;
	[tilespmem:$0x18100] =	vst v63  }
0x14: {  	_ =	swait.ge [sflag:s12], $0x4000  }
0x15: {  	[sflag:s12] =	ssyncset.done $0x0  }
0x16: {  	[sflag:s12] =	ssyncadd.s32 $0xFFFFC000  }
0x17: {  	[tilespmem:s14], [sflag:$0x1] =	stream.linear.gather [hbm4b:s2+s5], $0x4000, $0x38;
	[tilespmem:$0x18100] =	vst v63  }
0x18: {  	_ =	swait.ge [sflag:s12], $0x4000  }
0x19: {  	[sflag:s12] =	ssyncset.done $0x0  }
0x1a: {  	[sflag:s12] =	ssyncadd.s32 $0xFFFFC000  }
0x1b: {  	[tilespmem:s15], [sflag:$0x1] =	stream.linear.gather [hbm4b:s3+s5], $0x100, $0x38;
	[tilespmem:$0x18100] =	vst v63  }
0x1c: {  	_ =	swait.ge [sflag:s12], $0x100  }
0x1d: {  	s19 =	sand.u32 $0x3800, s11;
	s20 =	sand.u32 $0x380, s5;
	[sflag:s12] =	ssyncset.done $0x0  }
0x1e: {  	s19 =	sor.u32 s20, s19;
	[sflag:s12] =	ssyncadd.s32 $0xFFFFFF00  }
0x1f: {  	v0 =	vld [tilespmem:s19+$0xA050]  }
0x20: {  	v1 =	vld [tilespmem:s19+$0xA000];
	_ =	sdelay $0x3  }
0x21: {  	v2 =	vsub.f32 $0.0e+00, v0  }
0x22: {  	v3 =	vsub.f32 $0.0e+00, v1  }
0x23: {  	v2 =	vmul.f32 $1.442695020e+00, v2  }
0x24: {  	v3 =	vmul.f32 $1.442695020e+00, v3  }
0x25: {  	(erf) = vpow2.f32 v2  }
0x26: {  	v2 =	vld [tilespmem:s19+$0xA010];
	(erf) = vpow2.f32 v3;
	_ =	sdelay $0x1  }
0x27: {  	v3 =	vld [tilespmem:$0xE000];
	_ =	sdelay $0x2  }
0x28: {  	v4 =	vsub.f32 $0.0e+00, v2;
	_ =	sdelay $0x1  }
0x29: {  	v1 =	vmul.f32 $5.000000000e-01, v1;
	v3 =	vadd.f32 $-9.189385170e-01, v3;
	v4 =	vmul.f32 $1.442695020e+00, v4  }
0x2a: {  	v5 =	vpop (erf)  }
0x2b: {  	v1 =	vsub.f32 v3, v1;
	v6 =	vpop (erf);
	(erf) = vpow2.f32 v4  }
0x2c: {  	v3 =	vld [tilespmem:s19+$0xA020];
	v6 =	vmul.f32 $5.000000000e-01, v6  }
0x2d: {  	[tilespmem:s19+$0x6000] =	vst v1  }
0x2e: {  	[tilespmem:s19+$0xA000] =	vst v6  }
0x2f: {  	v1 =	vld [tilespmem:$0xE010];
	_ =	sdelay $0x1  }
0x30: {  	v6 =	vsub.f32 $0.0e+00, v3;
	_ =	sdelay $0x1  }
0x31: {  	v6 =	vmul.f32 $1.442695020e+00, v6  }
0x32: {  	v2 =	vmul.f32 $5.000000000e-01, v2;
	v1 =	vadd.f32 $-9.189385170e-01, v1;
	v8 =	vpop (erf)  }
0x33: {  	(erf) = vpow2.f32 v6;
	v8 =	vmul.f32 $5.000000000e-01, v8  }
0x34: {  	v6 =	vld [tilespmem:s19+$0xA030];
	v1 =	vsub.f32 v1, v2  }
0x35: {  	[tilespmem:s19+$0xA010] =	vst v8  }
0x36: {  	[tilespmem:s19+$0x6010] =	vst v1  }
0x37: {  	v1 =	vld [tilespmem:$0xE020];
	_ =	sdelay $0x1  }
0x38: {  	v2 =	vsub.f32 $0.0e+00, v6;
	_ =	sdelay $0x1  }
0x39: {  	v2 =	vmul.f32 $1.442695020e+00, v2  }
0x3a: {  	v3 =	vmul.f32 $5.000000000e-01, v3;
	v8 =	vpop (erf);
	v1 =	vadd.f32 $-9.189385170e-01, v1  }
0x3b: {  	(erf) = vpow2.f32 v2;
	v2 =	vmul.f32 $5.000000000e-01, v8  }
0x3c: {  	v7 =	vld [tilespmem:s19+$0xA040];
	v1 =	vsub.f32 v1, v3  }
0x3d: {  	[tilespmem:s19+$0xA020] =	vst v2  }
0x3e: {  	[tilespmem:s19+$0x6020] =	vst v1  }
0x3f: {  	v1 =	vld [tilespmem:$0xE030];
	_ =	sdelay $0x1  }
0x40: {  	v2 =	vsub.f32 $0.0e+00, v7;
	_ =	sdelay $0x1  }
0x41: {  	v2 =	vmul.f32 $1.442695020e+00, v2  }
0x42: {  	v3 =	vmul.f32 $5.000000000e-01, v6;
	v6 =	vpop (erf);
	v1 =	vadd.f32 $-9.189385170e-01, v1  }
0x43: {  	(erf) = vpow2.f32 v2;
	v6 =	vmul.f32 $5.000000000e-01, v6  }
0x44: {  	v1 =	vsub.f32 v1, v3  }
0x45: {  	[tilespmem:s19+$0xA030] =	vst v6  }
0x46: {  	[tilespmem:s19+$0x6030] =	vst v1  }
0x47: {  	v1 =	vld [tilespmem:$0xE040];
	_ =	sdelay $0x4  }
0x48: {  	v2 =	vmul.f32 $5.000000000e-01, v7;
	v3 =	vpop (erf);
	v1 =	vadd.f32 $-9.189385170e-01, v1  }
0x49: {  	v3 =	vmul.f32 $5.000000000e-01, v3  }
0x4a: {  	v6 =	vld [tilespmem:s19+$0xA060];
	v1 =	vsub.f32 v1, v2  }
0x4b: {  	[tilespmem:s19+$0xA040] =	vst v3  }
0x4c: {  	[tilespmem:s19+$0x6040] =	vst v1  }
0x4d: {  	v1 =	vld [tilespmem:$0xE050];
	_ =	sdelay $0x1  }
0x4e: {  	v2 =	vsub.f32 $0.0e+00, v6;
	_ =	sdelay $0x1  }
0x4f: {  	v2 =	vmul.f32 $1.442695020e+00, v2  }
0x50: {  	v0 =	vmul.f32 $5.000000000e-01, v0;
	v1 =	vadd.f32 $-9.189385170e-01, v1  }
0x51: {  	v3 =	vmul.f32 $5.000000000e-01, v5;
	(erf) = vpow2.f32 v2  }
0x52: {  	v2 =	vld [tilespmem:s19+$0xA070];
	v0 =	vsub.f32 v1, v0  }
0x53: {  	[tilespmem:s19+$0xA050] =	vst v3  }
0x54: {  	[tilespmem:s19+$0x6050] =	vst v0  }
0x55: {  	v0 =	vld [tilespmem:$0xE060];
	_ =	sdelay $0x1  }
0x56: {  	v3 =	vsub.f32 $0.0e+00, v2;
	_ =	sdelay $0x1  }
0x57: {  	v1 =	vld [tilespmem:s19+$0xA400];
	v3 =	vmul.f32 $1.442695020e+00, v3  }
0x58: {  	v5 =	vmul.f32 $5.000000000e-01, v6;
	v6 =	vpop (erf);
	v0 =	vadd.f32 $-9.189385170e-01, v0  }
0x59: {  	(erf) = vpow2.f32 v3;
	v6 =	vmul.f32 $5.000000000e-01, v6  }
0x5a: {  	v0 =	vsub.f32 v0, v5  }
0x5b: {  	[tilespmem:s19+$0xA060] =	vst v6  }
0x5c: {  	v3 =	vsub.f32 $0.0e+00, v1;
	[tilespmem:s19+$0x6060] =	vst v0  }
0x5d: {  	v0 =	vld [tilespmem:$0xE070]  }
0x5e: {  	v3 =	vmul.f32 $1.442695020e+00, v3;
	_ =	sdelay $0x3  }
0x5f: {  	v2 =	vmul.f32 $5.000000000e-01, v2;
	(erf) = vpow2.f32 v3;
	v3 =	vpop (erf);
	v0 =	vadd.f32 $-9.189385170e-01, v0  }
0x60: {  	v3 =	vmul.f32 $5.000000000e-01, v3  }
0x61: {  	v4 =	vld [tilespmem:s19+$0xA410];
	v0 =	vsub.f32 v0, v2  }
0x62: {  	[tilespmem:s19+$0xA070] =	vst v3  }
0x63: {  	[tilespmem:s19+$0x6070] =	vst v0  }
0x64: {  	v0 =	vld [tilespmem:$0xE080];
	_ =	sdelay $0x1  }
0x65: {  	v3 =	vsub.f32 $0.0e+00, v4;
	_ =	sdelay $0x1  }
0x66: {  	v3 =	vmul.f32 $1.442695020e+00, v3  }
0x67: {  	v1 =	vmul.f32 $5.000000000e-01, v1;
	v5 =	vpop (erf);
	v0 =	vadd.f32 $-9.189385170e-01, v0  }
0x68: {  	v5 =	vmul.f32 $5.000000000e-01, v5;
	(erf) = vpow2.f32 v3  }
0x69: {  	v2 =	vld [tilespmem:s19+$0xA420];
	v0 =	vsub.f32 v0, v1  }
0x6a: {  	[tilespmem:s19+$0xA400] =	vst v5  }
0x6b: {  	[tilespmem:s19+$0x6400] =	vst v0  }
0x6c: {  	v0 =	vld [tilespmem:$0xE090];
	_ =	sdelay $0x1  }
0x6d: {  	v3 =	vsub.f32 $0.0e+00, v2;
	_ =	sdelay $0x1  }
0x6e: {  	v3 =	vmul.f32 $1.442695020e+00, v3  }
0x6f: {  	v4 =	vmul.f32 $5.000000000e-01, v4;
	v5 =	vpop (erf);
	v0 =	vadd.f32 $-9.189385170e-01, v0  }
0x70: {  	(erf) = vpow2.f32 v3;
	v3 =	vmul.f32 $5.000000000e-01, v5  }
0x71: {  	v1 =	vld [tilespmem:s19+$0xA430];
	v0 =	vsub.f32 v0, v4  }
0x72: {  	[tilespmem:s19+$0xA410] =	vst v3  }
0x73: {  	[tilespmem:s19+$0x6410] =	vst v0  }
0x74: {  	v0 =	vld [tilespmem:$0xE0A0];
	_ =	sdelay $0x1  }
0x75: {  	v3 =	vsub.f32 $0.0e+00, v1;
	_ =	sdelay $0x1  }
0x76: {  	v3 =	vmul.f32 $1.442695020e+00, v3  }
0x77: {  	v2 =	vmul.f32 $5.000000000e-01, v2;
	v4 =	vpop (erf);
	v0 =	vadd.f32 $-9.189385170e-01, v0  }
0x78: {  	(erf) = vpow2.f32 v3;
	v4 =	vmul.f32 $5.000000000e-01, v4  }
0x79: {  	v3 =	vld [tilespmem:s19+$0xA440];
	v0 =	vsub.f32 v0, v2  }
0x7a: {  	[tilespmem:s19+$0xA420] =	vst v4  }
0x7b: {  	[tilespmem:s19+$0x6420] =	vst v0  }
0x7c: {  	v0 =	vld [tilespmem:$0xE0B0];
	_ =	sdelay $0x1  }
0x7d: {  	v2 =	vsub.f32 $0.0e+00, v3;
	_ =	sdelay $0x1  }
0x7e: {  	v2 =	vmul.f32 $1.442695020e+00, v2  }
0x7f: {  	v1 =	vmul.f32 $5.000000000e-01, v1;
	v4 =	vpop (erf);
	v0 =	vadd.f32 $-9.189385170e-01, v0  }
0x80: {  	v4 =	vmul.f32 $5.000000000e-01, v4;
	(erf) = vpow2.f32 v2  }
0x81: {  	v2 =	vld [tilespmem:s19+$0xA450];
	v0 =	vsub.f32 v0, v1  }
0x82: {  	[tilespmem:s19+$0xA430] =	vst v4  }
0x83: {  	[tilespmem:s19+$0x6430] =	vst v0  }
0x84: {  	v0 =	vld [tilespmem:$0xE0C0];
	_ =	sdelay $0x1  }
0x85: {  	v1 =	vsub.f32 $0.0e+00, v2;
	_ =	sdelay $0x1  }
0x86: {  	v1 =	vmul.f32 $1.442695020e+00, v1  }
0x87: {  	v3 =	vmul.f32 $5.000000000e-01, v3;
	v4 =	vpop (erf);
	v0 =	vadd.f32 $-9.189385170e-01, v0  }
0x88: {  	v4 =	vmul.f32 $5.000000000e-01, v4;
	(erf) = vpow2.f32 v1  }
0x89: {  	v1 =	vld [tilespmem:s19+$0xA460];
	v0 =	vsub.f32 v0, v3  }
0x8a: {  	[tilespmem:s19+$0xA440] =	vst v4  }
0x8b: {  	[tilespmem:s19+$0x6440] =	vst v0  }
0x8c: {  	v0 =	vld [tilespmem:$0xE0D0];
	_ =	sdelay $0x1  }
0x8d: {  	v4 =	vsub.f32 $0.0e+00, v1;
	v3 =	vld [tilespmem:s19+$0xA470];
	_ =	sdelay $0x1  }
0x8e: {  	v4 =	vmul.f32 $1.442695020e+00, v4  }
0x8f: {  	v2 =	vmul.f32 $5.000000000e-01, v2;
	v5 =	vpop (erf);
	v0 =	vadd.f32 $-9.189385170e-01, v0  }
0x90: {  	(erf) = vpow2.f32 v4;
	v4 =	vmul.f32 $5.000000000e-01, v5  }
0x91: {  	v6 =	vsub.f32 $0.0e+00, v3;
	v0 =	vsub.f32 v0, v2  }
0x92: {  	[tilespmem:s19+$0xA450] =	vst v4  }
0x93: {  	v5 =	vmul.f32 $1.442695020e+00, v6;
	[tilespmem:s19+$0x6450] =	vst v0  }
0x94: {  	s21 =	simm.s32 $0x80;
	s20 =	sadd.s32 $0x100, s11;
	v0 =	vld [tilespmem:$0xE0E0]  }
0x95: {  	s21 =	sand.u32 $0x380, s21;
	s22 =	sand.u32 $0x3800, s20;
	(erf) = vpow2.f32 v5  }
0x96: {  	s23 =	sor.u32 s21, s22  }
0x97: {  	v4 =	vld [tilespmem:s23+$0xA040]  }
0x98: {  	v2 =	vld [tilespmem:s23+$0xA050]  }
0x99: {  	v1 =	vmul.f32 $5.000000000e-01, v1;
	v6 =	vpop (erf);
	v5 =	vld [tilespmem:s23+$0xA010];
	v8 =	vadd.f32 $-9.189385170e-01, v0  }
0x9a: {  	v7 =	vld [tilespmem:s23+$0xA000];
	v9 =	vmul.f32 $5.000000000e-01, v6  }
0x9b: {  	v1 =	vsub.f32 v8, v1  }
0x9c: {  	[tilespmem:s19+$0xA460] =	vst v9;
	v0 =	vld [tilespmem:s23+$0xA410];
	v9 =	vsub.f32 $0.0e+00, v4  }
0x9d: {  	v6 =	vmul.f32 $5.000000000e-01, v3;
	[tilespmem:s19+$0x6460] =	vst v1  }
0x9e: {  	v3 =	vmul.f32 $5.000000000e-01, v4;
	v10 =	vsub.f32 $0.0e+00, v5;
	v4 =	vmul.f32 $1.442695020e+00, v9;
	v8 =	vpop (erf);
	v9 =	vld [tilespmem:$0xE0F0]  }
0x9f: {  	v11 =	vsub.f32 $0.0e+00, v7;
	v12 =	vsub.f32 $0.0e+00, v2;
	v1 =	vmul.f32 $5.000000000e-01, v8  }
0xa0: {  	v8 =	vmul.f32 $1.442695020e+00, v10  }
0xa1: {  	s21 =	simm.s32 $0x100;
	v10 =	vmul.f32 $1.442695020e+00, v11;
	v11 =	vmul.f32 $1.442695020e+00, v12;
	[tilespmem:s19+$0xA470] =	vst v1;
	v1 =	vsub.f32 $0.0e+00, v0  }
.LBB2_2:
0xa2: {  	p0 =	sne.s32 s21, $0xF80;
	s22 =	smov.u32 s21;
	s21 =	sadd.s32 $0x80, s21  }
0xa3: {  	(erf) = vpow2.f32 v11;
	v9 =	vadd.f32 $-9.189385170e-01, v9  }
0xa4: {  	(erf) = vpow2.f32 v10  }
0xa5: {  	v6 =	vsub.f32 v9, v6;
	_ =	sdelay $0x1  }
0xa6: {  	[tilespmem:s19+$0x6470] =	vst v6;
	s19 =	smov.u32 s23  }
0xa7: {  	v6 =	vld [tilespmem:$0xE000];
	_ =	sdelay $0x3  }
0xa8: {  	v9 =	vpop (erf)  }
0xa9: {  	v7 =	vmul.f32 $5.000000000e-01, v7;
	v6 =	vadd.f32 $-9.189385170e-01, v6;
	v10 =	vpop (erf)  }
0xaa: {  	v10 =	vmul.f32 $5.000000000e-01, v10;
	(erf) = vpow2.f32 v8  }
0xab: {  	v6 =	vsub.f32 v6, v7;
	v7 =	vld [tilespmem:s19+$0xA020]  }
0xac: {  	[tilespmem:s19+$0xA000] =	vst v10  }
0xad: {  	[tilespmem:s19+$0x6000] =	vst v6  }
0xae: {  	v6 =	vld [tilespmem:$0xE010];
	_ =	sdelay $0x1  }
0xaf: {  	v8 =	vsub.f32 $0.0e+00, v7;
	v10 =	vld [tilespmem:s19+$0xA030];
	_ =	sdelay $0x1  }
0xb0: {  	v5 =	vmul.f32 $5.000000000e-01, v5;
	v8 =	vmul.f32 $1.442695020e+00, v8  }
0xb1: {  	v6 =	vadd.f32 $-9.189385170e-01, v6;
	v11 =	vpop (erf)  }
0xb2: {  	v11 =	vmul.f32 $5.000000000e-01, v11;
	(erf) = vpow2.f32 v8  }
0xb3: {  	v5 =	vsub.f32 v6, v5;
	v6 =	vsub.f32 $0.0e+00, v10  }
0xb4: {  	[tilespmem:s19+$0xA010] =	vst v11  }
0xb5: {  	[tilespmem:s19+$0x6010] =	vst v5;
	v5 =	vmul.f32 $1.442695020e+00, v6  }
0xb6: {  	v6 =	vld [tilespmem:$0xE020]  }
0xb7: {  	(erf) = vpow2.f32 v5;
	_ =	sdelay $0x2  }
0xb8: {  	v5 =	vmul.f32 $5.000000000e-01, v7  }
0xb9: {  	v6 =	vadd.f32 $-9.189385170e-01, v6;
	v7 =	vpop (erf)  }
0xba: {  	v7 =	vmul.f32 $5.000000000e-01, v7  }
0xbb: {  	v5 =	vsub.f32 v6, v5  }
0xbc: {  	[tilespmem:s19+$0xA020] =	vst v7  }
0xbd: {  	[tilespmem:s19+$0x6020] =	vst v5  }
0xbe: {  	v6 =	vmul.f32 $5.000000000e-01, v10;
	v5 =	vld [tilespmem:$0xE030];
	v7 =	vpop (erf)  }
0xbf: {  	v7 =	vmul.f32 $5.000000000e-01, v7  }
0xc0: {  	(erf) = vpow2.f32 v4;
	_ =	sdelay $0x2  }
0xc1: {  	v4 =	vadd.f32 $-9.189385170e-01, v5;
	_ =	sdelay $0x1  }
0xc2: {  	v4 =	vsub.f32 v4, v6  }
0xc3: {  	[tilespmem:s19+$0xA030] =	vst v7  }
0xc4: {  	[tilespmem:s19+$0x6030] =	vst v4  }
0xc5: {  	v4 =	vld [tilespmem:$0xE040]  }
0xc6: {  	v5 =	vpop (erf)  }
0xc7: {  	v5 =	vmul.f32 $5.000000000e-01, v5;
	v6 =	vld [tilespmem:s19+$0xA060];
	_ =	sdelay $0x2  }
0xc8: {  	v4 =	vadd.f32 $-9.189385170e-01, v4;
	_ =	sdelay $0x1  }
0xc9: {  	v3 =	vsub.f32 v4, v3;
	v4 =	vsub.f32 $0.0e+00, v6  }
0xca: {  	[tilespmem:s19+$0xA040] =	vst v5  }
0xcb: {  	[tilespmem:s19+$0x6040] =	vst v3;
	v3 =	vmul.f32 $1.442695020e+00, v4  }
0xcc: {  	v4 =	vld [tilespmem:$0xE050]  }
0xcd: {  	v5 =	vmul.f32 $5.000000000e-01, v9;
	(erf) = vpow2.f32 v3  }
0xce: {  	v3 =	vld [tilespmem:s19+$0xA070];
	_ =	sdelay $0x1  }
0xcf: {  	v2 =	vmul.f32 $5.000000000e-01, v2;
	v7 =	vld [tilespmem:s19+$0xA400]  }
0xd0: {  	v4 =	vadd.f32 $-9.189385170e-01, v4;
	_ =	sdelay $0x1  }
0xd1: {  	v2 =	vsub.f32 v4, v2;
	v4 =	vsub.f32 $0.0e+00, v3  }
0xd2: {  	[tilespmem:s19+$0xA050] =	vst v5  }
0xd3: {  	[tilespmem:s19+$0x6050] =	vst v2;
	v2 =	vmul.f32 $1.442695020e+00, v4;
	v4 =	vmul.f32 $5.000000000e-01, v7;
	v5 =	vsub.f32 $0.0e+00, v7  }
0xd4: {  	v6 =	vmul.f32 $5.000000000e-01, v6;
	v7 =	vld [tilespmem:$0xE060];
	v8 =	vpop (erf)  }
0xd5: {  	v8 =	vmul.f32 $5.000000000e-01, v8;
	(erf) = vpow2.f32 v2  }
0xd6: {  	v2 =	vmul.f32 $1.442695020e+00, v5  }
0xd7: {  	[tilespmem:s19+$0xA060] =	vst v8  }
0xd8: {  	(erf) = vpow2.f32 v2  }
0xd9: {  	v2 =	vadd.f32 $-9.189385170e-01, v7;
	_ =	sdelay $0x1  }
0xda: {  	v2 =	vsub.f32 v2, v6;
	_ =	sdelay $0x1  }
0xdb: {  	[tilespmem:s19+$0x6060] =	vst v2  }
0xdc: {  	v3 =	vmul.f32 $5.000000000e-01, v3;
	v2 =	vld [tilespmem:$0xE070];
	v5 =	vpop (erf)  }
0xdd: {  	v6 =	vmul.f32 $5.000000000e-01, v5;
	_ =	sdelay $0x1  }
0xde: {  	[tilespmem:s19+$0xA070] =	vst v6;
	v5 =	vpop (erf)  }
0xdf: {  	v5 =	vmul.f32 $5.000000000e-01, v5;
	v6 =	vld [tilespmem:s19+$0xA420]  }
0xe0: {  	v2 =	vadd.f32 $-9.189385170e-01, v2;
	_ =	sdelay $0x1  }
0xe1: {  	v2 =	vsub.f32 v2, v3;
	_ =	sdelay $0x1  }
0xe2: {  	[tilespmem:s19+$0x6070] =	vst v2;
	v2 =	vsub.f32 $0.0e+00, v6  }
0xe3: {  	v1 =	vmul.f32 $1.442695020e+00, v1;
	v3 =	vld [tilespmem:$0xE080]  }
0xe4: {  	[tilespmem:s19+$0xA400] =	vst v5;
	v2 =	vmul.f32 $1.442695020e+00, v2  }
0xe5: {  	(erf) = vpow2.f32 v1  }
0xe6: {  	(erf) = vpow2.f32 v2;
	_ =	sdelay $0x1  }
0xe7: {  	v1 =	vadd.f32 $-9.189385170e-01, v3;
	v2 =	vld [tilespmem:s19+$0xA430];
	_ =	sdelay $0x1  }
0xe8: {  	v1 =	vsub.f32 v1, v4;
	_ =	sdelay $0x1  }
0xe9: {  	[tilespmem:s19+$0x6400] =	vst v1  }
0xea: {  	v0 =	vmul.f32 $5.000000000e-01, v0;
	v1 =	vld [tilespmem:$0xE090];
	v3 =	vsub.f32 $0.0e+00, v2  }
0xeb: {  	v4 =	vpop (erf)  }
0xec: {  	v4 =	vmul.f32 $5.000000000e-01, v4;
	v3 =	vmul.f32 $1.442695020e+00, v3;
	v5 =	vpop (erf);
	_ =	sdelay $0x1  }
0xed: {  	[tilespmem:s19+$0xA410] =	vst v4;
	v4 =	vmul.f32 $5.000000000e-01, v5;
	(erf) = vpow2.f32 v3  }
0xee: {  	v1 =	vadd.f32 $-9.189385170e-01, v1;
	_ =	sdelay $0x1  }
0xef: {  	v0 =	vsub.f32 v1, v0;
	_ =	sdelay $0x1  }
0xf0: {  	[tilespmem:s19+$0x6410] =	vst v0;
	v0 =	vld [tilespmem:s19+$0xA440]  }
0xf1: {  	v1 =	vld [tilespmem:$0xE0A0]  }
0xf2: {  	[tilespmem:s19+$0xA420] =	vst v4;
	_ =	sdelay $0x1  }
0xf3: {  	v3 =	vpop (erf)  }
0xf4: {  	v4 =	vmul.f32 $5.000000000e-01, v6;
	v3 =	vmul.f32 $5.000000000e-01, v3;
	v5 =	vsub.f32 $0.0e+00, v0  }
0xf5: {  	v1 =	vadd.f32 $-9.189385170e-01, v1  }
0xf6: {  	v5 =	vmul.f32 $1.442695020e+00, v5  }
0xf7: {  	v1 =	vsub.f32 v1, v4  }
0xf8: {  	(erf) = vpow2.f32 v5  }
0xf9: {  	[tilespmem:s19+$0x6420] =	vst v1;
	v1 =	vld [tilespmem:s19+$0xA450]  }
0xfa: {  	v4 =	vld [tilespmem:$0xE0B0]  }
0xfb: {  	[tilespmem:s19+$0xA430] =	vst v3;
	_ =	sdelay $0x2  }
0xfc: {  	v2 =	vmul.f32 $5.000000000e-01, v2;
	v3 =	vsub.f32 $0.0e+00, v1  }
0xfd: {  	v5 =	vadd.f32 $-9.189385170e-01, v4  }
0xfe: {  	v3 =	vmul.f32 $1.442695020e+00, v3  }
0xff: {  	v2 =	vsub.f32 v5, v2;
	v4 =	vpop (erf)  }
0x100: {  	(erf) = vpow2.f32 v3  }
0x101: {  	[tilespmem:s19+$0x6430] =	vst v2;
	v2 =	vmul.f32 $5.000000000e-01, v4;
	v3 =	vld [tilespmem:s19+$0xA460]  }
0x102: {  	v4 =	vld [tilespmem:$0xE0C0]  }
0x103: {  	[tilespmem:s19+$0xA440] =	vst v2;
	_ =	sdelay $0x2  }
0x104: {  	v0 =	vmul.f32 $5.000000000e-01, v0;
	v2 =	vsub.f32 $0.0e+00, v3  }
0x105: {  	v5 =	vadd.f32 $-9.189385170e-01, v4  }
0x106: {  	v2 =	vmul.f32 $1.442695020e+00, v2  }
0x107: {  	v0 =	vsub.f32 v5, v0;
	v4 =	vpop (erf)  }
0x108: {  	(erf) = vpow2.f32 v2  }
0x109: {  	[tilespmem:s19+$0x6440] =	vst v0;
	v0 =	vmul.f32 $5.000000000e-01, v4;
	v2 =	vld [tilespmem:s19+$0xA470]  }
0x10a: {  	v4 =	vld [tilespmem:$0xE0D0]  }
0x10b: {  	[tilespmem:s19+$0xA450] =	vst v0;
	_ =	sdelay $0x2  }
0x10c: {  	v0 =	vmul.f32 $5.000000000e-01, v1;
	v6 =	vmul.f32 $5.000000000e-01, v2;
	v1 =	vsub.f32 $0.0e+00, v2  }
0x10d: {  	v4 =	vadd.f32 $-9.189385170e-01, v4  }
0x10e: {  	v1 =	vmul.f32 $1.442695020e+00, v1  }
0x10f: {  	v0 =	vsub.f32 v4, v0;
	v2 =	vpop (erf)  }
0x110: {  	(erf) = vpow2.f32 v1  }
0x111: {  	[tilespmem:s19+$0x6450] =	vst v0;
	v0 =	vmul.f32 $5.000000000e-01, v2  }
0x112: {  	s20 =	sadd.s32 $0x100, s20;
	v1 =	vld [tilespmem:$0xE0E0]  }
0x113: {  	s22 =	sand.u32 $0x380, s22;
	s23 =	sand.u32 $0x3800, s20;
	[tilespmem:s19+$0xA460] =	vst v0  }
0x114: {  	s23 =	sor.u32 s22, s23  }
0x115: {  	v4 =	vld [tilespmem:s23+$0xA040]  }
0x116: {  	v3 =	vmul.f32 $5.000000000e-01, v3;
	v2 =	vld [tilespmem:s23+$0xA050]  }
0x117: {  	v5 =	vld [tilespmem:s23+$0xA010];
	v1 =	vadd.f32 $-9.189385170e-01, v1  }
0x118: {  	v7 =	vld [tilespmem:s23+$0xA000]  }
0x119: {  	v0 =	vld [tilespmem:s23+$0xA410];
	v1 =	vsub.f32 v1, v3;
	v8 =	vpop (erf)  }
0x11a: {  	v9 =	vsub.f32 $0.0e+00, v4  }
.Ltmp0:
0x11b: {  	v3 =	vmul.f32 $5.000000000e-01, v4;
	[tilespmem:s19+$0x6460] =	vst v1;
	v1 =	vmul.f32 $5.000000000e-01, v8;
	(pc) =	sbr.rel @p0 .LBB2_2-.Ltmp0, $4  }
0x11c: {  	v8 =	vsub.f32 $0.0e+00, v5;
	v4 =	vmul.f32 $1.442695020e+00, v9;
	v9 =	vld [tilespmem:$0xE0F0]  }
0x11d: {  	v11 =	vsub.f32 $0.0e+00, v2;
	v10 =	vsub.f32 $0.0e+00, v7;
	[tilespmem:s19+$0xA470] =	vst v1  }
0x11e: {  	v8 =	vmul.f32 $1.442695020e+00, v8;
	v1 =	vsub.f32 $0.0e+00, v0  }
0x11f: {  	v11 =	vmul.f32 $1.442695020e+00, v11;
	v10 =	vmul.f32 $1.442695020e+00, v10  }
0x120: {  	_ = 	snop  }
0x121: {  	(erf) = vpow2.f32 v11;
	v9 =	vadd.f32 $-9.189385170e-01, v9  }
0x122: {  	(erf) = vpow2.f32 v10  }
0x123: {  	v6 =	vsub.f32 v9, v6;
	_ =	sdelay $0x1  }
0x124: {  	[tilespmem:s19+$0x6470] =	vst v6  }
0x125: {  	v6 =	vld [tilespmem:$0xE000];
	_ =	sdelay $0x3  }
0x126: {  	v17 =	vpop (erf)  }
0x127: {  	v7 =	vmul.f32 $5.000000000e-01, v7;
	v6 =	vadd.f32 $-9.189385170e-01, v6;
	v10 =	vpop (erf)  }
0x128: {  	(erf) = vpow2.f32 v8;
	v10 =	vmul.f32 $5.000000000e-01, v10  }
0x129: {  	v18 =	vld [tilespmem:s23+$0xA020];
	v6 =	vsub.f32 v6, v7  }
0x12a: {  	[tilespmem:s23+$0xA000] =	vst v10  }
0x12b: {  	[tilespmem:s23+$0x6000] =	vst v6  }
0x12c: {  	v6 =	vld [tilespmem:$0xE010];
	_ =	sdelay $0x1  }
0x12d: {  	v19 =	vsub.f32 $0.0e+00, v18;
	_ =	sdelay $0x1  }
0x12e: {  	v8 =	vmul.f32 $1.442695020e+00, v19  }
0x12f: {  	v5 =	vmul.f32 $5.000000000e-01, v5;
	v20 =	vpop (erf);
	v6 =	vadd.f32 $-9.189385170e-01, v6  }
0x130: {  	(erf) = vpow2.f32 v8;
	v10 =	vmul.f32 $5.000000000e-01, v20  }
0x131: {  	v21 =	vld [tilespmem:s23+$0xA030];
	v5 =	vsub.f32 v6, v5  }
0x132: {  	[tilespmem:s23+$0xA010] =	vst v10  }
0x133: {  	[tilespmem:s23+$0x6010] =	vst v5  }
0x134: {  	v5 =	vld [tilespmem:$0xE020];
	_ =	sdelay $0x1  }
0x135: {  	v22 =	vsub.f32 $0.0e+00, v21;
	_ =	sdelay $0x1  }
0x136: {  	v6 =	vmul.f32 $1.442695020e+00, v22  }
0x137: {  	v7 =	vmul.f32 $5.000000000e-01, v18;
	v23 =	vpop (erf);
	v5 =	vadd.f32 $-9.189385170e-01, v5  }
0x138: {  	(erf) = vpow2.f32 v6;
	v24 =	vmul.f32 $5.000000000e-01, v23  }
0x139: {  	v5 =	vsub.f32 v5, v7  }
0x13a: {  	[tilespmem:s23+$0xA020] =	vst v24  }
0x13b: {  	[tilespmem:s23+$0x6020] =	vst v5  }
0x13c: {  	v5 =	vld [tilespmem:$0xE030];
	_ =	sdelay $0x4  }
0x13d: {  	v25 =	vmul.f32 $5.000000000e-01, v21;
	v26 =	vpop (erf);
	v5 =	vadd.f32 $-9.189385170e-01, v5  }
0x13e: {  	(erf) = vpow2.f32 v4;
	v7 =	vmul.f32 $5.000000000e-01, v26  }
0x13f: {  	v27 =	vsub.f32 v5, v25  }
0x140: {  	[tilespmem:s23+$0xA030] =	vst v7  }
0x141: {  	[tilespmem:s23+$0x6030] =	vst v27  }
0x142: {  	v4 =	vld [tilespmem:$0xE040];
	_ =	sdelay $0x4  }
0x143: {  	v28 =	vpop (erf);
	v4 =	vadd.f32 $-9.189385170e-01, v4  }
0x144: {  	v5 =	vmul.f32 $5.000000000e-01, v28  }
0x145: {  	v29 =	vld [tilespmem:s23+$0xA060];
	v3 =	vsub.f32 v4, v3  }
0x146: {  	[tilespmem:s23+$0xA040] =	vst v5  }
0x147: {  	[tilespmem:s23+$0x6040] =	vst v3  }
0x148: {  	v3 =	vld [tilespmem:$0xE050];
	_ =	sdelay $0x1  }
0x149: {  	v30 =	vsub.f32 $0.0e+00, v29;
	_ =	sdelay $0x1  }
0x14a: {  	v4 =	vmul.f32 $1.442695020e+00, v30  }
0x14b: {  	v2 =	vmul.f32 $5.000000000e-01, v2;
	v3 =	vadd.f32 $-9.189385170e-01, v3  }
0x14c: {  	v31 =	vmul.f32 $5.000000000e-01, v17;
	(erf) = vpow2.f32 v4  }
0x14d: {  	v32 =	vld [tilespmem:s23+$0xA070];
	v2 =	vsub.f32 v3, v2  }
0x14e: {  	[tilespmem:s23+$0xA050] =	vst v31  }
0x14f: {  	[tilespmem:s23+$0x6050] =	vst v2  }
0x150: {  	v2 =	vld [tilespmem:$0xE060];
	_ =	sdelay $0x1  }
0x151: {  	v34 =	vsub.f32 $0.0e+00, v32;
	_ =	sdelay $0x1  }
0x152: {  	v5 =	vmul.f32 $1.442695020e+00, v34  }
0x153: {  	v6 =	vmul.f32 $5.000000000e-01, v29;
	v35 =	vpop (erf);
	v2 =	vadd.f32 $-9.189385170e-01, v2  }
0x154: {  	(erf) = vpow2.f32 v5;
	v7 =	vmul.f32 $5.000000000e-01, v35  }
0x155: {  	v33 =	vld [tilespmem:s23+$0xA400];
	v2 =	vsub.f32 v2, v6  }
0x156: {  	[tilespmem:s23+$0xA060] =	vst v7  }
0x157: {  	[tilespmem:s23+$0x6060] =	vst v2  }
0x158: {  	v2 =	vld [tilespmem:$0xE070];
	_ =	sdelay $0x1  }
0x159: {  	v36 =	vsub.f32 $0.0e+00, v33;
	_ =	sdelay $0x1  }
0x15a: {  	v5 =	vmul.f32 $1.442695020e+00, v36  }
0x15b: {  	v4 =	vmul.f32 $5.000000000e-01, v32;
	v37 =	vpop (erf);
	v2 =	vadd.f32 $-9.189385170e-01, v2  }
0x15c: {  	(erf) = vpow2.f32 v5;
	v5 =	vmul.f32 $5.000000000e-01, v37  }
0x15d: {  	v2 =	vsub.f32 v2, v4  }
0x15e: {  	[tilespmem:s23+$0xA070] =	vst v5  }
0x15f: {  	[tilespmem:s23+$0x6070] =	vst v2  }
0x160: {  	v2 =	vld [tilespmem:$0xE080];
	_ =	sdelay $0x3  }
0x161: {  	v1 =	vmul.f32 $1.442695020e+00, v1  }
0x162: {  	v3 =	vmul.f32 $5.000000000e-01, v33;
	v39 =	vpop (erf);
	v2 =	vadd.f32 $-9.189385170e-01, v2  }
0x163: {  	(erf) = vpow2.f32 v1;
	v5 =	vmul.f32 $5.000000000e-01, v39  }
0x164: {  	v38 =	vld [tilespmem:s23+$0xA420];
	v40 =	vsub.f32 v2, v3  }
0x165: {  	[tilespmem:s23+$0xA400] =	vst v5  }
0x166: {  	[tilespmem:s23+$0x6400] =	vst v40  }
0x167: {  	v1 =	vld [tilespmem:$0xE090];
	_ =	sdelay $0x1  }
0x168: {  	v42 =	vsub.f32 $0.0e+00, v38;
	_ =	sdelay $0x1  }
0x169: {  	v3 =	vmul.f32 $1.442695020e+00, v42  }
0x16a: {  	v0 =	vmul.f32 $5.000000000e-01, v0;
	v43 =	vpop (erf);
	v1 =	vadd.f32 $-9.189385170e-01, v1  }
0x16b: {  	v44 =	vmul.f32 $5.000000000e-01, v43;
	(erf) = vpow2.f32 v3  }
0x16c: {  	v41 =	vld [tilespmem:s23+$0xA430];
	v0 =	vsub.f32 v1, v0  }
0x16d: {  	[tilespmem:s23+$0xA410] =	vst v44  }
0x16e: {  	[tilespmem:s23+$0x6410] =	vst v0  }
0x16f: {  	v0 =	vld [tilespmem:$0xE0A0];
	_ =	sdelay $0x1  }
0x170: {  	v45 =	vsub.f32 $0.0e+00, v41;
	_ =	sdelay $0x1  }
0x171: {  	v1 =	vmul.f32 $1.442695020e+00, v45  }
0x172: {  	v4 =	vmul.f32 $5.000000000e-01, v38;
	v46 =	vpop (erf);
	v0 =	vadd.f32 $-9.189385170e-01, v0  }
0x173: {  	v3 =	vmul.f32 $5.000000000e-01, v46;
	(erf) = vpow2.f32 v1  }
0x174: {  	v47 =	vld [tilespmem:s23+$0xA440];
	v0 =	vsub.f32 v0, v4  }
0x175: {  	[tilespmem:s23+$0xA420] =	vst v3  }
0x176: {  	[tilespmem:s23+$0x6420] =	vst v0  }
0x177: {  	v0 =	vld [tilespmem:$0xE0B0];
	_ =	sdelay $0x1  }
0x178: {  	v48 =	vsub.f32 $0.0e+00, v47;
	_ =	sdelay $0x1  }
0x179: {  	v3 =	vmul.f32 $1.442695020e+00, v48  }
0x17a: {  	v2 =	vmul.f32 $5.000000000e-01, v41;
	v49 =	vpop (erf);
	v0 =	vadd.f32 $-9.189385170e-01, v0  }
0x17b: {  	(erf) = vpow2.f32 v3;
	v4 =	vmul.f32 $5.000000000e-01, v49  }
0x17c: {  	v50 =	vld [tilespmem:s23+$0xA450];
	v0 =	vsub.f32 v0, v2  }
0x17d: {  	[tilespmem:s23+$0xA430] =	vst v4  }
0x17e: {  	[tilespmem:s23+$0x6430] =	vst v0  }
0x17f: {  	v0 =	vld [tilespmem:$0xE0C0];
	_ =	sdelay $0x1  }
0x180: {  	v51 =	vsub.f32 $0.0e+00, v50;
	_ =	sdelay $0x1  }
0x181: {  	v2 =	vmul.f32 $1.442695020e+00, v51  }
0x182: {  	v1 =	vmul.f32 $5.000000000e-01, v47;
	v52 =	vpop (erf);
	v0 =	vadd.f32 $-9.189385170e-01, v0  }
0x183: {  	v53 =	vmul.f32 $5.000000000e-01, v52;
	(erf) = vpow2.f32 v2  }
0x184: {  	v54 =	vld [tilespmem:s23+$0xA460];
	v0 =	vsub.f32 v0, v1  }
0x185: {  	[tilespmem:s23+$0xA440] =	vst v53  }
0x186: {  	[tilespmem:s23+$0x6440] =	vst v0  }
0x187: {  	v0 =	vld [tilespmem:$0xE0D0];
	_ =	sdelay $0x1  }
0x188: {  	v55 =	vsub.f32 $0.0e+00, v54;
	_ =	sdelay $0x1  }
0x189: {  	v1 =	vmul.f32 $1.442695020e+00, v55  }
0x18a: {  	v3 =	vmul.f32 $5.000000000e-01, v50;
	v56 =	vpop (erf);
	v0 =	vadd.f32 $-9.189385170e-01, v0  }
0x18b: {  	(erf) = vpow2.f32 v1;
	v57 =	vmul.f32 $5.000000000e-01, v56  }
0x18c: {  	v58 =	vld [tilespmem:s23+$0xA470];
	v0 =	vsub.f32 v0, v3  }
0x18d: {  	[tilespmem:s23+$0xA450] =	vst v57  }
0x18e: {  	[tilespmem:s23+$0x6450] =	vst v0  }
0x18f: {  	v0 =	vld [tilespmem:$0xE0E0];
	_ =	sdelay $0x1  }
0x190: {  	v59 =	vsub.f32 $0.0e+00, v58;
	_ =	sdelay $0x1  }
0x191: {  	v1 =	vmul.f32 $1.442695020e+00, v59  }
0x192: {  	v4 =	vmul.f32 $5.000000000e-01, v54;
	v60 =	vpop (erf);
	v0 =	vadd.f32 $-9.189385170e-01, v0  }
0x193: {  	(erf) = vpow2.f32 v1;
	v61 =	vmul.f32 $5.000000000e-01, v60  }
0x194: {  	v0 =	vsub.f32 v0, v4  }
0x195: {  	[tilespmem:s23+$0xA460] =	vst v61  }
0x196: {  	[tilespmem:s23+$0x6460] =	vst v0  }
0x197: {  	v0 =	vld [tilespmem:$0xE0F0];
	_ =	sdelay $0x4  }
0x198: {  	v62 =	vmul.f32 $5.000000000e-01, v58;
	v63 =	vpop (erf);
	v0 =	vadd.f32 $-9.189385170e-01, v0  }
0x199: {  	v2 =	vmul.f32 $5.000000000e-01, v63  }
0x19a: {  	v0 =	vsub.f32 v0, v62  }
0x19b: {  	[tilespmem:s23+$0xA470] =	vst v2  }
0x19c: {  	s19 =	simm.s32 $0x0;
	[tilespmem:s23+$0x6470] =	vst v0  }
.LBB2_4:
0x19d: {  	s20 =	sor.u32 s6, s19  }
0x19e: {  	s21 =	sshll.u32 s20, $0x7  }
0x19f: {  	s22 =	sshll.u32 s20, $0x8;
	s20 =	sshll.u32 s19, $0x7;
	s23 =	sand.u32 $0x3FFFFF80, s21  }
0x1a0: {  	s24 =	simm.s32 $0x0;
	s30 =	sand.u32 $0x3800, s22;
	s31 =	sand.u32 $0x380, s20;
	v2 =	vld [tilespmem:s23+$0x0]  }
0x1a1: {  	v0 =	vimm.f32 $-3.000000010e+38;
	v1 =	vimm.f32 $-3.000000010e+38;
	s22 =	simm.s32 $0x10500;
	s21 =	sor.u32 s31, s30;
	v3 =	vld [tilespmem:s23+$0x10];
	s23 =	simm.s32 $0x0  }
.LBB2_5:
0x1a2: {  	s25 =	sand.u32 $0x400, s23  }
0x1a3: {  	s26 =	sand.u32 $0x70, s24;
	s25 =	sor.u32 s25, s21  }
0x1a4: {  	s25 =	sor.u32 s26, s25  }
0x1a5: {  	v6 =	vld [tilespmem:s25+$0x2000]  }
0x1a6: {  	v5 =	vld [tilespmem:s25+$0xA000];
	_ =	sdelay $0x2  }
0x1a7: {  	v4 =	vld [tilespmem:s25+$0x6000]  }
0x1a8: {  	v7 =	vbroadcast v6, $0x0  }
0x1a9: {  	v9 =	vbroadcast v5, $0x0;
	v10 =	vbroadcast v6, $0x1  }
0x1aa: {  	v13 =	vbroadcast v5, $0x1;
	v14 =	vbroadcast v6, $0x2  }
0x1ab: {  	v39 =	vbroadcast v6, $0x3;
	v17 =	vbroadcast v5, $0x2  }
0x1ac: {  	v18 =	vbroadcast v4, $0x0;
	v20 =	vbroadcast v5, $0x3  }
0x1ad: {  	v21 =	vbroadcast v4, $0x1;
	v41 =	vbroadcast v4, $0x2  }
0x1ae: {  	v42 =	vbroadcast v4, $0x3;
	v45 =	vbroadcast v6, $0x4  }
0x1af: {  	v48 =	vbroadcast v5, $0x4;
	v49 =	vbroadcast v6, $0x5  }
0x1b0: {  	v52 =	vbroadcast v5, $0x5;
	v53 =	vbroadcast v6, $0x6  }
0x1b1: {  	v55 =	vbroadcast v6, $0x7;
	v26 =	vbroadcast v5, $0x6  }
0x1b2: {  	v27 =	vbroadcast v4, $0x4;
	v29 =	vbroadcast v5, $0x7  }
0x1b3: {  	v57 =	vbroadcast v4, $0x5;
	v58 =	vbroadcast v4, $0x6  }
0x1b4: {  	v59 =	vbroadcast v4, $0x7;
	v32 =	vbroadcast v6, $0x8  }
0x1b5: {  	v63 =	vbroadcast v5, $0x8;
	v8 =	vsub.f32 v2, v7;
	v12 =	vsub.f32 v2, v10  }
0x1b6: {  	v38 =	vbroadcast v6, $0x9;
	v16 =	vsub.f32 v2, v14;
	v19 =	vsub.f32 v2, v39  }
0x1b7: {  	v34 =	vbroadcast v5, $0xB;
	v7 =	vsub.f32 v3, v7;
	v10 =	vsub.f32 v3, v10  }
0x1b8: {  	v14 =	vsub.f32 v3, v14;
	v43 =	vsub.f32 v3, v39;
	v39 =	vbroadcast v6, $0xA  }
0x1b9: {  	v47 =	vsub.f32 v2, v45;
	v11 =	vmul.f32 v9, v8;
	v15 =	vmul.f32 v13, v12  }
0x1ba: {  	v51 =	vsub.f32 v2, v49;
	v40 =	vmul.f32 v17, v16;
	v22 =	vmul.f32 v20, v19  }
0x1bb: {  	v25 =	vsub.f32 v2, v53;
	v9 =	vmul.f32 v9, v7;
	v13 =	vmul.f32 v13, v10  }
0x1bc: {  	v28 =	vsub.f32 v2, v55;
	v17 =	vmul.f32 v17, v14;
	v20 =	vmul.f32 v20, v43  }
0x1bd: {  	v62 =	vsub.f32 v2, v32;
	v50 =	vmul.f32 v48, v47;
	v24 =	vmul.f32 v52, v51  }
0x1be: {  	v56 =	vmul.f32 v26, v25;
	v31 =	vmul.f32 v29, v28  }
0x1bf: {  	v36 =	vmul.f32 v63, v62;
	v8 =	vmul.f32 v11, v8  }
0x1c0: {  	v12 =	vmul.f32 v15, v12;
	v15 =	vmul.f32 v40, v16  }
0x1c1: {  	v19 =	vmul.f32 v22, v19;
	v7 =	vmul.f32 v9, v7  }
0x1c2: {  	v10 =	vmul.f32 v13, v10;
	v46 =	vmul.f32 v17, v14  }
0x1c3: {  	v9 =	vmul.f32 v20, v43;
	v13 =	vmul.f32 v50, v47;
	v17 =	vsub.f32 v3, v49  }
0x1c4: {  	v28 =	vmul.f32 v31, v28;
	v16 =	vsub.f32 v3, v55;
	v8 =	vsub.f32 v18, v8  }
0x1c5: {  	v43 =	vbroadcast v5, $0x9;
	v12 =	vsub.f32 v21, v12;
	v15 =	vsub.f32 v41, v15  }
0x1c6: {  	v47 =	vbroadcast v4, $0x8;
	v19 =	vsub.f32 v42, v19;
	v7 =	vsub.f32 v18, v7  }
0x1c7: {  	v10 =	vsub.f32 v21, v10;
	v9 =	vsub.f32 v42, v9;
	v18 =	vmul.f32 v24, v51  }
0x1c8: {  	v24 =	vmul.f32 v56, v25;
	v13 =	vsub.f32 v27, v13;
	v21 =	vsub.f32 v3, v53  }
0x1c9: {  	v20 =	vmul.f32 v52, v17;
	v29 =	vmul.f32 v29, v16;
	v42 =	vsub.f32 v2, v38  }
0x1ca: {  	v52 =	vbroadcast v4, $0x9;
	v53 =	vsub.f32 v3, v32;
	v32 =	vbroadcast v6, $0xC  }
0x1cb: {  	v23 =	vmax.f32 v8, v12;
	v44 =	vmax.f32 v15, v19;
	v54 =	vmax.f32 v7, v10  }
0x1cc: {  	v18 =	vsub.f32 v57, v18;
	v24 =	vsub.f32 v58, v24;
	v26 =	vmul.f32 v26, v21  }
0x1cd: {  	v17 =	vmul.f32 v20, v17;
	v16 =	vmul.f32 v29, v16;
	v11 =	vmax.f32 v23, v44  }
0x1ce: {  	v23 =	vsub.f32 v3, v45;
	v44 =	vsub.f32 v2, v39;
	v45 =	vbroadcast v5, $0xA  }
0x1cf: {  	v1 =	vmax.f32 v1, v11;
	v11 =	vsub.f32 v41, v46;
	v60 =	vmax.f32 v13, v18  }
0x1d0: {  	v61 =	vmul.f32 v26, v21;
	v17 =	vsub.f32 v57, v17;
	v21 =	vmul.f32 v36, v62  }
0x1d1: {  	v16 =	vsub.f32 v59, v16;
	v41 =	vbroadcast v6, $0xB;
	v57 =	vbroadcast v4, $0xA  }
0x1d2: {  	v36 =	vsub.f32 v2, v32;
	v14 =	vmul.f32 v48, v23;
	v48 =	vmul.f32 v43, v42  }
0x1d3: {  	v49 =	vmul.f32 v45, v44;
	v30 =	vmax.f32 v11, v9;
	v20 =	vsub.f32 v58, v61  }
0x1d4: {  	[tilespmem:s22+$0xFFFFFC00] =	vst v8;
	v33 =	vsub.f32 v2, v41;
	v56 =	vsub.f32 v47, v21;
	v58 =	vmul.f32 v63, v53  }
0x1d5: {  	[tilespmem:s22+$0xFFFFFC80] =	vst v12;
	v63 =	vsub.f32 v3, v41;
	v41 =	vbroadcast v6, $0xE;
	v14 =	vmul.f32 v14, v23  }
0x1d6: {  	[tilespmem:s22+$0xFFFFFD00] =	vst v15;
	v22 =	vmax.f32 v54, v30;
	v51 =	vmul.f32 v48, v42;
	v54 =	vmul.f32 v49, v44  }
0x1d7: {  	[tilespmem:s22+$0xFFFFFD80] =	vst v19;
	v61 =	vsub.f32 v3, v39;
	v44 =	vbroadcast v5, $0xD;
	v48 =	vbroadcast v4, $0xC  }
0x1d8: {  	[tilespmem:s22+$0xFFFFFC10] =	vst v7;
	v0 =	vmax.f32 v0, v22;
	v22 =	vsub.f32 v59, v28;
	v50 =	vmul.f32 v34, v33  }
0x1d9: {  	[tilespmem:s22+$0xFFFFFC90] =	vst v10;
	v40 =	vmax.f32 v20, v16;
	v59 =	vbroadcast v4, $0xB;
	v62 =	vmul.f32 v58, v53  }
0x1da: {  	[tilespmem:s22+$0xFFFFFD90] =	vst v9;
	v12 =	vmul.f32 v45, v61;
	v45 =	vsub.f32 v2, v41;
	v14 =	vsub.f32 v27, v14  }
0x1db: {  	[tilespmem:s22+$0xFFFFFE00] =	vst v13;
	v35 =	vmul.f32 v34, v63;
	v7 =	vsub.f32 v52, v51;
	v10 =	vsub.f32 v57, v54  }
0x1dc: {  	[tilespmem:s22+$0xFFFFFE80] =	vst v18;
	v54 =	vbroadcast v4, $0xD;
	v28 =	vmax.f32 v24, v22;
	v55 =	vmul.f32 v50, v33  }
0x1dd: {  	[tilespmem:s22+$0xFFFFFF00] =	vst v24;
	v12 =	vmul.f32 v12, v61;
	v21 =	vmul.f32 v35, v63;
	v13 =	vsub.f32 v47, v62  }
0x1de: {  	[tilespmem:s22+$0xFFFFFD10] =	vst v11;
	v24 =	vsub.f32 v3, v41;
	v23 =	vmax.f32 v60, v28;
	v37 =	vmax.f32 v14, v17  }
0x1df: {  	[tilespmem:s22+$0xFFFFFE90] =	vst v17;
	v60 =	vsub.f32 v3, v38;
	v38 =	vmax.f32 v56, v7;
	v1 =	vmax.f32 v1, v23  }
0x1e0: {  	[tilespmem:s22+$0xFFFFFF90] =	vst v16;
	v46 =	vmax.f32 v37, v40;
	v37 =	vbroadcast v5, $0xC;
	v15 =	vsub.f32 v59, v55  }
0x1e1: {  	[tilespmem:s22+$0xFFFFFF10] =	vst v20;
	v40 =	vbroadcast v6, $0xD;
	v6 =	vbroadcast v6, $0xF;
	v23 =	vsub.f32 v3, v32  }
0x1e2: {  	[tilespmem:s22+$0x0] =	vst v56;
	v11 =	vsub.f32 v57, v12;
	v9 =	vsub.f32 v59, v21;
	v55 =	vbroadcast v4, $0xE  }
0x1e3: {  	[tilespmem:s22+$0xFFFFFF80] =	vst v22;
	v4 =	vbroadcast v4, $0xF;
	v0 =	vmax.f32 v0, v46;
	v33 =	vmul.f32 v43, v60  }
0x1e4: {  	[tilespmem:s22+$0xFFFFFE10] =	vst v14;
	v46 =	vbroadcast v5, $0xE;
	v5 =	vbroadcast v5, $0xF;
	v43 =	vsub.f32 v2, v40  }
0x1e5: {  	[tilespmem:s22+$0x80] =	vst v7;
	v39 =	vmul.f32 v37, v36;
	v47 =	vsub.f32 v2, v6;
	v17 =	vsub.f32 v3, v40  }
0x1e6: {  	[tilespmem:s22+$0x100] =	vst v10;
	v6 =	vsub.f32 v3, v6;
	v18 =	vmul.f32 v33, v60;
	v50 =	vmul.f32 v46, v45  }
0x1e7: {  	[tilespmem:s22+$0x10] =	vst v13;
	v10 =	vmax.f32 v10, v15;
	v19 =	vmul.f32 v46, v24;
	v42 =	vmul.f32 v39, v36  }
0x1e8: {  	[tilespmem:s22+$0x190] =	vst v9;
	v9 =	vmax.f32 v11, v9;
	v49 =	vmul.f32 v44, v43;
	v51 =	vmul.f32 v5, v47  }
0x1e9: {  	[tilespmem:s22+$0x180] =	vst v15;
	v20 =	vmul.f32 v44, v17;
	v8 =	vsub.f32 v52, v18;
	v12 =	vmul.f32 v50, v45  }
0x1ea: {  	[tilespmem:s22+$0x110] =	vst v11;
	v5 =	vmul.f32 v5, v6;
	v19 =	vmul.f32 v19, v24;
	v18 =	vsub.f32 v48, v42  }
0x1eb: {  	v52 =	vmul.f32 v37, v23;
	v16 =	vmul.f32 v49, v43;
	[tilespmem:s22+$0x90] =	vst v8;
	v12 =	vsub.f32 v55, v12  }
0x1ec: {  	v53 =	vmul.f32 v51, v47;
	v56 =	vmul.f32 v20, v17;
	v60 =	vsub.f32 v55, v19;
	[tilespmem:s22+$0x200] =	vst v18  }
0x1ed: {  	v5 =	vmul.f32 v5, v6;
	v21 =	vmul.f32 v52, v23;
	v16 =	vsub.f32 v54, v16;
	[tilespmem:s22+$0x300] =	vst v12  }
0x1ee: {  	p0 =	sne.s32 s24, $0xF0;
	v58 =	vmax.f32 v38, v10;
	v57 =	vsub.f32 v4, v53;
	v59 =	vsub.f32 v54, v56;
	[tilespmem:s22+$0x310] =	vst v60  }
.Ltmp1:
0x1ef: {  	v8 =	vmax.f32 v13, v8;
	v4 =	vsub.f32 v4, v5;
	v7 =	vsub.f32 v48, v21;
	[tilespmem:s22+$0x280] =	vst v16;
	(pc) =	sbr.rel @p0 .LBB2_5-.Ltmp1, $4  }
0x1f0: {  	v1 =	vmax.f32 v1, v58;
	v5 =	vmax.f32 v8, v9;
	[tilespmem:s22+$0x380] =	vst v57;
	v61 =	vmax.f32 v18, v16  }
0x1f1: {  	v62 =	vmax.f32 v12, v57;
	v63 =	vmax.f32 v60, v4;
	[tilespmem:s22+$0x210] =	vst v7;
	v7 =	vmax.f32 v7, v59  }
0x1f2: {  	v0 =	vmax.f32 v0, v5;
	[tilespmem:s22+$0x390] =	vst v4;
	v5 =	vmax.f32 v61, v62;
	v4 =	vmax.f32 v7, v63  }
0x1f3: {  	s23 =	sadd.s32 $0x80, s23;
	s24 =	sadd.s32 $0x10, s24;
	[tilespmem:s22+$0x290] =	vst v59;
	s22 =	sadd.s32 $0x800, s22;
	v1 =	vmax.f32 v1, v5;
	v0 =	vmax.f32 v0, v4  }
0x1f4: {  	s21 =	simm.s32 $0x10900  }
0x1f5: {  	v2 =	vld [tilespmem:s21+$0x600]  }
0x1f6: {  	v3 =	vld [tilespmem:s21+$0x680]  }
0x1f7: {  	v4 =	vld [tilespmem:s21+$0x700]  }
0x1f8: {  	v5 =	vld [tilespmem:s21+$0x780]  }
0x1f9: {  	v6 =	vld [tilespmem:s21+$0x610]  }
0x1fa: {  	v7 =	vld [tilespmem:s21+$0x690]  }
0x1fb: {  	v8 =	vld [tilespmem:s21+$0x710]  }
0x1fc: {  	v9 =	vld [tilespmem:s21+$0x790]  }
0x1fd: {  	v10 =	vld [tilespmem:s21+$0x400]  }
0x1fe: {  	v13 =	vld [tilespmem:s21+$0x580];
	v2 =	vsub.f32 v2, v1;
	v3 =	vsub.f32 v3, v1  }
0x1ff: {  	v14 =	vld [tilespmem:s21+$0x410];
	v4 =	vsub.f32 v4, v1;
	v5 =	vsub.f32 v5, v1  }
0x200: {  	v15 =	vld [tilespmem:s21+$0x490];
	v6 =	vsub.f32 v6, v0;
	v7 =	vsub.f32 v7, v0  }
0x201: {  	v11 =	vld [tilespmem:s21+$0x480];
	v8 =	vsub.f32 v8, v0;
	v9 =	vsub.f32 v9, v0;
	v2 =	vmul.f32 $1.442695020e+00, v2  }
0x202: {  	v12 =	vld [tilespmem:s21+$0x500];
	v10 =	vsub.f32 v10, v1;
	v3 =	vmul.f32 $1.442695020e+00, v3;
	v4 =	vmul.f32 $1.442695020e+00, v4  }
0x203: {  	v16 =	vld [tilespmem:s21+$0x310];
	v13 =	vsub.f32 v13, v1;
	v5 =	vmul.f32 $1.442695020e+00, v5;
	v6 =	vmul.f32 $1.442695020e+00, v6  }
0x204: {  	v14 =	vsub.f32 v14, v0;
	v7 =	vmul.f32 $1.442695020e+00, v7;
	v8 =	vmul.f32 $1.442695020e+00, v8  }
0x205: {  	v23 =	vld [tilespmem:s21+$0x10];
	v15 =	vsub.f32 v15, v0;
	v9 =	vmul.f32 $1.442695020e+00, v9;
	(erf) = vpow2.f32 v2  }
0x206: {  	v13 =	vmul.f32 $1.442695020e+00, v13;
	v2 =	vsub.f32 v11, v1;
	v11 =	vld [tilespmem:s21+$0x510];
	(erf) = vpow2.f32 v3  }
0x207: {  	v3 =	vmul.f32 $1.442695020e+00, v10;
	v10 =	vsub.f32 v12, v1;
	v12 =	vld [tilespmem:s21+$0x590];
	(erf) = vpow2.f32 v4  }
0x208: {  	v16 =	vsub.f32 v16, v0;
	v14 =	vmul.f32 $1.442695020e+00, v14;
	v4 =	vld [tilespmem:s21+$0x200];
	(erf) = vpow2.f32 v5  }
0x209: {  	v15 =	vmul.f32 $1.442695020e+00, v15;
	v5 =	vld [tilespmem:s21+$0x280];
	(erf) = vpow2.f32 v6  }
0x20a: {  	v16 =	vmul.f32 $1.442695020e+00, v16;
	v6 =	vld [tilespmem:s21+$0x300];
	(erf) = vpow2.f32 v7  }
0x20b: {  	v2 =	vmul.f32 $1.442695020e+00, v2;
	v7 =	vld [tilespmem:s21+$0x380];
	(erf) = vpow2.f32 v8  }
0x20c: {  	v23 =	vsub.f32 v23, v0;
	v10 =	vmul.f32 $1.442695020e+00, v10;
	v8 =	vld [tilespmem:s21+$0x210];
	(erf) = vpow2.f32 v9  }
0x20d: {  	v11 =	vsub.f32 v11, v0;
	v4 =	vsub.f32 v4, v1;
	v9 =	vld [tilespmem:s21+$0x290];
	(erf) = vpow2.f32 v3  }
0x20e: {  	v30 =	vld [tilespmem:s21+$0xFFFFFE10];
	v12 =	vsub.f32 v12, v0;
	v5 =	vsub.f32 v5, v1;
	(erf) = vpow2.f32 v2  }
0x20f: {  	v18 =	vld [tilespmem:s21+$0x390];
	v11 =	vmul.f32 $1.442695020e+00, v11;
	v2 =	vpop (erf);
	v6 =	vsub.f32 v6, v1;
	(erf) = vpow2.f32 v10  }
0x210: {  	v12 =	vmul.f32 $1.442695020e+00, v12;
	v3 =	vpop (erf);
	v10 =	vld [tilespmem:s21+$0x0];
	v7 =	vsub.f32 v7, v1;
	(erf) = vpow2.f32 v13  }
0x211: {  	v17 =	vmul.f32 $1.442695020e+00, v4;
	v4 =	vpop (erf);
	v13 =	vld [tilespmem:s21+$0x80];
	v8 =	vsub.f32 v8, v0;
	(erf) = vpow2.f32 v14  }
0x212: {  	v19 =	vmul.f32 $1.442695020e+00, v5;
	v5 =	vpop (erf);
	v14 =	vld [tilespmem:s21+$0x100];
	v9 =	vsub.f32 v9, v0;
	(erf) = vpow2.f32 v15  }
0x213: {  	v30 =	vsub.f32 v30, v0;
	v20 =	vmul.f32 $1.442695020e+00, v6;
	v6 =	vpop (erf);
	v15 =	vld [tilespmem:s21+$0x180];
	(erf) = vpow2.f32 v11  }
0x214: {  	v21 =	vmul.f32 $1.442695020e+00, v7;
	v7 =	vpop (erf);
	v11 =	vsub.f32 v18, v0;
	v18 =	vld [tilespmem:s21+$0x90];
	(erf) = vpow2.f32 v12  }
0x215: {  	v22 =	vmul.f32 $1.442695020e+00, v8;
	v8 =	vpop (erf);
	v12 =	vsub.f32 v10, v1;
	(erf) = vpow2.f32 v17;
	v17 =	vld [tilespmem:s21+$0x110]  }
0x216: {  	v26 =	vld [tilespmem:s21+$0x190];
	v23 =	vmul.f32 $1.442695020e+00, v23;
	v24 =	vmul.f32 $1.442695020e+00, v9;
	v9 =	vpop (erf);
	v13 =	vsub.f32 v13, v1  }
0x217: {  	v32 =	vld [tilespmem:s21+$0xFFFFFF10];
	v25 =	vmul.f32 $1.442695020e+00, v11;
	(erf) = vpow2.f32 v19;
	v10 =	vpop (erf);
	v14 =	vsub.f32 v14, v1  }
0x218: {  	v19 =	vmul.f32 $1.442695020e+00, v12;
	(erf) = vpow2.f32 v20;
	v11 =	vpop (erf);
	v20 =	vld [tilespmem:s21+$0xFFFFFE00];
	v15 =	vsub.f32 v15, v1  }
0x219: {  	v27 =	vmul.f32 $1.442695020e+00, v13;
	(erf) = vpow2.f32 v21;
	v12 =	vpop (erf);
	v21 =	vld [tilespmem:s21+$0xFFFFFE80];
	v18 =	vsub.f32 v18, v0  }
0x21a: {  	v28 =	vmul.f32 $1.442695020e+00, v14;
	(erf) = vpow2.f32 v22;
	v13 =	vpop (erf);
	v17 =	vsub.f32 v17, v0  }
0x21b: {  	v52 =	vld [tilespmem:s21+$0xFFFFFF80];
	(erf) = vpow2.f32 v24;
	v14 =	vpop (erf);
	v31 =	vmul.f32 $1.442695020e+00, v18;
	v18 =	vsub.f32 v26, v0  }
0x21c: {  	v53 =	vld [tilespmem:s21+$0xFFFFFE90];
	v32 =	vsub.f32 v32, v0;
	v29 =	vmul.f32 $1.442695020e+00, v15;
	(erf) = vpow2.f32 v16;
	v15 =	vpop (erf)  }
0x21d: {  	v30 =	vmul.f32 $1.442695020e+00, v30;
	(erf) = vpow2.f32 v25;
	v16 =	vpop (erf);
	v20 =	vsub.f32 v20, v1  }
0x21e: {  	v56 =	vld [tilespmem:s21+$0xFFFFFC00];
	v54 =	vmul.f32 $1.442695020e+00, v17;
	(erf) = vpow2.f32 v19;
	v21 =	vsub.f32 v21, v1;
	v17 =	vpop (erf)  }
0x21f: {  	v22 =	vld [tilespmem:s21+$0xFFFFFF00];
	v33 =	vmul.f32 $1.442695020e+00, v18;
	(erf) = vpow2.f32 v27;
	v18 =	vpop (erf)  }
0x220: {  	v34 =	vld [tilespmem:s21+$0xFFFFFF90];
	v32 =	vmul.f32 $1.442695020e+00, v32;
	v24 =	vsub.f32 v52, v1;
	(erf) = vpow2.f32 v28;
	v19 =	vpop (erf)  }
0x221: {  	v25 =	vsub.f32 v53, v0;
	v55 =	vmul.f32 $1.442695020e+00, v20;
	(erf) = vpow2.f32 v29;
	v20 =	vpop (erf)  }
0x222: {  	v36 =	vld [tilespmem:s21+$0xFFFFFD00];
	v35 =	vmul.f32 $1.442695020e+00, v21;
	(erf) = vpow2.f32 v23;
	v21 =	vpop (erf)  }
0x223: {  	v38 =	vld [tilespmem:s21+$0xFFFFFC10];
	v37 =	vmul.f32 $1.442695020e+00, v24;
	(erf) = vpow2.f32 v31;
	v23 =	vpop (erf)  }
0x224: {  	v57 =	vld [tilespmem:s21+$0xFFFFFC80];
	v22 =	vsub.f32 v22, v1;
	v28 =	vsub.f32 v56, v1;
	(erf) = vpow2.f32 v54;
	v24 =	vpop (erf)  }
0x225: {  	v40 =	vld [tilespmem:s21+$0xFFFFFD10];
	v34 =	vsub.f32 v34, v0;
	v39 =	vmul.f32 $1.442695020e+00, v25;
	(erf) = vpow2.f32 v33;
	v25 =	vpop (erf)  }
0x226: {  	v58 =	vld [tilespmem:s21+$0xFFFFFD80];
	v22 =	vmul.f32 $1.442695020e+00, v22;
	(erf) = vpow2.f32 v55;
	v26 =	vpop (erf)  }
0x227: {  	v41 =	vld [tilespmem:s21+$0xFFFFFD90];
	v36 =	vsub.f32 v36, v1;
	v34 =	vmul.f32 $1.442695020e+00, v34;
	(erf) = vpow2.f32 v35;
	v27 =	vpop (erf)  }
0x228: {  	v59 =	vld [tilespmem:s21+$0xFFFFFC90];
	v38 =	vsub.f32 v38, v0;
	v60 =	vmul.f32 $1.442695020e+00, v28;
	(erf) = vpow2.f32 v22;
	v28 =	vpop (erf)  }
0x229: {  	v42 =	vld [tilespmem:s21+$0xFFFFFA80];
	v36 =	vmul.f32 $1.442695020e+00, v36;
	v29 =	vsub.f32 v57, v1;
	(erf) = vpow2.f32 v37;
	v37 =	vpop (erf)  }
0x22a: {  	v43 =	vld [tilespmem:s21+$0xFFFFFB00];
	v40 =	vsub.f32 v40, v0;
	v38 =	vmul.f32 $1.442695020e+00, v38;
	(erf) = vpow2.f32 v30;
	v30 =	vpop (erf)  }
0x22b: {  	v44 =	vld [tilespmem:s21+$0xFFFFFB80];
	v29 =	vmul.f32 $1.442695020e+00, v29;
	v31 =	vsub.f32 v58, v1;
	(erf) = vpow2.f32 v39;
	v39 =	vpop (erf)  }
0x22c: {  	v45 =	vld [tilespmem:s21+$0xFFFFFA10];
	v41 =	vsub.f32 v41, v0;
	v40 =	vmul.f32 $1.442695020e+00, v40;
	(erf) = vpow2.f32 v32;
	v32 =	vpop (erf)  }
0x22d: {  	v31 =	vmul.f32 $1.442695020e+00, v31;
	v33 =	vsub.f32 v59, v0;
	v22 =	vld [tilespmem:s21+$0xFFFFFA00];
	(erf) = vpow2.f32 v34;
	v34 =	vpop (erf)  }
0x22e: {  	v46 =	vld [tilespmem:s21+$0xFFFFFA90];
	v42 =	vsub.f32 v42, v1;
	v41 =	vmul.f32 $1.442695020e+00, v41;
	(erf) = vpow2.f32 v60;
	v61 =	vpop (erf)  }
0x22f: {  	v47 =	vld [tilespmem:s21+$0xFFFFFB10];
	v43 =	vsub.f32 v43, v1;
	v33 =	vmul.f32 $1.442695020e+00, v33;
	(erf) = vpow2.f32 v29;
	v29 =	vpop (erf)  }
0x230: {  	v48 =	vld [tilespmem:s21+$0xFFFFFB90];
	v44 =	vsub.f32 v44, v1;
	v42 =	vmul.f32 $1.442695020e+00, v42;
	(erf) = vpow2.f32 v36;
	v36 =	vpop (erf)  }
0x231: {  	v49 =	vld [tilespmem:s21+$0xFFFFF800];
	v45 =	vsub.f32 v45, v0;
	v43 =	vmul.f32 $1.442695020e+00, v43;
	(erf) = vpow2.f32 v31;
	v31 =	vpop (erf)  }
0x232: {  	v51 =	vld [tilespmem:s21+$0xFFFFF900];
	v44 =	vmul.f32 $1.442695020e+00, v44;
	v22 =	vsub.f32 v22, v1;
	(erf) = vpow2.f32 v38;
	v62 =	vpop (erf)  }
0x233: {  	v46 =	vsub.f32 v46, v0;
	v45 =	vmul.f32 $1.442695020e+00, v45;
	(erf) = vpow2.f32 v33;
	v33 =	vpop (erf)  }
0x234: {  	v47 =	vsub.f32 v47, v0;
	v22 =	vmul.f32 $1.442695020e+00, v22;
	(erf) = vpow2.f32 v40;
	v40 =	vpop (erf)  }
0x235: {  	v50 =	vld [tilespmem:s21+$0xFFFFF880];
	v48 =	vsub.f32 v48, v0;
	v46 =	vmul.f32 $1.442695020e+00, v46;
	(erf) = vpow2.f32 v41;
	v41 =	vpop (erf)  }
0x236: {  	v49 =	vsub.f32 v49, v1;
	v47 =	vmul.f32 $1.442695020e+00, v47;
	v52 =	vld [tilespmem:s21+$0xFFFFF980];
	(erf) = vpow2.f32 v22;
	v55 =	vpop (erf)  }
0x237: {  	v51 =	vsub.f32 v51, v1;
	v48 =	vmul.f32 $1.442695020e+00, v48;
	v53 =	vld [tilespmem:s21+$0xFFFFF810];
	(erf) = vpow2.f32 v42;
	v42 =	vpop (erf)  }
0x238: {  	v63 =	vld [tilespmem:s21+$0xFFFFF910];
	v49 =	vmul.f32 $1.442695020e+00, v49;
	(erf) = vpow2.f32 v43;
	v43 =	vpop (erf)  }
0x239: {  	v51 =	vmul.f32 $1.442695020e+00, v51;
	v54 =	vld [tilespmem:s21+$0xFFFFF890];
	(erf) = vpow2.f32 v44;
	v44 =	vpop (erf)  }
0x23a: {  	v4 =	vadd.f32 v5, v4;
	v56 =	vld [tilespmem:s21+$0xFFFFF990];
	v22 =	vsub.f32 v50, v1;
	(erf) = vpow2.f32 v45;
	v45 =	vpop (erf)  }
0x23b: {  	v5 =	vadd.f32 v7, v6;
	v52 =	vsub.f32 v52, v1;
	(erf) = vpow2.f32 v46;
	v46 =	vpop (erf)  }
0x23c: {  	v53 =	vsub.f32 v53, v0;
	v22 =	vmul.f32 $1.442695020e+00, v22;
	(erf) = vpow2.f32 v47;
	v47 =	vpop (erf)  }
0x23d: {  	v6 =	vadd.f32 v9, v8;
	v52 =	vmul.f32 $1.442695020e+00, v52;
	(erf) = vpow2.f32 v49;
	v49 =	vpop (erf)  }
0x23e: {  	v53 =	vmul.f32 $1.442695020e+00, v53;
	v54 =	vsub.f32 v54, v0;
	(erf) = vpow2.f32 v22;
	v57 =	vpop (erf)  }
0x23f: {  	v56 =	vsub.f32 v56, v0;
	v50 =	vsub.f32 v63, v0;
	(erf) = vpow2.f32 v51;
	v59 =	vpop (erf)  }
0x240: {  	v54 =	vmul.f32 $1.442695020e+00, v54;
	v22 =	vadd.f32 v3, v2;
	(erf) = vpow2.f32 v52;
	v2 =	vpop (erf)  }
0x241: {  	v7 =	vadd.f32 v11, v10;
	v50 =	vmul.f32 $1.442695020e+00, v50;
	(erf) = vpow2.f32 v53;
	v3 =	vpop (erf)  }
0x242: {  	v8 =	vadd.f32 v13, v12;
	v56 =	vmul.f32 $1.442695020e+00, v56;
	(erf) = vpow2.f32 v54;
	v60 =	vpop (erf)  }
0x243: {  	v9 =	vadd.f32 v15, v14;
	v10 =	vadd.f32 v17, v16;
	(erf) = vpow2.f32 v50;
	v15 =	vpop (erf)  }
0x244: {  	v11 =	vadd.f32 v19, v18;
	v12 =	vadd.f32 v21, v20;
	(erf) = vpow2.f32 v56;
	v16 =	vpop (erf)  }
0x245: {  	v13 =	vadd.f32 v24, v23;
	v14 =	vadd.f32 v26, v25;
	(erf) = vpow2.f32 v48;
	v17 =	vpop (erf)  }
0x246: {  	v18 =	vadd.f32 v28, v27;
	v19 =	vadd.f32 v30, v37;
	v20 =	vpop (erf)  }
0x247: {  	v21 =	vadd.f32 v32, v39;
	v23 =	vadd.f32 v61, v34;
	v61 =	vpop (erf)  }
0x248: {  	v25 =	vadd.f32 v36, v29;
	v26 =	vadd.f32 v62, v31;
	v62 =	vpop (erf)  }
0x249: {  	v63 =	vadd.f32 v40, v33;
	v40 =	vadd.f32 v55, v41;
	v41 =	vpop (erf)  }
0x24a: {  	v55 =	vadd.f32 v57, v49;
	v54 =	vadd.f32 v47, v46;
	v53 =	vpop (erf)  }
0x24b: {  	v2 =	vadd.f32 v2, v59;
	v50 =	vadd.f32 v45, v44;
	v56 =	vpop (erf)  }
0x24c: {  	v3 =	vadd.f32 v60, v3;
	v48 =	vadd.f32 v43, v42;
	v57 =	vpop (erf)  }
0x24d: {  	v20 =	vadd.f32 v61, v20;
	v58 =	vadd.f32 v41, v62;
	v59 =	vpop (erf)  }
0x24e: {  	v60 =	vadd.f32 v56, v53;
	v27 =	vadd.f32 v59, v57;
	v61 =	vpop (erf)  }
0x24f: {  	v15 =	vadd.f32 v16, v15;
	v16 =	vadd.f32 v61, v17  }
0x250: {  	v17 =	vadd.f32 v58, v20;
	v20 =	vadd.f32 v27, v60  }
0x251: {  	v2 =	vadd.f32 v3, v2;
	v62 =	vimm.f32 $0.0e+00;
	v3 =	vadd.f32 v16, v15  }
0x252: {  	v15 =	vadd.f32 v17, v62;
	v16 =	vadd.f32 v20, v62  }
0x253: {  	v17 =	vadd.f32 v50, v48;
	v20 =	vadd.f32 v55, v54  }
0x254: {  	v2 =	vadd.f32 v2, v15;
	v3 =	vadd.f32 v3, v16  }
0x255: {  	v63 =	vadd.f32 v40, v63;
	v15 =	vadd.f32 v26, v25  }
0x256: {  	v16 =	vadd.f32 v17, v2;
	v17 =	vadd.f32 v20, v3  }
0x257: {  	v2 =	vadd.f32 v23, v21;
	v3 =	vadd.f32 v19, v18  }
0x258: {  	s22 =	simm.s32 $0x11900;
	s21 =	simm.s32 $0x0;
	v16 =	vadd.f32 v15, v16;
	v15 =	vadd.f32 v63, v17  }
.LBB2_7:
0x259: {  	v17 =	vld [tilespmem:s22+$0x600];
	v11 =	vadd.f32 v12, v11;
	v12 =	vadd.f32 v14, v13  }
0x25a: {  	v13 =	vld [tilespmem:s22+$0x680];
	v3 =	vadd.f32 v3, v16;
	v2 =	vadd.f32 v2, v15  }
0x25b: {  	v7 =	vadd.f32 v8, v7;
	v8 =	vadd.f32 v10, v9;
	v14 =	vld [tilespmem:s22+$0x700]  }
0x25c: {  	v9 =	vld [tilespmem:s22+$0x780];
	v3 =	vadd.f32 v11, v3;
	v2 =	vadd.f32 v12, v2  }
0x25d: {  	v4 =	vadd.f32 v4, v22;
	v5 =	vadd.f32 v6, v5;
	v10 =	vld [tilespmem:s22+$0x610]  }
0x25e: {  	v6 =	vld [tilespmem:s22+$0x690];
	v3 =	vadd.f32 v7, v3;
	v7 =	vadd.f32 v8, v2  }
0x25f: {  	v8 =	vsub.f32 v17, v1;
	v11 =	vld [tilespmem:s22+$0x710]  }
0x260: {  	v12 =	vld [tilespmem:s22+$0x790];
	v2 =	vadd.f32 v4, v3;
	v3 =	vadd.f32 v5, v7  }
0x261: {  	v5 =	vsub.f32 v13, v1;
	v7 =	vsub.f32 v14, v1;
	v4 =	vld [tilespmem:s22+$0x400]  }
0x262: {  	v9 =	vsub.f32 v9, v1;
	v13 =	vld [tilespmem:s22+$0x480];
	v10 =	vsub.f32 v10, v0  }
0x263: {  	v8 =	vmul.f32 $1.442695020e+00, v8;
	v5 =	vmul.f32 $1.442695020e+00, v5;
	v14 =	vld [tilespmem:s22+$0x500];
	v6 =	vsub.f32 v6, v0  }
0x264: {  	v7 =	vmul.f32 $1.442695020e+00, v7;
	v9 =	vmul.f32 $1.442695020e+00, v9;
	v15 =	vld [tilespmem:s22+$0x580];
	v11 =	vsub.f32 v11, v0  }
0x265: {  	v10 =	vmul.f32 $1.442695020e+00, v10;
	v16 =	vld [tilespmem:s22+$0x410];
	v6 =	vmul.f32 $1.442695020e+00, v6;
	v12 =	vsub.f32 v12, v0  }
0x266: {  	v4 =	vsub.f32 v4, v1;
	v17 =	vld [tilespmem:s22+$0x490];
	v11 =	vmul.f32 $1.442695020e+00, v11;
	(erf) = vpow2.f32 v8  }
0x267: {  	v8 =	vsub.f32 v13, v1;
	v13 =	vld [tilespmem:s22+$0x510];
	v12 =	vmul.f32 $1.442695020e+00, v12;
	(erf) = vpow2.f32 v5  }
0x268: {  	v4 =	vmul.f32 $1.442695020e+00, v4;
	v5 =	vsub.f32 v14, v1;
	v14 =	vld [tilespmem:s22+$0x590];
	(erf) = vpow2.f32 v7  }
0x269: {  	v7 =	vld [tilespmem:s22+$0x200];
	v8 =	vmul.f32 $1.442695020e+00, v8;
	v15 =	vsub.f32 v15, v1;
	(erf) = vpow2.f32 v9  }
0x26a: {  	v9 =	vld [tilespmem:s22+$0x280];
	v5 =	vmul.f32 $1.442695020e+00, v5;
	v16 =	vsub.f32 v16, v0;
	(erf) = vpow2.f32 v10  }
0x26b: {  	v10 =	vld [tilespmem:s22+$0x300];
	v15 =	vmul.f32 $1.442695020e+00, v15;
	v17 =	vsub.f32 v17, v0;
	(erf) = vpow2.f32 v6  }
0x26c: {  	v6 =	vld [tilespmem:s22+$0x380];
	v16 =	vmul.f32 $1.442695020e+00, v16;
	v13 =	vsub.f32 v13, v0;
	(erf) = vpow2.f32 v11  }
0x26d: {  	v11 =	vld [tilespmem:s22+$0x210];
	v17 =	vmul.f32 $1.442695020e+00, v17;
	v14 =	vsub.f32 v14, v0;
	(erf) = vpow2.f32 v12  }
0x26e: {  	v7 =	vsub.f32 v7, v1;
	v12 =	vld [tilespmem:s22+$0x290];
	v13 =	vmul.f32 $1.442695020e+00, v13;
	(erf) = vpow2.f32 v4  }
0x26f: {  	v9 =	vsub.f32 v9, v1;
	v18 =	vld [tilespmem:s22+$0x310];
	v14 =	vmul.f32 $1.442695020e+00, v14;
	(erf) = vpow2.f32 v8;
	v4 =	vpop (erf)  }
0x270: {  	v19 =	vmul.f32 $1.442695020e+00, v7;
	v23 =	vsub.f32 v10, v1;
	v10 =	vld [tilespmem:s22+$0x390];
	(erf) = vpow2.f32 v5;
	v5 =	vpop (erf)  }
0x271: {  	v20 =	vld [tilespmem:s22+$0x0];
	v21 =	vmul.f32 $1.442695020e+00, v9;
	v24 =	vsub.f32 v6, v1;
	(erf) = vpow2.f32 v15;
	v6 =	vpop (erf)  }
0x272: {  	v15 =	vld [tilespmem:s22+$0x80];
	v22 =	vmul.f32 $1.442695020e+00, v23;
	v25 =	vsub.f32 v11, v0;
	(erf) = vpow2.f32 v16;
	v7 =	vpop (erf)  }
0x273: {  	v16 =	vld [tilespmem:s22+$0x100];
	v23 =	vmul.f32 $1.442695020e+00, v24;
	v27 =	vsub.f32 v12, v0;
	(erf) = vpow2.f32 v17;
	v8 =	vpop (erf)  }
0x274: {  	v17 =	vld [tilespmem:s22+$0x180];
	v24 =	vmul.f32 $1.442695020e+00, v25;
	v28 =	vsub.f32 v18, v0;
	(erf) = vpow2.f32 v13;
	v9 =	vpop (erf)  }
0x275: {  	v18 =	vld [tilespmem:s22+$0x10];
	v25 =	vmul.f32 $1.442695020e+00, v27;
	v29 =	vsub.f32 v10, v0;
	(erf) = vpow2.f32 v14;
	v10 =	vpop (erf)  }
0x276: {  	v30 =	vsub.f32 v20, v1;
	v20 =	vld [tilespmem:s22+$0x90];
	v26 =	vmul.f32 $1.442695020e+00, v28;
	(erf) = vpow2.f32 v19;
	v11 =	vpop (erf)  }
0x277: {  	v31 =	vsub.f32 v15, v1;
	v19 =	vld [tilespmem:s22+$0x110];
	v27 =	vmul.f32 $1.442695020e+00, v29;
	(erf) = vpow2.f32 v21;
	v12 =	vpop (erf)  }
0x278: {  	v21 =	vmul.f32 $1.442695020e+00, v30;
	v32 =	vsub.f32 v16, v1;
	v28 =	vld [tilespmem:s22+$0x190];
	(erf) = vpow2.f32 v22;
	v13 =	vpop (erf)  }
0x279: {  	v22 =	vld [tilespmem:s22+$0xFFFFFE00];
	v29 =	vmul.f32 $1.442695020e+00, v31;
	v33 =	vsub.f32 v17, v1;
	(erf) = vpow2.f32 v23;
	v14 =	vpop (erf)  }
0x27a: {  	v23 =	vld [tilespmem:s22+$0xFFFFFE80];
	v30 =	vmul.f32 $1.442695020e+00, v32;
	v34 =	vsub.f32 v18, v0;
	(erf) = vpow2.f32 v24;
	v15 =	vpop (erf)  }
0x27b: {  	v24 =	vld [tilespmem:s22+$0xFFFFFF00];
	v31 =	vmul.f32 $1.442695020e+00, v33;
	v20 =	vsub.f32 v20, v0;
	(erf) = vpow2.f32 v25;
	v16 =	vpop (erf)  }
0x27c: {  	v25 =	vld [tilespmem:s22+$0xFFFFFF80];
	v32 =	vmul.f32 $1.442695020e+00, v34;
	v34 =	vsub.f32 v19, v0;
	(erf) = vpow2.f32 v26;
	v17 =	vpop (erf)  }
0x27d: {  	v26 =	vld [tilespmem:s22+$0xFFFFFE10];
	v33 =	vmul.f32 $1.442695020e+00, v20;
	v36 =	vsub.f32 v28, v0;
	(erf) = vpow2.f32 v27;
	v18 =	vpop (erf)  }
0x27e: {  	v22 =	vsub.f32 v22, v1;
	v27 =	vld [tilespmem:s22+$0xFFFFFE90];
	v28 =	vmul.f32 $1.442695020e+00, v34;
	(erf) = vpow2.f32 v21;
	v19 =	vpop (erf)  }
0x27f: {  	v37 =	vsub.f32 v23, v1;
	v34 =	vld [tilespmem:s22+$0xFFFFFF10];
	v35 =	vmul.f32 $1.442695020e+00, v36;
	(erf) = vpow2.f32 v29;
	v20 =	vpop (erf)  }
0x280: {  	v22 =	vmul.f32 $1.442695020e+00, v22;
	v38 =	vsub.f32 v24, v1;
	v29 =	vld [tilespmem:s22+$0xFFFFFF90];
	(erf) = vpow2.f32 v30;
	v21 =	vpop (erf)  }
0x281: {  	v30 =	vld [tilespmem:s22+$0xFFFFFC00];
	v36 =	vmul.f32 $1.442695020e+00, v37;
	v39 =	vsub.f32 v25, v1;
	(erf) = vpow2.f32 v31;
	v23 =	vpop (erf)  }
0x282: {  	v31 =	vld [tilespmem:s22+$0xFFFFFC80];
	v37 =	vmul.f32 $1.442695020e+00, v38;
	v40 =	vsub.f32 v26, v0;
	(erf) = vpow2.f32 v32;
	v24 =	vpop (erf)  }
0x283: {  	v32 =	vld [tilespmem:s22+$0xFFFFFD00];
	v38 =	vmul.f32 $1.442695020e+00, v39;
	v42 =	vsub.f32 v27, v0;
	(erf) = vpow2.f32 v33;
	v25 =	vpop (erf)  }
0x284: {  	v33 =	vld [tilespmem:s22+$0xFFFFFD80];
	v39 =	vmul.f32 $1.442695020e+00, v40;
	v34 =	vsub.f32 v34, v0;
	(erf) = vpow2.f32 v28;
	v26 =	vpop (erf)  }
0x285: {  	v40 =	vld [tilespmem:s22+$0xFFFFFC10];
	v41 =	vmul.f32 $1.442695020e+00, v42;
	v44 =	vsub.f32 v29, v0;
	(erf) = vpow2.f32 v35;
	v27 =	vpop (erf)  }
0x286: {  	v45 =	vsub.f32 v30, v1;
	v35 =	vld [tilespmem:s22+$0xFFFFFC90];
	v34 =	vmul.f32 $1.442695020e+00, v34;
	(erf) = vpow2.f32 v22;
	v28 =	vpop (erf)  }
0x287: {  	v22 =	vsub.f32 v31, v1;
	v42 =	vld [tilespmem:s22+$0xFFFFFD10];
	v43 =	vmul.f32 $1.442695020e+00, v44;
	(erf) = vpow2.f32 v36;
	v29 =	vpop (erf)  }
0x288: {  	v36 =	vmul.f32 $1.442695020e+00, v45;
	v46 =	vsub.f32 v32, v1;
	v44 =	vld [tilespmem:s22+$0xFFFFFD90];
	(erf) = vpow2.f32 v37;
	v30 =	vpop (erf)  }
0x289: {  	v37 =	vld [tilespmem:s22+$0xFFFFFA00];
	v22 =	vmul.f32 $1.442695020e+00, v22;
	v47 =	vsub.f32 v33, v1;
	(erf) = vpow2.f32 v38;
	v31 =	vpop (erf)  }
0x28a: {  	v38 =	vld [tilespmem:s22+$0xFFFFFA80];
	v45 =	vmul.f32 $1.442695020e+00, v46;
	v40 =	vsub.f32 v40, v0;
	(erf) = vpow2.f32 v39;
	v32 =	vpop (erf)  }
0x28b: {  	v39 =	vld [tilespmem:s22+$0xFFFFFB00];
	v46 =	vmul.f32 $1.442695020e+00, v47;
	v49 =	vsub.f32 v35, v0;
	(erf) = vpow2.f32 v41;
	v33 =	vpop (erf)  }
0x28c: {  	v41 =	vld [tilespmem:s22+$0xFFFFFB80];
	v40 =	vmul.f32 $1.442695020e+00, v40;
	v42 =	vsub.f32 v42, v0;
	(erf) = vpow2.f32 v34;
	v34 =	vpop (erf)  }
0x28d: {  	v47 =	vld [tilespmem:s22+$0xFFFFFA10];
	v48 =	vmul.f32 $1.442695020e+00, v49;
	v44 =	vsub.f32 v44, v0;
	(erf) = vpow2.f32 v43;
	v35 =	vpop (erf)  }
0x28e: {  	v43 =	vsub.f32 v37, v1;
	v49 =	vld [tilespmem:s22+$0xFFFFFA90];
	v42 =	vmul.f32 $1.442695020e+00, v42;
	(erf) = vpow2.f32 v36;
	v36 =	vpop (erf)  }
0x28f: {  	v38 =	vsub.f32 v38, v1;
	v50 =	vld [tilespmem:s22+$0xFFFFFB10];
	v44 =	vmul.f32 $1.442695020e+00, v44;
	(erf) = vpow2.f32 v22;
	v37 =	vpop (erf)  }
0x290: {  	v22 =	vmul.f32 $1.442695020e+00, v43;
	v39 =	vsub.f32 v39, v1;
	v43 =	vld [tilespmem:s22+$0xFFFFFB90];
	(erf) = vpow2.f32 v45;
	v45 =	vpop (erf)  }
0x291: {  	v51 =	vld [tilespmem:s22+$0xFFFFF800];
	v38 =	vmul.f32 $1.442695020e+00, v38;
	v41 =	vsub.f32 v41, v1;
	(erf) = vpow2.f32 v46;
	v46 =	vpop (erf)  }
0x292: {  	v52 =	vld [tilespmem:s22+$0xFFFFF880];
	v39 =	vmul.f32 $1.442695020e+00, v39;
	v47 =	vsub.f32 v47, v0;
	(erf) = vpow2.f32 v40;
	v40 =	vpop (erf)  }
0x293: {  	v53 =	vld [tilespmem:s22+$0xFFFFF900];
	v41 =	vmul.f32 $1.442695020e+00, v41;
	v49 =	vsub.f32 v49, v0;
	(erf) = vpow2.f32 v48;
	v48 =	vpop (erf)  }
0x294: {  	v54 =	vld [tilespmem:s22+$0xFFFFF980];
	v47 =	vmul.f32 $1.442695020e+00, v47;
	v50 =	vsub.f32 v50, v0;
	(erf) = vpow2.f32 v42;
	v42 =	vpop (erf)  }
0x295: {  	v55 =	vld [tilespmem:s22+$0xFFFFF810];
	v49 =	vmul.f32 $1.442695020e+00, v49;
	v43 =	vsub.f32 v43, v0;
	(erf) = vpow2.f32 v44;
	v44 =	vpop (erf)  }
0x296: {  	v51 =	vsub.f32 v51, v1;
	v56 =	vld [tilespmem:s22+$0xFFFFF890];
	v50 =	vmul.f32 $1.442695020e+00, v50;
	(erf) = vpow2.f32 v22;
	v57 =	vpop (erf)  }
0x297: {  	v22 =	vsub.f32 v52, v1;
	v52 =	vld [tilespmem:s22+$0xFFFFF910];
	v43 =	vmul.f32 $1.442695020e+00, v43;
	(erf) = vpow2.f32 v38;
	v38 =	vpop (erf)  }
0x298: {  	v51 =	vmul.f32 $1.442695020e+00, v51;
	v53 =	vsub.f32 v53, v1;
	v58 =	vld [tilespmem:s22+$0xFFFFF990];
	(erf) = vpow2.f32 v39;
	v39 =	vpop (erf)  }
0x299: {  	v22 =	vmul.f32 $1.442695020e+00, v22;
	v54 =	vsub.f32 v54, v1;
	(erf) = vpow2.f32 v41;
	v41 =	vpop (erf)  }
0x29a: {  	v53 =	vmul.f32 $1.442695020e+00, v53;
	v55 =	vsub.f32 v55, v0;
	(erf) = vpow2.f32 v47;
	v47 =	vpop (erf)  }
0x29b: {  	s21 =	sadd.s32 $0x2, s21;
	v54 =	vmul.f32 $1.442695020e+00, v54;
	v56 =	vsub.f32 v56, v0;
	(erf) = vpow2.f32 v49;
	v49 =	vpop (erf)  }
0x29c: {  	p0 =	slt.u32 s21, $0xE;
	v55 =	vmul.f32 $1.442695020e+00, v55;
	v52 =	vsub.f32 v52, v0;
	(erf) = vpow2.f32 v50;
	v50 =	vpop (erf)  }
0x29d: {  	v56 =	vmul.f32 $1.442695020e+00, v56;
	v58 =	vsub.f32 v58, v0;
	(erf) = vpow2.f32 v51;
	v51 =	vpop (erf)  }
0x29e: {  	v52 =	vmul.f32 $1.442695020e+00, v52;
	(erf) = vpow2.f32 v22;
	v59 =	vpop (erf)  }
0x29f: {  	v58 =	vmul.f32 $1.442695020e+00, v58;
	(erf) = vpow2.f32 v53;
	v53 =	vpop (erf)  }
0x2a0: {  	v22 =	vadd.f32 v5, v4;
	v4 =	vadd.f32 v7, v6;
	(erf) = vpow2.f32 v54;
	v54 =	vpop (erf)  }
0x2a1: {  	v5 =	vadd.f32 v9, v8;
	v6 =	vadd.f32 v11, v10;
	(erf) = vpow2.f32 v55;
	v55 =	vpop (erf)  }
0x2a2: {  	v7 =	vadd.f32 v13, v12;
	v8 =	vadd.f32 v15, v14;
	(erf) = vpow2.f32 v56;
	v15 =	vpop (erf)  }
0x2a3: {  	v9 =	vadd.f32 v17, v16;
	v10 =	vadd.f32 v19, v18;
	(erf) = vpow2.f32 v52;
	v16 =	vpop (erf)  }
0x2a4: {  	v11 =	vadd.f32 v21, v20;
	v12 =	vadd.f32 v24, v23;
	(erf) = vpow2.f32 v58;
	v17 =	vpop (erf)  }
0x2a5: {  	v13 =	vadd.f32 v26, v25;
	v14 =	vadd.f32 v28, v27;
	v18 =	vpop (erf);
	(erf) = vpow2.f32 v43  }
0x2a6: {  	v19 =	vadd.f32 v30, v29;
	v20 =	vadd.f32 v32, v31;
	v21 =	vpop (erf)  }
0x2a7: {  	v23 =	vadd.f32 v34, v33;
	v24 =	vadd.f32 v36, v35;
	v25 =	vpop (erf)  }
0x2a8: {  	v26 =	vadd.f32 v45, v37;
	v27 =	vadd.f32 v40, v46;
	v28 =	vpop (erf)  }
0x2a9: {  	v29 =	vadd.f32 v42, v48;
	v30 =	vadd.f32 v57, v44;
	v31 =	vpop (erf)  }
0x2aa: {  	v32 =	vadd.f32 v39, v38;
	v33 =	vadd.f32 v47, v41;
	v34 =	vpop (erf)  }
0x2ab: {  	v35 =	vadd.f32 v50, v49;
	v36 =	vadd.f32 v59, v51;
	v37 =	vpop (erf)  }
0x2ac: {  	v38 =	vadd.f32 v54, v53;
	v15 =	vadd.f32 v15, v55;
	v39 =	vpop (erf)  }
0x2ad: {  	v21 =	vadd.f32 v25, v21;
	v25 =	vadd.f32 v31, v28;
	v28 =	vpop (erf)  }
0x2ae: {  	v31 =	vadd.f32 v37, v34;
	v28 =	vadd.f32 v28, v39;
	v34 =	vpop (erf)  }
0x2af: {  	v16 =	vadd.f32 v17, v16;
	v17 =	vadd.f32 v34, v18  }
0x2b0: {  	v18 =	vadd.f32 v25, v21;
	v21 =	vadd.f32 v28, v31  }
0x2b1: {  	v15 =	vadd.f32 v15, v38;
	v16 =	vadd.f32 v17, v16  }
0x2b2: {  	v2 =	vadd.f32 v18, v2;
	v3 =	vadd.f32 v21, v3  }
0x2b3: {  	v17 =	vadd.f32 v33, v32;
	v18 =	vadd.f32 v36, v35  }
.Ltmp2:
0x2b4: {  	v2 =	vadd.f32 v15, v2;
	v3 =	vadd.f32 v16, v3;
	(pc) =	sbr.rel @p0 .LBB2_7-.Ltmp2, $4  }
0x2b5: {  	v21 =	vadd.f32 v30, v29;
	v15 =	vadd.f32 v27, v26  }
0x2b6: {  	v16 =	vadd.f32 v17, v2;
	v17 =	vadd.f32 v18, v3  }
0x2b7: {  	v2 =	vadd.f32 v24, v23;
	v3 =	vadd.f32 v20, v19  }
0x2b8: {  	s22 =	sadd.s32 $0x1000, s22;
	v16 =	vadd.f32 v15, v16;
	v15 =	vadd.f32 v21, v17  }
0x2b9: {  	_ = 	snop  }
0x2ba: {  	v11 =	vadd.f32 v12, v11;
	v3 =	vadd.f32 v3, v16  }
0x2bb: {  	v61 =	vadd.f32 v14, v13;
	v2 =	vadd.f32 v2, v15  }
0x2bc: {  	v7 =	vadd.f32 v8, v7;
	v3 =	vadd.f32 v11, v3  }
0x2bd: {  	v62 =	vadd.f32 v10, v9;
	s19 =	sadd.s32 $0x1, s19;
	v2 =	vadd.f32 v61, v2  }
0x2be: {  	v4 =	vadd.f32 v4, v22;
	p0 =	sne.s32 s19, $0x20;
	v3 =	vadd.f32 v7, v3  }
.Ltmp3:
0x2bf: {  	v5 =	vadd.f32 v6, v5;
	v2 =	vadd.f32 v62, v2;
	(pc) =	sbr.rel @p0 .LBB2_4-.Ltmp3, $4  }
0x2c0: {  	[tilespmem:s20+$0xE100] =	vst v1;
	v3 =	vadd.f32 v4, v3  }
0x2c1: {  	[tilespmem:s20+$0xE110] =	vst v0;
	v63 =	vadd.f32 v5, v2  }
0x2c2: {  	[tilespmem:s20+$0xF100] =	vst v3  }
0x2c3: {  	[tilespmem:s20+$0xF110] =	vst v63  }
0x2c4: {  	[hbm4b:s8+s5] =	stream.linear.scatter [tilespmem:s16], [sflag:$0x1], $0x1000, $0x38;
	[tilespmem:$0x18100] =	vst v63  }
0x2c5: {  	s18 =	sadd.s32 $0x1, s18;
	_ =	swait.ge [sflag:s12], $0x1000  }
0x2c6: {  	p0 =	sne.s32 s18, s10;
	[sflag:s12] =	ssyncset.done $0x0  }
.Ltmp4:
0x2c7: {  	[sflag:s12] =	ssyncadd.s32 $0xFFFFF000;
	(pc) =	sbr.rel @p0 .LBB2_1-.Ltmp4, $4  }
0x2c8: {  	[hbm4b:s9+s5] =	stream.linear.scatter [tilespmem:s17], [sflag:$0x1], $0x1000, $0x38;
	[tilespmem:$0x18100] =	vst v63  }
0x2c9: {  	_ =	swait.ge [sflag:s12], $0x1000  }
0x2ca: {  	[sflag:s12] =	ssyncset.done $0x0  }
0x2cb: {  	[sflag:s12] =	ssyncadd.s32 $0xFFFFF000  }
0x2cc: {  	_ =	sfence.sel $0x180000  }
0x2cd: {  	[bflag:$0x0] =	sbarrier.arrive $0xFFFF  }
0x2ce: {  	p0 =	sne.s32 s4, $0x0;
	_ =	strace $0x90000047  }
0x2cf: {  	s0 =	sadd.s32 @!p0 $0x100000, s0;
	[bflag:$0x2] =	sbarrier.arrive $0xFFFF  }
0x2d0: {  	[sflag:s0] =	ssyncadd.tile.s32 @!p0 $0x1;
	_ =	shalt  }
.Lfunc_end2:
_tile_overlayer_lowered:
.L_overlay_start_2:
0x2d1: {  	(tag) =	ssettag $0x2  }
0x2d2: {  	s0 =	rddreg [dreg:$0x0];
	s2 =	stileid.u32  }
0x2d3: {  	s1 =	rddreg [dreg:$0x1];
	p0 =	sne.s32 s2, $0x0  }
0x2d4: {  	s3 =	rddreg [dreg:$0x2];
	[bflag:$0x3] =	sbarrier.arrive $0xFFFF;
	s2 =	simm.s32 @!p0 $0x1C01  }
0x2d5: {  	[timem:s3], [sflag:s2] =	dma.local @!p0 [hbm:s0], s1  }
0x2d6: {  	s0 =	simm.s32 @!p0 $0x1  }
0x2d7: {  	_ =	swait.ge @!p0 [sflag:s0], s1  }
0x2d8: {  	s1 =	ssub.s32 @!p0 $0x0, s1;
	[sflag:s0] =	ssyncset.done @!p0 $0x0  }
0x2d9: {  	[sflag:s0] =	ssyncadd.s32 @!p0 s1  }
0x2da: {  	[bflag:$0x3] =	sbarrier.arrive $0xFFFF  }
0x2db: {  	_ =	shalt  }

</sc_bundles>
